<compile_context>
chip_gen: v7x
topology: tpu7x:2x2x1
jax: 0.10.2.dev20260603
libtpu: 0.0.44.dev20260713+nightly
codegen_flags: <defaults>
</compile_context>

<pallas_src>
import math

import jax
import jax.numpy as jnp
from jax import lax
from jax.experimental import pallas as pl
from jax.experimental.pallas import tpu as pltpu
import jax.experimental.pallas.tpu_sc as plsc

_NC = 2
_NS = 16
_DW = 128


def _pick_chunk(edges_per_worker):
    k = 0
    for cand in range(8, 129, 8):
        if edges_per_worker % cand == 0:
            k = cand
    return k


def _sc_mesh():
    return plsc.VectorSubcoreMesh(core_axis_name="c", subcore_axis_name="s",
                                  num_cores=_NC, num_subcores=_NS)


def _make_sc_aggregate(NP, H, CH, K):
    RPT = NP // _NS

    def body(h_hbm, pk_hbm, znh_hbm, agg_out,
             pkc0, pkc1, pkc2, srcc0, srcc1, srcc2, dstc0, dstc1, dstc2,
             rows0, rows1, rows2, aggsp,
             sem_i0, sem_i1, sem_i2, sem_g0, sem_g1, sem_g2,
             sem_s0, sem_s1, sem_s2, sem_z):
        c = lax.axis_index("c")
        s = lax.axis_index("s")
        wid = c * _NS + s
        base = wid * CH
        pkc = (pkc0, pkc1, pkc2)
        srcc = (srcc0, srcc1, srcc2)
        dstc = (dstc0, dstc1, dstc2)
        rows = (rows0, rows1, rows2)
        sem_i = (sem_i0, sem_i1, sem_i2)
        sem_g = (sem_g0, sem_g1, sem_g2)
        sem_s = (sem_s0, sem_s1, sem_s2)

        zcp = pltpu.async_copy(znh_hbm.at[pl.ds(s * RPT, RPT)],
                               aggsp.at[pl.ds(s * RPT, RPT)], sem_z)

        def fire_idx(t, b):
            pltpu.async_copy(pk_hbm.at[base + t], pkc[b], sem_i[b])

        def wait_idx(b):
            pltpu.make_async_copy(pk_hbm.at[base], pkc[b], sem_i[b]).wait()

        def unpack(b):
            for t in range(K // 16):
                v = pkc[b][pl.ds(t * 16, 16)]
                srcc[b][pl.ds(t * 16, 16)] = lax.bitwise_and(v, 0xFFFF)
                dstc[b][pl.ds(t * 16, 16)] = lax.shift_right_logical(v, 16)

        def fire_gather(b):
            pltpu.async_copy(h_hbm.at[srcc[b]], rows[b], sem_g[b])

        def wait_gather(b):
            pltpu.make_async_copy(h_hbm.at[srcc[b]], rows[b], sem_g[b]).wait()

        def fire_scatter(b):
            pltpu.async_copy(rows[b], aggsp.at[dstc[b]], sem_s[b], add=True)

        def wait_scatter(b):
            pltpu.make_async_copy(rows[b], aggsp.at[dstc[b]], sem_s[b]).wait()

        for t in range(3):
            fire_idx(t, t)
        wait_idx(0)
        unpack(0)
        wait_idx(1)
        unpack(1)
        fire_gather(0)
        fire_gather(1)
        zcp.wait()
        plsc.subcore_barrier()

        @pl.loop(0, CH, step=3)
        def _chunk(j):
            for b in range(3):
                jj = j + b
                b2 = (b + 2) % 3

                @pl.when(jj < CH)
                def _():
                    wait_gather(b)
                    fire_scatter(b)

                    @pl.when(jj >= 1)
                    def _():
                        wait_scatter(b2)

                    @pl.when(jj + 2 < CH)
                    def _():
                        wait_idx(b2)
                        unpack(b2)
                        fire_gather(b2)

                    @pl.when(jj + 3 < CH)
                    def _():
                        fire_idx(jj + 3, b)

        wait_scatter((CH - 1) % 3)

        plsc.subcore_barrier()
        pltpu.sync_copy(aggsp.at[pl.ds(s * RPT, RPT)],
                        agg_out.at[c, pl.ds(s * RPT, RPT)])

    return pl.kernel(
        body,
        out_type=jax.ShapeDtypeStruct((_NC, NP, H), jnp.float32),
        mesh=_sc_mesh(),
        scratch_types=(
            pltpu.VMEM((K,), jnp.int32),
            pltpu.VMEM((K,), jnp.int32),
            pltpu.VMEM((K,), jnp.int32),
            pltpu.VMEM((K,), jnp.int32),
            pltpu.VMEM((K,), jnp.int32),
            pltpu.VMEM((K,), jnp.int32),
            pltpu.VMEM((K,), jnp.int32),
            pltpu.VMEM((K,), jnp.int32),
            pltpu.VMEM((K,), jnp.int32),
            pltpu.VMEM((K, H), jnp.float32),
            pltpu.VMEM((K, H), jnp.float32),
            pltpu.VMEM((K, H), jnp.float32),
            pltpu.VMEM_SHARED((NP, H), jnp.float32),
            pltpu.SemaphoreType.DMA,
            pltpu.SemaphoreType.DMA,
            pltpu.SemaphoreType.DMA,
            pltpu.SemaphoreType.DMA,
            pltpu.SemaphoreType.DMA,
            pltpu.SemaphoreType.DMA,
            pltpu.SemaphoreType.DMA,
            pltpu.SemaphoreType.DMA,
            pltpu.SemaphoreType.DMA,
            pltpu.SemaphoreType.DMA,
        ))


def _make_sc_degree(NP, CH, K):
    RPT = NP // _NS

    W = 4

    def body(dst_hbm, znd_hbm, ones_hbm, deg_out, dstv, onesv, degsp,
             sem_s, sem_z):
        c = lax.axis_index("c")
        s = lax.axis_index("s")
        wid = c * _NS + s
        zcp = pltpu.async_copy(znd_hbm.at[pl.ds(s * RPT, RPT)],
                               degsp.at[pl.ds(s * RPT, RPT)], sem_z)
        pltpu.sync_copy(dst_hbm.at[wid], dstv)
        pltpu.sync_copy(ones_hbm, onesv)
        zcp.wait()
        plsc.subcore_barrier()

        @pl.loop(0, CH)
        def _chunk(j):
            pltpu.async_copy(onesv, degsp.at[dstv.at[j]], sem_s, add=True)

            @pl.when(j >= W)
            def _():
                pltpu.make_async_copy(onesv, degsp.at[dstv.at[0]],
                                      sem_s).wait()

        @pl.loop(0, min(W, CH))
        def _drain(j):
            pltpu.make_async_copy(onesv, degsp.at[dstv.at[0]], sem_s).wait()

        plsc.subcore_barrier()
        pltpu.sync_copy(degsp.at[pl.ds(s * RPT, RPT)],
                        deg_out.at[c, pl.ds(s * RPT, RPT)])

    return pl.kernel(
        body,
        out_type=jax.ShapeDtypeStruct((_NC, NP, _DW), jnp.float32),
        mesh=_sc_mesh(),
        scratch_types=(
            pltpu.VMEM((CH, K), jnp.int32),
            pltpu.VMEM((K, _DW), jnp.float32),
            pltpu.VMEM_SHARED((NP, _DW), jnp.float32),
            pltpu.SemaphoreType.DMA,
            pltpu.SemaphoreType.DMA,
        ))


def _enc_body(x_ref, w_ref, b_ref, o_ref):
    o_ref[...] = jnp.maximum(
        jnp.dot(x_ref[...], w_ref[...], preferred_element_type=jnp.float32)
        + b_ref[...], 0.0)


def _tc_encode(x, w, b, R):
    N, D = x.shape
    H = w.shape[1]
    return pl.pallas_call(
        _enc_body,
        grid=(N // R,),
        in_specs=[
            pl.BlockSpec((R, D), lambda i: (i, 0)),
            pl.BlockSpec((D, H), lambda i: (0, 0)),
            pl.BlockSpec((1, H), lambda i: (0, 0)),
        ],
        out_specs=pl.BlockSpec((R, H), lambda i: (i, 0)),
        out_shape=jax.ShapeDtypeStruct((N, H), jnp.float32),
    )(x, w, b.reshape(1, H))


def _gnn_update(h_ref, a0_ref, a1_ref, d0_ref, d1_ref, ws_ref, wn_ref, b_ref):
    deg = jnp.maximum(d0_ref[...][:, :1] + d1_ref[...][:, :1], 1.0)
    agg = (a0_ref[...] + a1_ref[...]) / deg
    return jnp.maximum(
        jnp.dot(h_ref[...], ws_ref[...], preferred_element_type=jnp.float32)
        + jnp.dot(agg, wn_ref[...], preferred_element_type=jnp.float32)
        + b_ref[...], 0.0)


def _layer_body(h_ref, a0_ref, a1_ref, d0_ref, d1_ref, ws_ref, wn_ref, b_ref,
                o_ref):
    o_ref[...] = _gnn_update(h_ref, a0_ref, a1_ref, d0_ref, d1_ref,
                             ws_ref, wn_ref, b_ref)


def _layer_specs(R, H):
    return [
        pl.BlockSpec((R, H), lambda i: (i, 0)),
        pl.BlockSpec((R, H), lambda i: (i, 0)),
        pl.BlockSpec((R, H), lambda i: (i, 0)),
        pl.BlockSpec((R, _DW), lambda i: (i, 0)),
        pl.BlockSpec((R, _DW), lambda i: (i, 0)),
        pl.BlockSpec((H, H), lambda i: (0, 0)),
        pl.BlockSpec((H, H), lambda i: (0, 0)),
        pl.BlockSpec((1, H), lambda i: (0, 0)),
    ]


def _tc_layer(h, aggp, degp, ws, wn, b, R):
    N, H = h.shape
    return pl.pallas_call(
        _layer_body,
        grid=(N // R,),
        in_specs=_layer_specs(R, H),
        out_specs=pl.BlockSpec((R, H), lambda i: (i, 0)),
        out_shape=jax.ShapeDtypeStruct((N, H), jnp.float32),
    )(h, aggp[0], aggp[1], degp[0], degp[1], ws, wn, b.reshape(1, H))


def _final_body(h_ref, a0_ref, a1_ref, d0_ref, d1_ref, ws_ref, wn_ref, b_ref,
                ad_ref, wad_ref, bad_ref, mk_ref, o_ref):
    h3 = _gnn_update(h_ref, a0_ref, a1_ref, d0_ref, d1_ref,
                     ws_ref, wn_ref, b_ref)
    H = h3.shape[1]
    ad = jnp.maximum(
        jnp.dot(ad_ref[...], wad_ref[...], preferred_element_type=jnp.float32)
        + bad_ref[...], 0.0)
    logits = lax.dot_general(ad, h3, (((1,), (1,)), ((), ())),
                             preferred_element_type=jnp.float32)
    logits = logits * (1.0 / math.sqrt(H))
    o_ref[...] = jnp.where(mk_ref[...][0] > 0.0, logits,
                           jnp.float32(-1e9))[None]


def _tc_final(h, aggp, degp, ws, wn, b, ad, wad, bad, mask_f, R):
    N, H = h.shape
    A = ad.shape[1]
    G = N // R
    specs = _layer_specs(R, H) + [
        pl.BlockSpec((1, A), lambda i: (0, 0)),
        pl.BlockSpec((A, H), lambda i: (0, 0)),
        pl.BlockSpec((1, H), lambda i: (0, 0)),
        pl.BlockSpec((1, 1, R), lambda i: (i, 0, 0)),
    ]
    out = pl.pallas_call(
        _final_body,
        grid=(G,),
        in_specs=specs,
        out_specs=pl.BlockSpec((1, 1, R), lambda i: (i, 0, 0)),
        out_shape=jax.ShapeDtypeStruct((G, 1, R), jnp.float32),
    )(h, aggp[0], aggp[1], degp[0], degp[1], ws, wn, b.reshape(1, H),
      ad, wad, bad.reshape(1, H), mask_f.reshape(G, 1, R))
    return out.reshape(N)


def kernel(graph_nodes, graph_edge_links, mask, current_ad, W_enc, b_enc,
           W_self1, W_nbr1, b1, W_self2, W_nbr2, b2, W_ad, b_ad):
    B, N, D = graph_nodes.shape
    H = W_enc.shape[1]
    E = graph_edge_links.shape[2]
    NW = _NC * _NS
    assert E % NW == 0 and N % _NS == 0
    EW = E // NW
    K = _pick_chunk(EW)
    CH = EW // K
    R = 2000 if N % 2000 == 0 else 8
    NP = ((N + 127) // 128) * 128

    znh = jnp.zeros((NP, H), jnp.float32)
    znd = jnp.zeros((NP, _DW), jnp.float32)
    ones = jnp.ones((K, _DW), jnp.float32)

    sc_agg = _make_sc_aggregate(NP, H, CH, K)
    sc_deg = _make_sc_degree(NP, CH, K)

    outs = []
    for bi in range(B):
        x = graph_nodes[bi]
        src = graph_edge_links[bi, 0]
        dst = graph_edge_links[bi, 1]
        dst2 = dst.reshape(NW, CH, K)
        pk2 = (src | (dst << 16)).reshape(E // K, K)
        mask_f = mask[bi].astype(jnp.float32)

        h1 = _tc_encode(x, W_enc, b_enc, R)
        degp = sc_deg(dst2, znd, ones)
        aggp1 = sc_agg(h1, pk2, znh)
        h2 = _tc_layer(h1, aggp1, degp, W_self1, W_nbr1, b1, R)
        aggp2 = sc_agg(h2, pk2, znh)
        logits = _tc_final(h2, aggp2, degp, W_self2, W_nbr2, b2,
                           current_ad[bi:bi + 1], W_ad, b_ad, mask_f, R)
        outs.append(logits)
    return jnp.stack(outs, axis=0)

# --- scband reference (transcript-rebuilt; emitter-appended) ---
"""Pipeline reference for scband-billboard-allocator-gnn-1623497638440 (READ-ONLY COPY).

The authoritative reference and input builder live on the scoring server;
editing this copy changes nothing except your own understanding.
"""

import jax, jax.numpy as jnp
import numpy as np

B, N, E, D, A, H = 1, 10000, 320000, 128, 16, 128

def setup_inputs(seed: int = 0) -> dict:
    key = jax.random.key(seed)
    ks = jax.random.split(key, 14)
    inp = {}
    inp['graph_nodes'] = jax.random.normal(ks[0], (B, N, D), dtype=jnp.float32)
    inp['graph_edge_links'] = jax.random.randint(ks[1], (B, 2, E), 0, N, dtype=jnp.int32)
    inp['mask'] = jnp.ones((B, N), dtype=bool)
    inp['current_ad'] = jax.random.normal(ks[2], (B, A), dtype=jnp.float32)
    s_in = 1.0 / np.sqrt(D)
    s_h = 1.0 / np.sqrt(H)
    s_a = 1.0 / np.sqrt(A)
    inp['W_enc'] = jax.random.normal(ks[3], (D, H), dtype=jnp.float32) * s_in
    inp['b_enc'] = jnp.zeros((H,), dtype=jnp.float32)
    inp['W_self1'] = jax.random.normal(ks[4], (H, H), dtype=jnp.float32) * s_h
    inp['W_nbr1'] = jax.random.normal(ks[5], (H, H), dtype=jnp.float32) * s_h
    inp['b1'] = jnp.zeros((H,), dtype=jnp.float32)
    inp['W_self2'] = jax.random.normal(ks[6], (H, H), dtype=jnp.float32) * s_h
    inp['W_nbr2'] = jax.random.normal(ks[7], (H, H), dtype=jnp.float32) * s_h
    inp['b2'] = jnp.zeros((H,), dtype=jnp.float32)
    inp['W_ad'] = jax.random.normal(ks[8], (A, H), dtype=jnp.float32) * s_a
    inp['b_ad'] = jnp.zeros((H,), dtype=jnp.float32)
    return inp

def reference(graph_nodes, graph_edge_links, mask, current_ad, W_enc, b_enc, W_self1, W_nbr1, b1, W_self2, W_nbr2, b2, W_ad, b_ad):
    # Billboard allocator GNN in 'na' mode: encode billboard nodes, run 2 rounds of
    # mean-aggregated message passing over the billboard graph, embed the current ad,
    # score each billboard against the ad, and apply the availability mask.
    n_nodes = graph_nodes.shape[1]
    outs = []
    for bi in range(graph_nodes.shape[0]):
        x = graph_nodes[bi]
        src = graph_edge_links[bi, 0]
        dst = graph_edge_links[bi, 1]
        h = jax.nn.relu(x @ W_enc + b_enc)
        deg = jax.ops.segment_sum(jnp.ones((src.shape[0], 1), jnp.float32), dst, num_segments=n_nodes)
        deg = jnp.maximum(deg, 1.0)
        for (Ws, Wn, bb) in ((W_self1, W_nbr1, b1), (W_self2, W_nbr2, b2)):
            msg = jnp.take(h, src, axis=0)                       # gather over edges
            agg = jax.ops.segment_sum(msg, dst, num_segments=n_nodes)  # scatter-add
            agg = agg / deg
            h = jax.nn.relu(h @ Ws + agg @ Wn + bb)
        ad = jax.nn.relu(current_ad[bi] @ W_ad + b_ad)
        logits = (h * ad[None, :]).sum(axis=-1) / jnp.sqrt(jnp.float32(h.shape[-1]))
        logits = jnp.where(mask[bi], logits, jnp.float32(-1e9))
        outs.append(logits)
    return jnp.stack(outs, axis=0)

if __name__ == "__main__":
    import jax
    _d = setup_inputs()
    print(jax.jit(kernel)(*tuple(_d.values())))

</pallas_src>

<mosaic_0001>
#map = affine_map<(d0, d1) -> (0, 0)>
#map1 = affine_map<(d0, d1) -> (0, 0, 0)>
module attributes {stable_mosaic.version = 14 : i64} {
  func.func @body(%arg0: i32, %arg1: i32, %arg2: memref<10000x128xf32, #tpu.memory_space<hbm>>, %arg3: memref<4000x80xi32, #tpu.memory_space<hbm>>, %arg4: memref<10112x128xf32, #tpu.memory_space<hbm>>, %arg5: memref<2x10112x128xf32, #tpu.memory_space<hbm>>, %arg6: memref<80xi32, #tpu.memory_space<vmem>>, %arg7: memref<80xi32, #tpu.memory_space<vmem>>, %arg8: memref<80xi32, #tpu.memory_space<vmem>>, %arg9: memref<80xi32, #tpu.memory_space<vmem>>, %arg10: memref<80xi32, #tpu.memory_space<vmem>>, %arg11: memref<80xi32, #tpu.memory_space<vmem>>, %arg12: memref<80xi32, #tpu.memory_space<vmem>>, %arg13: memref<80xi32, #tpu.memory_space<vmem>>, %arg14: memref<80xi32, #tpu.memory_space<vmem>>, %arg15: memref<80x128xf32, #tpu.memory_space<vmem>>, %arg16: memref<80x128xf32, #tpu.memory_space<vmem>>, %arg17: memref<80x128xf32, #tpu.memory_space<vmem>>, %arg18: memref<10112x128xf32, #tpu.memory_space<vmem_shared>>, %arg19: memref<!tpu.dma_semaphore, #tpu.memory_space<semaphore_mem>>, %arg20: memref<!tpu.dma_semaphore, #tpu.memory_space<semaphore_mem>>, %arg21: memref<!tpu.dma_semaphore, #tpu.memory_space<semaphore_mem>>, %arg22: memref<!tpu.dma_semaphore, #tpu.memory_space<semaphore_mem>>, %arg23: memref<!tpu.dma_semaphore, #tpu.memory_space<semaphore_mem>>, %arg24: memref<!tpu.dma_semaphore, #tpu.memory_space<semaphore_mem>>, %arg25: memref<!tpu.dma_semaphore, #tpu.memory_space<semaphore_mem>>, %arg26: memref<!tpu.dma_semaphore, #tpu.memory_space<semaphore_mem>>, %arg27: memref<!tpu.dma_semaphore, #tpu.memory_space<semaphore_mem>>, %arg28: memref<!tpu.dma_semaphore, #tpu.memory_space<semaphore_mem>>) attributes {dimension_semantics = [#tpu.dimension_semantics<core_parallel>, #tpu.dimension_semantics<subcore_parallel>], iteration_bounds = array<i64: 2, 16>, scalar_prefetch = 0 : i64, scratch_operands = 23 : i64, tpu.core_type = #tpu.core_type<sc_vector_subcore>, window_params = [{transform_indices = #map}, {transform_indices = #map}, {transform_indices = #map}, {transform_indices = #map1}]} {
    %mul3A = arith.constant 16 : i32
    %mul3A_0 = arith.muli %arg0, %mul3A : i32
    %add3A = arith.addi %mul3A_0, %arg1 : i32
    %mul3A_1 = arith.constant 125 : i32
    %mul3A_2 = arith.muli %add3A, %mul3A_1 : i32
    %mul3A_3 = arith.constant 632 : i32
    %mul3A_4 = arith.muli %arg1, %mul3A_3 : i32
    %mul3A_5 = arith.constant 632 : i32
    %mul3A_6 = arith.muli %arg1, %mul3A_5 : i32
    %dma_start3A = arith.constant 0 : i32
    %dma_start3A_7 = tpu.memref_slice %arg18[%mul3A_6, %dma_start3A] : memref<10112x128xf32, #tpu.memory_space<vmem_shared>> -> memref<632x128xf32, #tpu.memory_space<vmem_shared>>
    %dma_start3A_8 = arith.constant 0 : i32
    %dma_start3A_9 = tpu.memref_slice %arg4[%mul3A_4, %dma_start3A_8] : memref<10112x128xf32, #tpu.memory_space<hbm>> -> memref<632x128xf32, #tpu.memory_space<hbm>>
    tpu.enqueue_dma source(%dma_start3A_9 : memref<632x128xf32, #tpu.memory_space<hbm>>) target(%dma_start3A_7 : memref<632x128xf32, #tpu.memory_space<vmem_shared>>) target_semaphore(%arg28 : memref<!tpu.dma_semaphore, #tpu.memory_space<semaphore_mem>>)
    %add3A_10 = arith.constant 0 : i32
    %add3A_11 = arith.addi %mul3A_2, %add3A_10 : i32
    %dma_start3A_12 = arith.constant 0 : i32
    %dma_start3A_13 = tpu.memref_slice %arg3[%add3A_11, %dma_start3A_12] : memref<4000x80xi32, #tpu.memory_space<hbm>> -> memref<1x80xi32, #tpu.memory_space<hbm>>
    %dma_start3A_14 = tpu.memref_squeeze %dma_start3A_13 : memref<1x80xi32, #tpu.memory_space<hbm>> -> memref<80xi32, #tpu.memory_space<hbm>>
    %dma_start3A_15 = arith.constant 0 : i32
    %dma_start3A_16 = tpu.memref_slice %arg3[%add3A_11, %dma_start3A_15] : memref<4000x80xi32, #tpu.memory_space<hbm>> -> memref<1x80xi32, #tpu.memory_space<hbm>>
    %dma_start3A_17 = tpu.memref_squeeze %dma_start3A_16 : memref<1x80xi32, #tpu.memory_space<hbm>> -> memref<80xi32, #tpu.memory_space<hbm>>
    tpu.enqueue_dma source(%dma_start3A_17 : memref<80xi32, #tpu.memory_space<hbm>>) target(%arg6 : memref<80xi32, #tpu.memory_space<vmem>>) target_semaphore(%arg19 : memref<!tpu.dma_semaphore, #tpu.memory_space<semaphore_mem>>)
    %add3A_18 = arith.constant 1 : i32
    %add3A_19 = arith.addi %mul3A_2, %add3A_18 : i32
    %dma_start3A_20 = arith.constant 0 : i32
    %dma_start3A_21 = tpu.memref_slice %arg3[%add3A_19, %dma_start3A_20] : memref<4000x80xi32, #tpu.memory_space<hbm>> -> memref<1x80xi32, #tpu.memory_space<hbm>>
    %dma_start3A_22 = tpu.memref_squeeze %dma_start3A_21 : memref<1x80xi32, #tpu.memory_space<hbm>> -> memref<80xi32, #tpu.memory_space<hbm>>
    %dma_start3A_23 = arith.constant 0 : i32
    %dma_start3A_24 = tpu.memref_slice %arg3[%add3A_19, %dma_start3A_23] : memref<4000x80xi32, #tpu.memory_space<hbm>> -> memref<1x80xi32, #tpu.memory_space<hbm>>
    %dma_start3A_25 = tpu.memref_squeeze %dma_start3A_24 : memref<1x80xi32, #tpu.memory_space<hbm>> -> memref<80xi32, #tpu.memory_space<hbm>>
    tpu.enqueue_dma source(%dma_start3A_25 : memref<80xi32, #tpu.memory_space<hbm>>) target(%arg7 : memref<80xi32, #tpu.memory_space<vmem>>) target_semaphore(%arg20 : memref<!tpu.dma_semaphore, #tpu.memory_space<semaphore_mem>>)
    %add3A_26 = arith.constant 2 : i32
    %add3A_27 = arith.addi %mul3A_2, %add3A_26 : i32
    %dma_start3A_28 = arith.constant 0 : i32
    %dma_start3A_29 = tpu.memref_slice %arg3[%add3A_27, %dma_start3A_28] : memref<4000x80xi32, #tpu.memory_space<hbm>> -> memref<1x80xi32, #tpu.memory_space<hbm>>
    %dma_start3A_30 = tpu.memref_squeeze %dma_start3A_29 : memref<1x80xi32, #tpu.memory_space<hbm>> -> memref<80xi32, #tpu.memory_space<hbm>>
    %dma_start3A_31 = arith.constant 0 : i32
    %dma_start3A_32 = tpu.memref_slice %arg3[%add3A_27, %dma_start3A_31] : memref<4000x80xi32, #tpu.memory_space<hbm>> -> memref<1x80xi32, #tpu.memory_space<hbm>>
    %dma_start3A_33 = tpu.memref_squeeze %dma_start3A_32 : memref<1x80xi32, #tpu.memory_space<hbm>> -> memref<80xi32, #tpu.memory_space<hbm>>
    tpu.enqueue_dma source(%dma_start3A_33 : memref<80xi32, #tpu.memory_space<hbm>>) target(%arg8 : memref<80xi32, #tpu.memory_space<vmem>>) target_semaphore(%arg21 : memref<!tpu.dma_semaphore, #tpu.memory_space<semaphore_mem>>)
    %dma_wait3A = arith.constant 0 : i32
    %dma_wait3A_34 = tpu.memref_slice %arg3[%mul3A_2, %dma_wait3A] : memref<4000x80xi32, #tpu.memory_space<hbm>> -> memref<1x80xi32, #tpu.memory_space<hbm>>
    %dma_wait3A_35 = tpu.memref_squeeze %dma_wait3A_34 : memref<1x80xi32, #tpu.memory_space<hbm>> -> memref<80xi32, #tpu.memory_space<hbm>>
    %dma_wait3A_36 = arith.constant 0 : i32
    %dma_wait3A_37 = tpu.memref_slice %arg3[%mul3A_2, %dma_wait3A_36] : memref<4000x80xi32, #tpu.memory_space<hbm>> -> memref<1x80xi32, #tpu.memory_space<hbm>>
    %dma_wait3A_38 = tpu.memref_squeeze %dma_wait3A_37 : memref<1x80xi32, #tpu.memory_space<hbm>> -> memref<80xi32, #tpu.memory_space<hbm>>
    tpu.wait_dma2 semaphore(%arg19 : memref<!tpu.dma_semaphore, #tpu.memory_space<semaphore_mem>>) src(%dma_wait3A_38 : memref<80xi32, #tpu.memory_space<hbm>>) dst(%arg6 : memref<80xi32, #tpu.memory_space<vmem>>)
    %get3A = arith.constant 0 : index
    %get3A_39 = tpu.vector_load %arg6[%get3A] {strides = array<i32>} : memref<80xi32, #tpu.memory_space<vmem>>, vector<16xi32>,
    %get3A_40 = vector.shape_cast %get3A_39 : vector<16xi32> to vector<16xi32>
    %and3A = arith.constant 65535 : i32
    %and3A_41 = vector.broadcast %and3A : i32 to vector<16xi32>
    %and3A_42 = arith.andi %get3A_40, %and3A_41 : vector<16xi32>
    %swap3A = arith.constant 0 : index
    %swap3A_43 = tpu.vector_load %arg9[%swap3A] {strides = array<i32>} : memref<80xi32, #tpu.memory_space<vmem>>, vector<16xi32>,
    %swap3A_44 = vector.shape_cast %swap3A_43 : vector<16xi32> to vector<16xi32>
    %swap3A_45 = vector.shape_cast %and3A_42 : vector<16xi32> to vector<16xi32>
    tpu.vector_store %arg9[%swap3A], %swap3A_45 {strides = array<i32>} : memref<80xi32, #tpu.memory_space<vmem>>, vector<16xi32>,
    %shift_right_logical3A = arith.constant 16 : i32
    %shift_right_logical3A_46 = vector.broadcast %shift_right_logical3A : i32 to vector<16xi32>
    %shift_right_logical3A_47 = arith.shrui %get3A_40, %shift_right_logical3A_46 : vector<16xi32>
    %swap3A_48 = arith.constant 0 : index
    %swap3A_49 = tpu.vector_load %arg12[%swap3A_48] {strides = array<i32>} : memref<80xi32, #tpu.memory_space<vmem>>, vector<16xi32>,
    %swap3A_50 = vector.shape_cast %swap3A_49 : vector<16xi32> to vector<16xi32>
    %swap3A_51 = vector.shape_cast %shift_right_logical3A_47 : vector<16xi32> to vector<16xi32>
    tpu.vector_store %arg12[%swap3A_48], %swap3A_51 {strides = array<i32>} : memref<80xi32, #tpu.memory_space<vmem>>, vector<16xi32>,
    %get3A_52 = arith.constant 16 : index
    %get3A_53 = tpu.vector_load %arg6[%get3A_52] {strides = array<i32>} : memref<80xi32, #tpu.memory_space<vmem>>, vector<16xi32>,
    %get3A_54 = vector.shape_cast %get3A_53 : vector<16xi32> to vector<16xi32>
    %and3A_55 = arith.constant 65535 : i32
    %and3A_56 = vector.broadcast %and3A_55 : i32 to vector<16xi32>
    %and3A_57 = arith.andi %get3A_54, %and3A_56 : vector<16xi32>
    %swap3A_58 = arith.constant 16 : index
    %swap3A_59 = tpu.vector_load %arg9[%swap3A_58] {strides = array<i32>} : memref<80xi32, #tpu.memory_space<vmem>>, vector<16xi32>,
    %swap3A_60 = vector.shape_cast %swap3A_59 : vector<16xi32> to vector<16xi32>
    %swap3A_61 = vector.shape_cast %and3A_57 : vector<16xi32> to vector<16xi32>
    tpu.vector_store %arg9[%swap3A_58], %swap3A_61 {strides = array<i32>} : memref<80xi32, #tpu.memory_space<vmem>>, vector<16xi32>,
    %shift_right_logical3A_62 = arith.constant 16 : i32
    %shift_right_logical3A_63 = vector.broadcast %shift_right_logical3A_62 : i32 to vector<16xi32>
    %shift_right_logical3A_64 = arith.shrui %get3A_54, %shift_right_logical3A_63 : vector<16xi32>
    %swap3A_65 = arith.constant 16 : index
    %swap3A_66 = tpu.vector_load %arg12[%swap3A_65] {strides = array<i32>} : memref<80xi32, #tpu.memory_space<vmem>>, vector<16xi32>,
    %swap3A_67 = vector.shape_cast %swap3A_66 : vector<16xi32> to vector<16xi32>
    %swap3A_68 = vector.shape_cast %shift_right_logical3A_64 : vector<16xi32> to vector<16xi32>
    tpu.vector_store %arg12[%swap3A_65], %swap3A_68 {strides = array<i32>} : memref<80xi32, #tpu.memory_space<vmem>>, vector<16xi32>,
    %get3A_69 = arith.constant 32 : index
    %get3A_70 = tpu.vector_load %arg6[%get3A_69] {strides = array<i32>} : memref<80xi32, #tpu.memory_space<vmem>>, vector<16xi32>,
    %get3A_71 = vector.shape_cast %get3A_70 : vector<16xi32> to vector<16xi32>
    %and3A_72 = arith.constant 65535 : i32
    %and3A_73 = vector.broadcast %and3A_72 : i32 to vector<16xi32>
    %and3A_74 = arith.andi %get3A_71, %and3A_73 : vector<16xi32>
    %swap3A_75 = arith.constant 32 : index
    %swap3A_76 = tpu.vector_load %arg9[%swap3A_75] {strides = array<i32>} : memref<80xi32, #tpu.memory_space<vmem>>, vector<16xi32>,
    %swap3A_77 = vector.shape_cast %swap3A_76 : vector<16xi32> to vector<16xi32>
    %swap3A_78 = vector.shape_cast %and3A_74 : vector<16xi32> to vector<16xi32>
    tpu.vector_store %arg9[%swap3A_75], %swap3A_78 {strides = array<i32>} : memref<80xi32, #tpu.memory_space<vmem>>, vector<16xi32>,
    %shift_right_logical3A_79 = arith.constant 16 : i32
    %shift_right_logical3A_80 = vector.broadcast %shift_right_logical3A_79 : i32 to vector<16xi32>
    %shift_right_logical3A_81 = arith.shrui %get3A_71, %shift_right_logical3A_80 : vector<16xi32>
    %swap3A_82 = arith.constant 32 : index
    %swap3A_83 = tpu.vector_load %arg12[%swap3A_82] {strides = array<i32>} : memref<80xi32, #tpu.memory_space<vmem>>, vector<16xi32>,
    %swap3A_84 = vector.shape_cast %swap3A_83 : vector<16xi32> to vector<16xi32>
    %swap3A_85 = vector.shape_cast %shift_right_logical3A_81 : vector<16xi32> to vector<16xi32>
    tpu.vector_store %arg12[%swap3A_82], %swap3A_85 {strides = array<i32>} : memref<80xi32, #tpu.memory_space<vmem>>, vector<16xi32>,
    %get3A_86 = arith.constant 48 : index
    %get3A_87 = tpu.vector_load %arg6[%get3A_86] {strides = array<i32>} : memref<80xi32, #tpu.memory_space<vmem>>, vector<16xi32>,
    %get3A_88 = vector.shape_cast %get3A_87 : vector<16xi32> to vector<16xi32>
    %and3A_89 = arith.constant 65535 : i32
    %and3A_90 = vector.broadcast %and3A_89 : i32 to vector<16xi32>
    %and3A_91 = arith.andi %get3A_88, %and3A_90 : vector<16xi32>
    %swap3A_92 = arith.constant 48 : index
    %swap3A_93 = tpu.vector_load %arg9[%swap3A_92] {strides = array<i32>} : memref<80xi32, #tpu.memory_space<vmem>>, vector<16xi32>,
    %swap3A_94 = vector.shape_cast %swap3A_93 : vector<16xi32> to vector<16xi32>
    %swap3A_95 = vector.shape_cast %and3A_91 : vector<16xi32> to vector<16xi32>
    tpu.vector_store %arg9[%swap3A_92], %swap3A_95 {strides = array<i32>} : memref<80xi32, #tpu.memory_space<vmem>>, vector<16xi32>,
    %shift_right_logical3A_96 = arith.constant 16 : i32
    %shift_right_logical3A_97 = vector.broadcast %shift_right_logical3A_96 : i32 to vector<16xi32>
    %shift_right_logical3A_98 = arith.shrui %get3A_88, %shift_right_logical3A_97 : vector<16xi32>
    %swap3A_99 = arith.constant 48 : index
    %swap3A_100 = tpu.vector_load %arg12[%swap3A_99] {strides = array<i32>} : memref<80xi32, #tpu.memory_space<vmem>>, vector<16xi32>,
    %swap3A_101 = vector.shape_cast %swap3A_100 : vector<16xi32> to vector<16xi32>
    %swap3A_102 = vector.shape_cast %shift_right_logical3A_98 : vector<16xi32> to vector<16xi32>
    tpu.vector_store %arg12[%swap3A_99], %swap3A_102 {strides = array<i32>} : memref<80xi32, #tpu.memory_space<vmem>>, vector<16xi32>,
    %get3A_103 = arith.constant 64 : index
    %get3A_104 = tpu.vector_load %arg6[%get3A_103] {strides = array<i32>} : memref<80xi32, #tpu.memory_space<vmem>>, vector<16xi32>,
    %get3A_105 = vector.shape_cast %get3A_104 : vector<16xi32> to vector<16xi32>
    %and3A_106 = arith.constant 65535 : i32
    %and3A_107 = vector.broadcast %and3A_106 : i32 to vector<16xi32>
    %and3A_108 = arith.andi %get3A_105, %and3A_107 : vector<16xi32>
    %swap3A_109 = arith.constant 64 : index
    %swap3A_110 = tpu.vector_load %arg9[%swap3A_109] {strides = array<i32>} : memref<80xi32, #tpu.memory_space<vmem>>, vector<16xi32>,
    %swap3A_111 = vector.shape_cast %swap3A_110 : vector<16xi32> to vector<16xi32>
    %swap3A_112 = vector.shape_cast %and3A_108 : vector<16xi32> to vector<16xi32>
    tpu.vector_store %arg9[%swap3A_109], %swap3A_112 {strides = array<i32>} : memref<80xi32, #tpu.memory_space<vmem>>, vector<16xi32>,
    %shift_right_logical3A_113 = arith.constant 16 : i32
    %shift_right_logical3A_114 = vector.broadcast %shift_right_logical3A_113 : i32 to vector<16xi32>
    %shift_right_logical3A_115 = arith.shrui %get3A_105, %shift_right_logical3A_114 : vector<16xi32>
    %swap3A_116 = arith.constant 64 : index
    %swap3A_117 = tpu.vector_load %arg12[%swap3A_116] {strides = array<i32>} : memref<80xi32, #tpu.memory_space<vmem>>, vector<16xi32>,
    %swap3A_118 = vector.shape_cast %swap3A_117 : vector<16xi32> to vector<16xi32>
    %swap3A_119 = vector.shape_cast %shift_right_logical3A_115 : vector<16xi32> to vector<16xi32>
    tpu.vector_store %arg12[%swap3A_116], %swap3A_119 {strides = array<i32>} : memref<80xi32, #tpu.memory_space<vmem>>, vector<16xi32>,
    %dma_wait3A_120 = arith.constant 0 : i32
    %dma_wait3A_121 = tpu.memref_slice %arg3[%mul3A_2, %dma_wait3A_120] : memref<4000x80xi32, #tpu.memory_space<hbm>> -> memref<1x80xi32, #tpu.memory_space<hbm>>
    %dma_wait3A_122 = tpu.memref_squeeze %dma_wait3A_121 : memref<1x80xi32, #tpu.memory_space<hbm>> -> memref<80xi32, #tpu.memory_space<hbm>>
    %dma_wait3A_123 = arith.constant 0 : i32
    %dma_wait3A_124 = tpu.memref_slice %arg3[%mul3A_2, %dma_wait3A_123] : memref<4000x80xi32, #tpu.memory_space<hbm>> -> memref<1x80xi32, #tpu.memory_space<hbm>>
    %dma_wait3A_125 = tpu.memref_squeeze %dma_wait3A_124 : memref<1x80xi32, #tpu.memory_space<hbm>> -> memref<80xi32, #tpu.memory_space<hbm>>
    tpu.wait_dma2 semaphore(%arg20 : memref<!tpu.dma_semaphore, #tpu.memory_space<semaphore_mem>>) src(%dma_wait3A_125 : memref<80xi32, #tpu.memory_space<hbm>>) dst(%arg7 : memref<80xi32, #tpu.memory_space<vmem>>)
    %get3A_126 = arith.constant 0 : index
    %get3A_127 = tpu.vector_load %arg7[%get3A_126] {strides = array<i32>} : memref<80xi32, #tpu.memory_space<vmem>>, vector<16xi32>,
    %get3A_128 = vector.shape_cast %get3A_127 : vector<16xi32> to vector<16xi32>
    %and3A_129 = arith.constant 65535 : i32
    %and3A_130 = vector.broadcast %and3A_129 : i32 to vector<16xi32>
    %and3A_131 = arith.andi %get3A_128, %and3A_130 : vector<16xi32>
    %swap3A_132 = arith.constant 0 : index
    %swap3A_133 = tpu.vector_load %arg10[%swap3A_132] {strides = array<i32>} : memref<80xi32, #tpu.memory_space<vmem>>, vector<16xi32>,
    %swap3A_134 = vector.shape_cast %swap3A_133 : vector<16xi32> to vector<16xi32>
    %swap3A_135 = vector.shape_cast %and3A_131 : vector<16xi32> to vector<16xi32>
    tpu.vector_store %arg10[%swap3A_132], %swap3A_135 {strides = array<i32>} : memref<80xi32, #tpu.memory_space<vmem>>, vector<16xi32>,
    %shift_right_logical3A_136 = arith.constant 16 : i32
    %shift_right_logical3A_137 = vector.broadcast %shift_right_logical3A_136 : i32 to vector<16xi32>
    %shift_right_logical3A_138 = arith.shrui %get3A_128, %shift_right_logical3A_137 : vector<16xi32>
    %swap3A_139 = arith.constant 0 : index
    %swap3A_140 = tpu.vector_load %arg13[%swap3A_139] {strides = array<i32>} : memref<80xi32, #tpu.memory_space<vmem>>, vector<16xi32>,
    %swap3A_141 = vector.shape_cast %swap3A_140 : vector<16xi32> to vector<16xi32>
    %swap3A_142 = vector.shape_cast %shift_right_logical3A_138 : vector<16xi32> to vector<16xi32>
    tpu.vector_store %arg13[%swap3A_139], %swap3A_142 {strides = array<i32>} : memref<80xi32, #tpu.memory_space<vmem>>, vector<16xi32>,
    %get3A_143 = arith.constant 16 : index
    %get3A_144 = tpu.vector_load %arg7[%get3A_143] {strides = array<i32>} : memref<80xi32, #tpu.memory_space<vmem>>, vector<16xi32>,
    %get3A_145 = vector.shape_cast %get3A_144 : vector<16xi32> to vector<16xi32>
    %and3A_146 = arith.constant 65535 : i32
    %and3A_147 = vector.broadcast %and3A_146 : i32 to vector<16xi32>
    %and3A_148 = arith.andi %get3A_145, %and3A_147 : vector<16xi32>
    %swap3A_149 = arith.constant 16 : index
    %swap3A_150 = tpu.vector_load %arg10[%swap3A_149] {strides = array<i32>} : memref<80xi32, #tpu.memory_space<vmem>>, vector<16xi32>,
    %swap3A_151 = vector.shape_cast %swap3A_150 : vector<16xi32> to vector<16xi32>
    %swap3A_152 = vector.shape_cast %and3A_148 : vector<16xi32> to vector<16xi32>
    tpu.vector_store %arg10[%swap3A_149], %swap3A_152 {strides = array<i32>} : memref<80xi32, #tpu.memory_space<vmem>>, vector<16xi32>,
    %shift_right_logical3A_153 = arith.constant 16 : i32
    %shift_right_logical3A_154 = vector.broadcast %shift_right_logical3A_153 : i32 to vector<16xi32>
    %shift_right_logical3A_155 = arith.shrui %get3A_145, %shift_right_logical3A_154 : vector<16xi32>
    %swap3A_156 = arith.constant 16 : index
    %swap3A_157 = tpu.vector_load %arg13[%swap3A_156] {strides = array<i32>} : memref<80xi32, #tpu.memory_space<vmem>>, vector<16xi32>,
    %swap3A_158 = vector.shape_cast %swap3A_157 : vector<16xi32> to vector<16xi32>
    %swap3A_159 = vector.shape_cast %shift_right_logical3A_155 : vector<16xi32> to vector<16xi32>
    tpu.vector_store %arg13[%swap3A_156], %swap3A_159 {strides = array<i32>} : memref<80xi32, #tpu.memory_space<vmem>>, vector<16xi32>,
    %get3A_160 = arith.constant 32 : index
    %get3A_161 = tpu.vector_load %arg7[%get3A_160] {strides = array<i32>} : memref<80xi32, #tpu.memory_space<vmem>>, vector<16xi32>,
    %get3A_162 = vector.shape_cast %get3A_161 : vector<16xi32> to vector<16xi32>
    %and3A_163 = arith.constant 65535 : i32
    %and3A_164 = vector.broadcast %and3A_163 : i32 to vector<16xi32>
    %and3A_165 = arith.andi %get3A_162, %and3A_164 : vector<16xi32>
    %swap3A_166 = arith.constant 32 : index
    %swap3A_167 = tpu.vector_load %arg10[%swap3A_166] {strides = array<i32>} : memref<80xi32, #tpu.memory_space<vmem>>, vector<16xi32>,
    %swap3A_168 = vector.shape_cast %swap3A_167 : vector<16xi32> to vector<16xi32>
    %swap3A_169 = vector.shape_cast %and3A_165 : vector<16xi32> to vector<16xi32>
    tpu.vector_store %arg10[%swap3A_166], %swap3A_169 {strides = array<i32>} : memref<80xi32, #tpu.memory_space<vmem>>, vector<16xi32>,
    %shift_right_logical3A_170 = arith.constant 16 : i32
    %shift_right_logical3A_171 = vector.broadcast %shift_right_logical3A_170 : i32 to vector<16xi32>
    %shift_right_logical3A_172 = arith.shrui %get3A_162, %shift_right_logical3A_171 : vector<16xi32>
    %swap3A_173 = arith.constant 32 : index
    %swap3A_174 = tpu.vector_load %arg13[%swap3A_173] {strides = array<i32>} : memref<80xi32, #tpu.memory_space<vmem>>, vector<16xi32>,
    %swap3A_175 = vector.shape_cast %swap3A_174 : vector<16xi32> to vector<16xi32>
    %swap3A_176 = vector.shape_cast %shift_right_logical3A_172 : vector<16xi32> to vector<16xi32>
    tpu.vector_store %arg13[%swap3A_173], %swap3A_176 {strides = array<i32>} : memref<80xi32, #tpu.memory_space<vmem>>, vector<16xi32>,
    %get3A_177 = arith.constant 48 : index
    %get3A_178 = tpu.vector_load %arg7[%get3A_177] {strides = array<i32>} : memref<80xi32, #tpu.memory_space<vmem>>, vector<16xi32>,
    %get3A_179 = vector.shape_cast %get3A_178 : vector<16xi32> to vector<16xi32>
    %and3A_180 = arith.constant 65535 : i32
    %and3A_181 = vector.broadcast %and3A_180 : i32 to vector<16xi32>
    %and3A_182 = arith.andi %get3A_179, %and3A_181 : vector<16xi32>
    %swap3A_183 = arith.constant 48 : index
    %swap3A_184 = tpu.vector_load %arg10[%swap3A_183] {strides = array<i32>} : memref<80xi32, #tpu.memory_space<vmem>>, vector<16xi32>,
    %swap3A_185 = vector.shape_cast %swap3A_184 : vector<16xi32> to vector<16xi32>
    %swap3A_186 = vector.shape_cast %and3A_182 : vector<16xi32> to vector<16xi32>
    tpu.vector_store %arg10[%swap3A_183], %swap3A_186 {strides = array<i32>} : memref<80xi32, #tpu.memory_space<vmem>>, vector<16xi32>,
    %shift_right_logical3A_187 = arith.constant 16 : i32
    %shift_right_logical3A_188 = vector.broadcast %shift_right_logical3A_187 : i32 to vector<16xi32>
    %shift_right_logical3A_189 = arith.shrui %get3A_179, %shift_right_logical3A_188 : vector<16xi32>
    %swap3A_190 = arith.constant 48 : index
    %swap3A_191 = tpu.vector_load %arg13[%swap3A_190] {strides = array<i32>} : memref<80xi32, #tpu.memory_space<vmem>>, vector<16xi32>,
    %swap3A_192 = vector.shape_cast %swap3A_191 : vector<16xi32> to vector<16xi32>
    %swap3A_193 = vector.shape_cast %shift_right_logical3A_189 : vector<16xi32> to vector<16xi32>
    tpu.vector_store %arg13[%swap3A_190], %swap3A_193 {strides = array<i32>} : memref<80xi32, #tpu.memory_space<vmem>>, vector<16xi32>,
    %get3A_194 = arith.constant 64 : index
    %get3A_195 = tpu.vector_load %arg7[%get3A_194] {strides = array<i32>} : memref<80xi32, #tpu.memory_space<vmem>>, vector<16xi32>,
    %get3A_196 = vector.shape_cast %get3A_195 : vector<16xi32> to vector<16xi32>
    %and3A_197 = arith.constant 65535 : i32
    %and3A_198 = vector.broadcast %and3A_197 : i32 to vector<16xi32>
    %and3A_199 = arith.andi %get3A_196, %and3A_198 : vector<16xi32>
    %swap3A_200 = arith.constant 64 : index
    %swap3A_201 = tpu.vector_load %arg10[%swap3A_200] {strides = array<i32>} : memref<80xi32, #tpu.memory_space<vmem>>, vector<16xi32>,
    %swap3A_202 = vector.shape_cast %swap3A_201 : vector<16xi32> to vector<16xi32>
    %swap3A_203 = vector.shape_cast %and3A_199 : vector<16xi32> to vector<16xi32>
    tpu.vector_store %arg10[%swap3A_200], %swap3A_203 {strides = array<i32>} : memref<80xi32, #tpu.memory_space<vmem>>, vector<16xi32>,
    %shift_right_logical3A_204 = arith.constant 16 : i32
    %shift_right_logical3A_205 = vector.broadcast %shift_right_logical3A_204 : i32 to vector<16xi32>
    %shift_right_logical3A_206 = arith.shrui %get3A_196, %shift_right_logical3A_205 : vector<16xi32>
    %swap3A_207 = arith.constant 64 : index
    %swap3A_208 = tpu.vector_load %arg13[%swap3A_207] {strides = array<i32>} : memref<80xi32, #tpu.memory_space<vmem>>, vector<16xi32>,
    %swap3A_209 = vector.shape_cast %swap3A_208 : vector<16xi32> to vector<16xi32>
    %swap3A_210 = vector.shape_cast %shift_right_logical3A_206 : vector<16xi32> to vector<16xi32>
    tpu.vector_store %arg13[%swap3A_207], %swap3A_210 {strides = array<i32>} : memref<80xi32, #tpu.memory_space<vmem>>, vector<16xi32>,
    %dma_start3A_211 = arith.constant 0 : i32
    %dma_start3A_212 = arith.constant 0 : i32
    %dma_start3A_213 = tpu.memref_slice %arg2[%dma_start3A_211, %dma_start3A_212] : memref<10000x128xf32, #tpu.memory_space<hbm>> -> memref<10000x128xf32, #tpu.memory_space<hbm>>
    tpu.enqueue_indirect_dma source(%dma_start3A_213 : memref<10000x128xf32, #tpu.memory_space<hbm>>) target(%arg15 : memref<80x128xf32, #tpu.memory_space<vmem>>) offsets(%arg9 : memref<80xi32, #tpu.memory_space<vmem>>) semaphore(%arg22 : memref<!tpu.dma_semaphore, #tpu.memory_space<semaphore_mem>>)
    %dma_start3A_214 = arith.constant 0 : i32
    %dma_start3A_215 = arith.constant 0 : i32
    %dma_start3A_216 = tpu.memref_slice %arg2[%dma_start3A_214, %dma_start3A_215] : memref<10000x128xf32, #tpu.memory_space<hbm>> -> memref<10000x128xf32, #tpu.memory_space<hbm>>
    tpu.enqueue_indirect_dma source(%dma_start3A_216 : memref<10000x128xf32, #tpu.memory_space<hbm>>) target(%arg16 : memref<80x128xf32, #tpu.memory_space<vmem>>) offsets(%arg10 : memref<80xi32, #tpu.memory_space<vmem>>) semaphore(%arg23 : memref<!tpu.dma_semaphore, #tpu.memory_space<semaphore_mem>>)
    %dma_wait3A_217 = arith.constant 0 : i32
    %dma_wait3A_218 = tpu.memref_slice %arg18[%mul3A_6, %dma_wait3A_217] : memref<10112x128xf32, #tpu.memory_space<vmem_shared>> -> memref<632x128xf32, #tpu.memory_space<vmem_shared>>
    %dma_wait3A_219 = arith.constant 0 : i32
    %dma_wait3A_220 = tpu.memref_slice %arg4[%mul3A_4, %dma_wait3A_219] : memref<10112x128xf32, #tpu.memory_space<hbm>> -> memref<632x128xf32, #tpu.memory_space<hbm>>
    tpu.wait_dma2 semaphore(%arg28 : memref<!tpu.dma_semaphore, #tpu.memory_space<semaphore_mem>>) src(%dma_wait3A_220 : memref<632x128xf32, #tpu.memory_space<hbm>>) dst(%dma_wait3A_218 : memref<632x128xf32, #tpu.memory_space<vmem_shared>>)
    %barrier3A = arith.constant 0 : index
    tpu.barrier barrier_id(%barrier3A)
    %scan3A = arith.constant 0 : i32
    %scan3A_221 = arith.constant 42 : i32
    %scan3A_222 = arith.addi %scan3A, %scan3A_221 : i32
    %scan3A_223 = arith.constant 1 : i32
    scf.for %scan3A_233 = %scan3A to %scan3A_222 step %scan3A_223  : i32 {
      %mul3A_234 = arith.constant 3 : i32
      %mul3A_235 = arith.muli %scan3A_233, %mul3A_234 : i32
      %add3A_236 = arith.constant 0 : i32
      %add3A_237 = arith.addi %add3A_236, %mul3A_235 : i32
      %add3A_238 = arith.constant 0 : i32
      %add3A_239 = arith.addi %add3A_237, %add3A_238 : i32
      %lt3A = arith.constant 125 : i32
      %lt3A_240 = arith.cmpi slt, %add3A_239, %lt3A : i32
      %convert_element_type3A = arith.extui %lt3A_240 : i1 to i32
      %cond3A = arith.constant 0 : i32
      %cond3A_241 = arith.cmpi ne, %convert_element_type3A, %cond3A : i32
      scf.if %cond3A_241 {
        %dma_wait3A_256 = arith.constant 0 : i32
        %dma_wait3A_257 = arith.constant 0 : i32
        %dma_wait3A_258 = tpu.memref_slice %arg2[%dma_wait3A_256, %dma_wait3A_257] : memref<10000x128xf32, #tpu.memory_space<hbm>> -> memref<10000x128xf32, #tpu.memory_space<hbm>>
        tpu.wait_indirect_dma semaphore(%arg22 : memref<!tpu.dma_semaphore, #tpu.memory_space<semaphore_mem>>) src(%dma_wait3A_258 : memref<10000x128xf32, #tpu.memory_space<hbm>>) dst(%arg15 : memref<80x128xf32, #tpu.memory_space<vmem>>)
        %dma_start3A_259 = arith.constant 0 : i32
        %dma_start3A_260 = arith.constant 0 : i32
        %dma_start3A_261 = tpu.memref_slice %arg18[%dma_start3A_259, %dma_start3A_260] : memref<10112x128xf32, #tpu.memory_space<vmem_shared>> -> memref<10112x128xf32, #tpu.memory_space<vmem_shared>>
        tpu.enqueue_indirect_dma source(%arg15 : memref<80x128xf32, #tpu.memory_space<vmem>>) target(%dma_start3A_261 : memref<10112x128xf32, #tpu.memory_space<vmem_shared>>) offsets(%arg12 : memref<80xi32, #tpu.memory_space<vmem>>) semaphore(%arg25 : memref<!tpu.dma_semaphore, #tpu.memory_space<semaphore_mem>>) {add = true}
        %ge3A = arith.constant 1 : i32
        %ge3A_262 = arith.cmpi sge, %add3A_239, %ge3A : i32
        %convert_element_type3A_263 = arith.extui %ge3A_262 : i1 to i32
        %cond3A_264 = arith.constant 0 : i32
        %cond3A_265 = arith.cmpi ne, %convert_element_type3A_263, %cond3A_264 : i32
        scf.if %cond3A_265 {
          %dma_wait3A_280 = arith.constant 0 : i32
          %dma_wait3A_281 = arith.constant 0 : i32
          %dma_wait3A_282 = tpu.memref_slice %arg18[%dma_wait3A_280, %dma_wait3A_281] : memref<10112x128xf32, #tpu.memory_space<vmem_shared>> -> memref<10112x128xf32, #tpu.memory_space<vmem_shared>>
          tpu.wait_indirect_dma semaphore(%arg27 : memref<!tpu.dma_semaphore, #tpu.memory_space<semaphore_mem>>) src(%arg17 : memref<80x128xf32, #tpu.memory_space<vmem>>) dst(%dma_wait3A_282 : memref<10112x128xf32, #tpu.memory_space<vmem_shared>>)
        } else {
        }
        %add3A_266 = arith.constant 2 : i32
        %add3A_267 = arith.addi %add3A_239, %add3A_266 : i32
        %lt3A_268 = arith.constant 125 : i32
        %lt3A_269 = arith.cmpi slt, %add3A_267, %lt3A_268 : i32
        %convert_element_type3A_270 = arith.extui %lt3A_269 : i1 to i32
        %cond3A_271 = arith.constant 0 : i32
        %cond3A_272 = arith.cmpi ne, %convert_element_type3A_270, %cond3A_271 : i32
        scf.if %cond3A_272 {
          %dma_wait3A_280 = arith.constant 0 : i32
          %dma_wait3A_281 = tpu.memref_slice %arg3[%mul3A_2, %dma_wait3A_280] : memref<4000x80xi32, #tpu.memory_space<hbm>> -> memref<1x80xi32, #tpu.memory_space<hbm>>
          %dma_wait3A_282 = tpu.memref_squeeze %dma_wait3A_281 : memref<1x80xi32, #tpu.memory_space<hbm>> -> memref<80xi32, #tpu.memory_space<hbm>>
          %dma_wait3A_283 = arith.constant 0 : i32
          %dma_wait3A_284 = tpu.memref_slice %arg3[%mul3A_2, %dma_wait3A_283] : memref<4000x80xi32, #tpu.memory_space<hbm>> -> memref<1x80xi32, #tpu.memory_space<hbm>>
          %dma_wait3A_285 = tpu.memref_squeeze %dma_wait3A_284 : memref<1x80xi32, #tpu.memory_space<hbm>> -> memref<80xi32, #tpu.memory_space<hbm>>
          tpu.wait_dma2 semaphore(%arg21 : memref<!tpu.dma_semaphore, #tpu.memory_space<semaphore_mem>>) src(%dma_wait3A_285 : memref<80xi32, #tpu.memory_space<hbm>>) dst(%arg8 : memref<80xi32, #tpu.memory_space<vmem>>)
          %get3A_286 = arith.constant 0 : index
          %get3A_287 = tpu.vector_load %arg8[%get3A_286] {strides = array<i32>} : memref<80xi32, #tpu.memory_space<vmem>>, vector<16xi32>,
          %get3A_288 = vector.shape_cast %get3A_287 : vector<16xi32> to vector<16xi32>
          %and3A_289 = arith.constant 65535 : i32
          %and3A_290 = vector.broadcast %and3A_289 : i32 to vector<16xi32>
          %and3A_291 = arith.andi %get3A_288, %and3A_290 : vector<16xi32>
          %swap3A_292 = arith.constant 0 : index
          %swap3A_293 = tpu.vector_load %arg11[%swap3A_292] {strides = array<i32>} : memref<80xi32, #tpu.memory_space<vmem>>, vector<16xi32>,
          %swap3A_294 = vector.shape_cast %swap3A_293 : vector<16xi32> to vector<16xi32>
          %swap3A_295 = vector.shape_cast %and3A_291 : vector<16xi32> to vector<16xi32>
          tpu.vector_store %arg11[%swap3A_292], %swap3A_295 {strides = array<i32>} : memref<80xi32, #tpu.memory_space<vmem>>, vector<16xi32>,
          %shift_right_logical3A_296 = arith.constant 16 : i32
          %shift_right_logical3A_297 = vector.broadcast %shift_right_logical3A_296 : i32 to vector<16xi32>
          %shift_right_logical3A_298 = arith.shrui %get3A_288, %shift_right_logical3A_297 : vector<16xi32>
          %swap3A_299 = arith.constant 0 : index
          %swap3A_300 = tpu.vector_load %arg14[%swap3A_299] {strides = array<i32>} : memref<80xi32, #tpu.memory_space<vmem>>, vector<16xi32>,
          %swap3A_301 = vector.shape_cast %swap3A_300 : vector<16xi32> to vector<16xi32>
          %swap3A_302 = vector.shape_cast %shift_right_logical3A_298 : vector<16xi32> to vector<16xi32>
          tpu.vector_store %arg14[%swap3A_299], %swap3A_302 {strides = array<i32>} : memref<80xi32, #tpu.memory_space<vmem>>, vector<16xi32>,
          %get3A_303 = arith.constant 16 : index
          %get3A_304 = tpu.vector_load %arg8[%get3A_303] {strides = array<i32>} : memref<80xi32, #tpu.memory_space<vmem>>, vector<16xi32>,
          %get3A_305 = vector.shape_cast %get3A_304 : vector<16xi32> to vector<16xi32>
          %and3A_306 = arith.constant 65535 : i32
          %and3A_307 = vector.broadcast %and3A_306 : i32 to vector<16xi32>
          %and3A_308 = arith.andi %get3A_305, %and3A_307 : vector<16xi32>
          %swap3A_309 = arith.constant 16 : index
          %swap3A_310 = tpu.vector_load %arg11[%swap3A_309] {strides = array<i32>} : memref<80xi32, #tpu.memory_space<vmem>>, vector<16xi32>,
          %swap3A_311 = vector.shape_cast %swap3A_310 : vector<16xi32> to vector<16xi32>
          %swap3A_312 = vector.shape_cast %and3A_308 : vector<16xi32> to vector<16xi32>
          tpu.vector_store %arg11[%swap3A_309], %swap3A_312 {strides = array<i32>} : memref<80xi32, #tpu.memory_space<vmem>>, vector<16xi32>,
          %shift_right_logical3A_313 = arith.constant 16 : i32
          %shift_right_logical3A_314 = vector.broadcast %shift_right_logical3A_313 : i32 to vector<16xi32>
          %shift_right_logical3A_315 = arith.shrui %get3A_305, %shift_right_logical3A_314 : vector<16xi32>
          %swap3A_316 = arith.constant 16 : index
          %swap3A_317 = tpu.vector_load %arg14[%swap3A_316] {strides = array<i32>} : memref<80xi32, #tpu.memory_space<vmem>>, vector<16xi32>,
          %swap3A_318 = vector.shape_cast %swap3A_317 : vector<16xi32> to vector<16xi32>
          %swap3A_319 = vector.shape_cast %shift_right_logical3A_315 : vector<16xi32> to vector<16xi32>
          tpu.vector_store %arg14[%swap3A_316], %swap3A_319 {strides = array<i32>} : memref<80xi32, #tpu.memory_space<vmem>>, vector<16xi32>,
          %get3A_320 = arith.constant 32 : index
          %get3A_321 = tpu.vector_load %arg8[%get3A_320] {strides = array<i32>} : memref<80xi32, #tpu.memory_space<vmem>>, vector<16xi32>,
          %get3A_322 = vector.shape_cast %get3A_321 : vector<16xi32> to vector<16xi32>
          %and3A_323 = arith.constant 65535 : i32
          %and3A_324 = vector.broadcast %and3A_323 : i32 to vector<16xi32>
          %and3A_325 = arith.andi %get3A_322, %and3A_324 : vector<16xi32>
          %swap3A_326 = arith.constant 32 : index
          %swap3A_327 = tpu.vector_load %arg11[%swap3A_326] {strides = array<i32>} : memref<80xi32, #tpu.memory_space<vmem>>, vector<16xi32>,
          %swap3A_328 = vector.shape_cast %swap3A_327 : vector<16xi32> to vector<16xi32>
          %swap3A_329 = vector.shape_cast %and3A_325 : vector<16xi32> to vector<16xi32>
          tpu.vector_store %arg11[%swap3A_326], %swap3A_329 {strides = array<i32>} : memref<80xi32, #tpu.memory_space<vmem>>, vector<16xi32>,
          %shift_right_logical3A_330 = arith.constant 16 : i32
          %shift_right_logical3A_331 = vector.broadcast %shift_right_logical3A_330 : i32 to vector<16xi32>
          %shift_right_logical3A_332 = arith.shrui %get3A_322, %shift_right_logical3A_331 : vector<16xi32>
          %swap3A_333 = arith.constant 32 : index
          %swap3A_334 = tpu.vector_load %arg14[%swap3A_333] {strides = array<i32>} : memref<80xi32, #tpu.memory_space<vmem>>, vector<16xi32>,
          %swap3A_335 = vector.shape_cast %swap3A_334 : vector<16xi32> to vector<16xi32>
          %swap3A_336 = vector.shape_cast %shift_right_logical3A_332 : vector<16xi32> to vector<16xi32>
          tpu.vector_store %arg14[%swap3A_333], %swap3A_336 {strides = array<i32>} : memref<80xi32, #tpu.memory_space<vmem>>, vector<16xi32>,
          %get3A_337 = arith.constant 48 : index
          %get3A_338 = tpu.vector_load %arg8[%get3A_337] {strides = array<i32>} : memref<80xi32, #tpu.memory_space<vmem>>, vector<16xi32>,
          %get3A_339 = vector.shape_cast %get3A_338 : vector<16xi32> to vector<16xi32>
          %and3A_340 = arith.constant 65535 : i32
          %and3A_341 = vector.broadcast %and3A_340 : i32 to vector<16xi32>
          %and3A_342 = arith.andi %get3A_339, %and3A_341 : vector<16xi32>
          %swap3A_343 = arith.constant 48 : index
          %swap3A_344 = tpu.vector_load %arg11[%swap3A_343] {strides = array<i32>} : memref<80xi32, #tpu.memory_space<vmem>>, vector<16xi32>,
          %swap3A_345 = vector.shape_cast %swap3A_344 : vector<16xi32> to vector<16xi32>
          %swap3A_346 = vector.shape_cast %and3A_342 : vector<16xi32> to vector<16xi32>
          tpu.vector_store %arg11[%swap3A_343], %swap3A_346 {strides = array<i32>} : memref<80xi32, #tpu.memory_space<vmem>>, vector<16xi32>,
          %shift_right_logical3A_347 = arith.constant 16 : i32
          %shift_right_logical3A_348 = vector.broadcast %shift_right_logical3A_347 : i32 to vector<16xi32>
          %shift_right_logical3A_349 = arith.shrui %get3A_339, %shift_right_logical3A_348 : vector<16xi32>
          %swap3A_350 = arith.constant 48 : index
          %swap3A_351 = tpu.vector_load %arg14[%swap3A_350] {strides = array<i32>} : memref<80xi32, #tpu.memory_space<vmem>>, vector<16xi32>,
          %swap3A_352 = vector.shape_cast %swap3A_351 : vector<16xi32> to vector<16xi32>
          %swap3A_353 = vector.shape_cast %shift_right_logical3A_349 : vector<16xi32> to vector<16xi32>
          tpu.vector_store %arg14[%swap3A_350], %swap3A_353 {strides = array<i32>} : memref<80xi32, #tpu.memory_space<vmem>>, vector<16xi32>,
          %get3A_354 = arith.constant 64 : index
          %get3A_355 = tpu.vector_load %arg8[%get3A_354] {strides = array<i32>} : memref<80xi32, #tpu.memory_space<vmem>>, vector<16xi32>,
          %get3A_356 = vector.shape_cast %get3A_355 : vector<16xi32> to vector<16xi32>
          %and3A_357 = arith.constant 65535 : i32
          %and3A_358 = vector.broadcast %and3A_357 : i32 to vector<16xi32>
          %and3A_359 = arith.andi %get3A_356, %and3A_358 : vector<16xi32>
          %swap3A_360 = arith.constant 64 : index
          %swap3A_361 = tpu.vector_load %arg11[%swap3A_360] {strides = array<i32>} : memref<80xi32, #tpu.memory_space<vmem>>, vector<16xi32>,
          %swap3A_362 = vector.shape_cast %swap3A_361 : vector<16xi32> to vector<16xi32>
          %swap3A_363 = vector.shape_cast %and3A_359 : vector<16xi32> to vector<16xi32>
          tpu.vector_store %arg11[%swap3A_360], %swap3A_363 {strides = array<i32>} : memref<80xi32, #tpu.memory_space<vmem>>, vector<16xi32>,
          %shift_right_logical3A_364 = arith.constant 16 : i32
          %shift_right_logical3A_365 = vector.broadcast %shift_right_logical3A_364 : i32 to vector<16xi32>
          %shift_right_logical3A_366 = arith.shrui %get3A_356, %shift_right_logical3A_365 : vector<16xi32>
          %swap3A_367 = arith.constant 64 : index
          %swap3A_368 = tpu.vector_load %arg14[%swap3A_367] {strides = array<i32>} : memref<80xi32, #tpu.memory_space<vmem>>, vector<16xi32>,
          %swap3A_369 = vector.shape_cast %swap3A_368 : vector<16xi32> to vector<16xi32>
          %swap3A_370 = vector.shape_cast %shift_right_logical3A_366 : vector<16xi32> to vector<16xi32>
          tpu.vector_store %arg14[%swap3A_367], %swap3A_370 {strides = array<i32>} : memref<80xi32, #tpu.memory_space<vmem>>, vector<16xi32>,
          %dma_start3A_371 = arith.constant 0 : i32
          %dma_start3A_372 = arith.constant 0 : i32
          %dma_start3A_373 = tpu.memref_slice %arg2[%dma_start3A_371, %dma_start3A_372] : memref<10000x128xf32, #tpu.memory_space<hbm>> -> memref<10000x128xf32, #tpu.memory_space<hbm>>
          tpu.enqueue_indirect_dma source(%dma_start3A_373 : memref<10000x128xf32, #tpu.memory_space<hbm>>) target(%arg17 : memref<80x128xf32, #tpu.memory_space<vmem>>) offsets(%arg11 : memref<80xi32, #tpu.memory_space<vmem>>) semaphore(%arg24 : memref<!tpu.dma_semaphore, #tpu.memory_space<semaphore_mem>>)
        } else {
        }
        %add3A_273 = arith.constant 3 : i32
        %add3A_274 = arith.addi %add3A_239, %add3A_273 : i32
        %lt3A_275 = arith.constant 125 : i32
        %lt3A_276 = arith.cmpi slt, %add3A_274, %lt3A_275 : i32
        %convert_element_type3A_277 = arith.extui %lt3A_276 : i1 to i32
        %cond3A_278 = arith.constant 0 : i32
        %cond3A_279 = arith.cmpi ne, %convert_element_type3A_277, %cond3A_278 : i32
        scf.if %cond3A_279 {
          %add3A_280 = arith.constant 3 : i32
          %add3A_281 = arith.addi %add3A_239, %add3A_280 : i32
          %add3A_282 = arith.addi %mul3A_2, %add3A_281 : i32
          %dma_start3A_283 = arith.constant 0 : i32
          %dma_start3A_284 = tpu.memref_slice %arg3[%add3A_282, %dma_start3A_283] : memref<4000x80xi32, #tpu.memory_space<hbm>> -> memref<1x80xi32, #tpu.memory_space<hbm>>
          %dma_start3A_285 = tpu.memref_squeeze %dma_start3A_284 : memref<1x80xi32, #tpu.memory_space<hbm>> -> memref<80xi32, #tpu.memory_space<hbm>>
          %dma_start3A_286 = arith.constant 0 : i32
          %dma_start3A_287 = tpu.memref_slice %arg3[%add3A_282, %dma_start3A_286] : memref<4000x80xi32, #tpu.memory_space<hbm>> -> memref<1x80xi32, #tpu.memory_space<hbm>>
          %dma_start3A_288 = tpu.memref_squeeze %dma_start3A_287 : memref<1x80xi32, #tpu.memory_space<hbm>> -> memref<80xi32, #tpu.memory_space<hbm>>
          tpu.enqueue_dma source(%dma_start3A_288 : memref<80xi32, #tpu.memory_space<hbm>>) target(%arg6 : memref<80xi32, #tpu.memory_space<vmem>>) target_semaphore(%arg19 : memref<!tpu.dma_semaphore, #tpu.memory_space<semaphore_mem>>)
        } else {
        }
      } else {
      }
      %add3A_242 = arith.constant 1 : i32
      %add3A_243 = arith.addi %add3A_237, %add3A_242 : i32
      %lt3A_244 = arith.constant 125 : i32
      %lt3A_245 = arith.cmpi slt, %add3A_243, %lt3A_244 : i32
      %convert_element_type3A_246 = arith.extui %lt3A_245 : i1 to i32
      %cond3A_247 = arith.constant 0 : i32
      %cond3A_248 = arith.cmpi ne, %convert_element_type3A_246, %cond3A_247 : i32
      scf.if %cond3A_248 {
        %dma_wait3A_256 = arith.constant 0 : i32
        %dma_wait3A_257 = arith.constant 0 : i32
        %dma_wait3A_258 = tpu.memref_slice %arg2[%dma_wait3A_256, %dma_wait3A_257] : memref<10000x128xf32, #tpu.memory_space<hbm>> -> memref<10000x128xf32, #tpu.memory_space<hbm>>
        tpu.wait_indirect_dma semaphore(%arg23 : memref<!tpu.dma_semaphore, #tpu.memory_space<semaphore_mem>>) src(%dma_wait3A_258 : memref<10000x128xf32, #tpu.memory_space<hbm>>) dst(%arg16 : memref<80x128xf32, #tpu.memory_space<vmem>>)
        %dma_start3A_259 = arith.constant 0 : i32
        %dma_start3A_260 = arith.constant 0 : i32
        %dma_start3A_261 = tpu.memref_slice %arg18[%dma_start3A_259, %dma_start3A_260] : memref<10112x128xf32, #tpu.memory_space<vmem_shared>> -> memref<10112x128xf32, #tpu.memory_space<vmem_shared>>
        tpu.enqueue_indirect_dma source(%arg16 : memref<80x128xf32, #tpu.memory_space<vmem>>) target(%dma_start3A_261 : memref<10112x128xf32, #tpu.memory_space<vmem_shared>>) offsets(%arg13 : memref<80xi32, #tpu.memory_space<vmem>>) semaphore(%arg26 : memref<!tpu.dma_semaphore, #tpu.memory_space<semaphore_mem>>) {add = true}
        %ge3A = arith.constant 1 : i32
        %ge3A_262 = arith.cmpi sge, %add3A_243, %ge3A : i32
        %convert_element_type3A_263 = arith.extui %ge3A_262 : i1 to i32
        %cond3A_264 = arith.constant 0 : i32
        %cond3A_265 = arith.cmpi ne, %convert_element_type3A_263, %cond3A_264 : i32
        scf.if %cond3A_265 {
          %dma_wait3A_280 = arith.constant 0 : i32
          %dma_wait3A_281 = arith.constant 0 : i32
          %dma_wait3A_282 = tpu.memref_slice %arg18[%dma_wait3A_280, %dma_wait3A_281] : memref<10112x128xf32, #tpu.memory_space<vmem_shared>> -> memref<10112x128xf32, #tpu.memory_space<vmem_shared>>
          tpu.wait_indirect_dma semaphore(%arg25 : memref<!tpu.dma_semaphore, #tpu.memory_space<semaphore_mem>>) src(%arg15 : memref<80x128xf32, #tpu.memory_space<vmem>>) dst(%dma_wait3A_282 : memref<10112x128xf32, #tpu.memory_space<vmem_shared>>)
        } else {
        }
        %add3A_266 = arith.constant 2 : i32
        %add3A_267 = arith.addi %add3A_243, %add3A_266 : i32
        %lt3A_268 = arith.constant 125 : i32
        %lt3A_269 = arith.cmpi slt, %add3A_267, %lt3A_268 : i32
        %convert_element_type3A_270 = arith.extui %lt3A_269 : i1 to i32
        %cond3A_271 = arith.constant 0 : i32
        %cond3A_272 = arith.cmpi ne, %convert_element_type3A_270, %cond3A_271 : i32
        scf.if %cond3A_272 {
          %dma_wait3A_280 = arith.constant 0 : i32
          %dma_wait3A_281 = tpu.memref_slice %arg3[%mul3A_2, %dma_wait3A_280] : memref<4000x80xi32, #tpu.memory_space<hbm>> -> memref<1x80xi32, #tpu.memory_space<hbm>>
          %dma_wait3A_282 = tpu.memref_squeeze %dma_wait3A_281 : memref<1x80xi32, #tpu.memory_space<hbm>> -> memref<80xi32, #tpu.memory_space<hbm>>
          %dma_wait3A_283 = arith.constant 0 : i32
          %dma_wait3A_284 = tpu.memref_slice %arg3[%mul3A_2, %dma_wait3A_283] : memref<4000x80xi32, #tpu.memory_space<hbm>> -> memref<1x80xi32, #tpu.memory_space<hbm>>
          %dma_wait3A_285 = tpu.memref_squeeze %dma_wait3A_284 : memref<1x80xi32, #tpu.memory_space<hbm>> -> memref<80xi32, #tpu.memory_space<hbm>>
          tpu.wait_dma2 semaphore(%arg19 : memref<!tpu.dma_semaphore, #tpu.memory_space<semaphore_mem>>) src(%dma_wait3A_285 : memref<80xi32, #tpu.memory_space<hbm>>) dst(%arg6 : memref<80xi32, #tpu.memory_space<vmem>>)
          %get3A_286 = arith.constant 0 : index
          %get3A_287 = tpu.vector_load %arg6[%get3A_286] {strides = array<i32>} : memref<80xi32, #tpu.memory_space<vmem>>, vector<16xi32>,
          %get3A_288 = vector.shape_cast %get3A_287 : vector<16xi32> to vector<16xi32>
          %and3A_289 = arith.constant 65535 : i32
          %and3A_290 = vector.broadcast %and3A_289 : i32 to vector<16xi32>
          %and3A_291 = arith.andi %get3A_288, %and3A_290 : vector<16xi32>
          %swap3A_292 = arith.constant 0 : index
          %swap3A_293 = tpu.vector_load %arg9[%swap3A_292] {strides = array<i32>} : memref<80xi32, #tpu.memory_space<vmem>>, vector<16xi32>,
          %swap3A_294 = vector.shape_cast %swap3A_293 : vector<16xi32> to vector<16xi32>
          %swap3A_295 = vector.shape_cast %and3A_291 : vector<16xi32> to vector<16xi32>
          tpu.vector_store %arg9[%swap3A_292], %swap3A_295 {strides = array<i32>} : memref<80xi32, #tpu.memory_space<vmem>>, vector<16xi32>,
          %shift_right_logical3A_296 = arith.constant 16 : i32
          %shift_right_logical3A_297 = vector.broadcast %shift_right_logical3A_296 : i32 to vector<16xi32>
          %shift_right_logical3A_298 = arith.shrui %get3A_288, %shift_right_logical3A_297 : vector<16xi32>
          %swap3A_299 = arith.constant 0 : index
          %swap3A_300 = tpu.vector_load %arg12[%swap3A_299] {strides = array<i32>} : memref<80xi32, #tpu.memory_space<vmem>>, vector<16xi32>,
          %swap3A_301 = vector.shape_cast %swap3A_300 : vector<16xi32> to vector<16xi32>
          %swap3A_302 = vector.shape_cast %shift_right_logical3A_298 : vector<16xi32> to vector<16xi32>
          tpu.vector_store %arg12[%swap3A_299], %swap3A_302 {strides = array<i32>} : memref<80xi32, #tpu.memory_space<vmem>>, vector<16xi32>,
          %get3A_303 = arith.constant 16 : index
          %get3A_304 = tpu.vector_load %arg6[%get3A_303] {strides = array<i32>} : memref<80xi32, #tpu.memory_space<vmem>>, vector<16xi32>,
          %get3A_305 = vector.shape_cast %get3A_304 : vector<16xi32> to vector<16xi32>
          %and3A_306 = arith.constant 65535 : i32
          %and3A_307 = vector.broadcast %and3A_306 : i32 to vector<16xi32>
          %and3A_308 = arith.andi %get3A_305, %and3A_307 : vector<16xi32>
          %swap3A_309 = arith.constant 16 : index
          %swap3A_310 = tpu.vector_load %arg9[%swap3A_309] {strides = array<i32>} : memref<80xi32, #tpu.memory_space<vmem>>, vector<16xi32>,
          %swap3A_311 = vector.shape_cast %swap3A_310 : vector<16xi32> to vector<16xi32>
          %swap3A_312 = vector.shape_cast %and3A_308 : vector<16xi32> to vector<16xi32>
          tpu.vector_store %arg9[%swap3A_309], %swap3A_312 {strides = array<i32>} : memref<80xi32, #tpu.memory_space<vmem>>, vector<16xi32>,
          %shift_right_logical3A_313 = arith.constant 16 : i32
          %shift_right_logical3A_314 = vector.broadcast %shift_right_logical3A_313 : i32 to vector<16xi32>
          %shift_right_logical3A_315 = arith.shrui %get3A_305, %shift_right_logical3A_314 : vector<16xi32>
          %swap3A_316 = arith.constant 16 : index
          %swap3A_317 = tpu.vector_load %arg12[%swap3A_316] {strides = array<i32>} : memref<80xi32, #tpu.memory_space<vmem>>, vector<16xi32>,
          %swap3A_318 = vector.shape_cast %swap3A_317 : vector<16xi32> to vector<16xi32>
          %swap3A_319 = vector.shape_cast %shift_right_logical3A_315 : vector<16xi32> to vector<16xi32>
          tpu.vector_store %arg12[%swap3A_316], %swap3A_319 {strides = array<i32>} : memref<80xi32, #tpu.memory_space<vmem>>, vector<16xi32>,
          %get3A_320 = arith.constant 32 : index
          %get3A_321 = tpu.vector_load %arg6[%get3A_320] {strides = array<i32>} : memref<80xi32, #tpu.memory_space<vmem>>, vector<16xi32>,
          %get3A_322 = vector.shape_cast %get3A_321 : vector<16xi32> to vector<16xi32>
          %and3A_323 = arith.constant 65535 : i32
          %and3A_324 = vector.broadcast %and3A_323 : i32 to vector<16xi32>
          %and3A_325 = arith.andi %get3A_322, %and3A_324 : vector<16xi32>
          %swap3A_326 = arith.constant 32 : index
          %swap3A_327 = tpu.vector_load %arg9[%swap3A_326] {strides = array<i32>} : memref<80xi32, #tpu.memory_space<vmem>>, vector<16xi32>,
          %swap3A_328 = vector.shape_cast %swap3A_327 : vector<16xi32> to vector<16xi32>
          %swap3A_329 = vector.shape_cast %and3A_325 : vector<16xi32> to vector<16xi32>
          tpu.vector_store %arg9[%swap3A_326], %swap3A_329 {strides = array<i32>} : memref<80xi32, #tpu.memory_space<vmem>>, vector<16xi32>,
          %shift_right_logical3A_330 = arith.constant 16 : i32
          %shift_right_logical3A_331 = vector.broadcast %shift_right_logical3A_330 : i32 to vector<16xi32>
          %shift_right_logical3A_332 = arith.shrui %get3A_322, %shift_right_logical3A_331 : vector<16xi32>
          %swap3A_333 = arith.constant 32 : index
          %swap3A_334 = tpu.vector_load %arg12[%swap3A_333] {strides = array<i32>} : memref<80xi32, #tpu.memory_space<vmem>>, vector<16xi32>,
          %swap3A_335 = vector.shape_cast %swap3A_334 : vector<16xi32> to vector<16xi32>
          %swap3A_336 = vector.shape_cast %shift_right_logical3A_332 : vector<16xi32> to vector<16xi32>
          tpu.vector_store %arg12[%swap3A_333], %swap3A_336 {strides = array<i32>} : memref<80xi32, #tpu.memory_space<vmem>>, vector<16xi32>,
          %get3A_337 = arith.constant 48 : index
          %get3A_338 = tpu.vector_load %arg6[%get3A_337] {strides = array<i32>} : memref<80xi32, #tpu.memory_space<vmem>>, vector<16xi32>,
          %get3A_339 = vector.shape_cast %get3A_338 : vector<16xi32> to vector<16xi32>
          %and3A_340 = arith.constant 65535 : i32
          %and3A_341 = vector.broadcast %and3A_340 : i32 to vector<16xi32>
          %and3A_342 = arith.andi %get3A_339, %and3A_341 : vector<16xi32>
          %swap3A_343 = arith.constant 48 : index
          %swap3A_344 = tpu.vector_load %arg9[%swap3A_343] {strides = array<i32>} : memref<80xi32, #tpu.memory_space<vmem>>, vector<16xi32>,
          %swap3A_345 = vector.shape_cast %swap3A_344 : vector<16xi32> to vector<16xi32>
          %swap3A_346 = vector.shape_cast %and3A_342 : vector<16xi32> to vector<16xi32>
          tpu.vector_store %arg9[%swap3A_343], %swap3A_346 {strides = array<i32>} : memref<80xi32, #tpu.memory_space<vmem>>, vector<16xi32>,
          %shift_right_logical3A_347 = arith.constant 16 : i32
          %shift_right_logical3A_348 = vector.broadcast %shift_right_logical3A_347 : i32 to vector<16xi32>
          %shift_right_logical3A_349 = arith.shrui %get3A_339, %shift_right_logical3A_348 : vector<16xi32>
          %swap3A_350 = arith.constant 48 : index
          %swap3A_351 = tpu.vector_load %arg12[%swap3A_350] {strides = array<i32>} : memref<80xi32, #tpu.memory_space<vmem>>, vector<16xi32>,
          %swap3A_352 = vector.shape_cast %swap3A_351 : vector<16xi32> to vector<16xi32>
          %swap3A_353 = vector.shape_cast %shift_right_logical3A_349 : vector<16xi32> to vector<16xi32>
          tpu.vector_store %arg12[%swap3A_350], %swap3A_353 {strides = array<i32>} : memref<80xi32, #tpu.memory_space<vmem>>, vector<16xi32>,
          %get3A_354 = arith.constant 64 : index
          %get3A_355 = tpu.vector_load %arg6[%get3A_354] {strides = array<i32>} : memref<80xi32, #tpu.memory_space<vmem>>, vector<16xi32>,
          %get3A_356 = vector.shape_cast %get3A_355 : vector<16xi32> to vector<16xi32>
          %and3A_357 = arith.constant 65535 : i32
          %and3A_358 = vector.broadcast %and3A_357 : i32 to vector<16xi32>
          %and3A_359 = arith.andi %get3A_356, %and3A_358 : vector<16xi32>
          %swap3A_360 = arith.constant 64 : index
          %swap3A_361 = tpu.vector_load %arg9[%swap3A_360] {strides = array<i32>} : memref<80xi32, #tpu.memory_space<vmem>>, vector<16xi32>,
          %swap3A_362 = vector.shape_cast %swap3A_361 : vector<16xi32> to vector<16xi32>
          %swap3A_363 = vector.shape_cast %and3A_359 : vector<16xi32> to vector<16xi32>
          tpu.vector_store %arg9[%swap3A_360], %swap3A_363 {strides = array<i32>} : memref<80xi32, #tpu.memory_space<vmem>>, vector<16xi32>,
          %shift_right_logical3A_364 = arith.constant 16 : i32
          %shift_right_logical3A_365 = vector.broadcast %shift_right_logical3A_364 : i32 to vector<16xi32>
          %shift_right_logical3A_366 = arith.shrui %get3A_356, %shift_right_logical3A_365 : vector<16xi32>
          %swap3A_367 = arith.constant 64 : index
          %swap3A_368 = tpu.vector_load %arg12[%swap3A_367] {strides = array<i32>} : memref<80xi32, #tpu.memory_space<vmem>>, vector<16xi32>,
          %swap3A_369 = vector.shape_cast %swap3A_368 : vector<16xi32> to vector<16xi32>
          %swap3A_370 = vector.shape_cast %shift_right_logical3A_366 : vector<16xi32> to vector<16xi32>
          tpu.vector_store %arg12[%swap3A_367], %swap3A_370 {strides = array<i32>} : memref<80xi32, #tpu.memory_space<vmem>>, vector<16xi32>,
          %dma_start3A_371 = arith.constant 0 : i32
          %dma_start3A_372 = arith.constant 0 : i32
          %dma_start3A_373 = tpu.memref_slice %arg2[%dma_start3A_371, %dma_start3A_372] : memref<10000x128xf32, #tpu.memory_space<hbm>> -> memref<10000x128xf32, #tpu.memory_space<hbm>>
          tpu.enqueue_indirect_dma source(%dma_start3A_373 : memref<10000x128xf32, #tpu.memory_space<hbm>>) target(%arg15 : memref<80x128xf32, #tpu.memory_space<vmem>>) offsets(%arg9 : memref<80xi32, #tpu.memory_space<vmem>>) semaphore(%arg22 : memref<!tpu.dma_semaphore, #tpu.memory_space<semaphore_mem>>)
        } else {
        }
        %add3A_273 = arith.constant 3 : i32
        %add3A_274 = arith.addi %add3A_243, %add3A_273 : i32
        %lt3A_275 = arith.constant 125 : i32
        %lt3A_276 = arith.cmpi slt, %add3A_274, %lt3A_275 : i32
        %convert_element_type3A_277 = arith.extui %lt3A_276 : i1 to i32
        %cond3A_278 = arith.constant 0 : i32
        %cond3A_279 = arith.cmpi ne, %convert_element_type3A_277, %cond3A_278 : i32
        scf.if %cond3A_279 {
          %add3A_280 = arith.constant 3 : i32
          %add3A_281 = arith.addi %add3A_243, %add3A_280 : i32
          %add3A_282 = arith.addi %mul3A_2, %add3A_281 : i32
          %dma_start3A_283 = arith.constant 0 : i32
          %dma_start3A_284 = tpu.memref_slice %arg3[%add3A_282, %dma_start3A_283] : memref<4000x80xi32, #tpu.memory_space<hbm>> -> memref<1x80xi32, #tpu.memory_space<hbm>>
          %dma_start3A_285 = tpu.memref_squeeze %dma_start3A_284 : memref<1x80xi32, #tpu.memory_space<hbm>> -> memref<80xi32, #tpu.memory_space<hbm>>
          %dma_start3A_286 = arith.constant 0 : i32
          %dma_start3A_287 = tpu.memref_slice %arg3[%add3A_282, %dma_start3A_286] : memref<4000x80xi32, #tpu.memory_space<hbm>> -> memref<1x80xi32, #tpu.memory_space<hbm>>
          %dma_start3A_288 = tpu.memref_squeeze %dma_start3A_287 : memref<1x80xi32, #tpu.memory_space<hbm>> -> memref<80xi32, #tpu.memory_space<hbm>>
          tpu.enqueue_dma source(%dma_start3A_288 : memref<80xi32, #tpu.memory_space<hbm>>) target(%arg7 : memref<80xi32, #tpu.memory_space<vmem>>) target_semaphore(%arg20 : memref<!tpu.dma_semaphore, #tpu.memory_space<semaphore_mem>>)
        } else {
        }
      } else {
      }
      %add3A_249 = arith.constant 2 : i32
      %add3A_250 = arith.addi %add3A_237, %add3A_249 : i32
      %lt3A_251 = arith.constant 125 : i32
      %lt3A_252 = arith.cmpi slt, %add3A_250, %lt3A_251 : i32
      %convert_element_type3A_253 = arith.extui %lt3A_252 : i1 to i32
      %cond3A_254 = arith.constant 0 : i32
      %cond3A_255 = arith.cmpi ne, %convert_element_type3A_253, %cond3A_254 : i32
      scf.if %cond3A_255 {
        %dma_wait3A_256 = arith.constant 0 : i32
        %dma_wait3A_257 = arith.constant 0 : i32
        %dma_wait3A_258 = tpu.memref_slice %arg2[%dma_wait3A_256, %dma_wait3A_257] : memref<10000x128xf32, #tpu.memory_space<hbm>> -> memref<10000x128xf32, #tpu.memory_space<hbm>>
        tpu.wait_indirect_dma semaphore(%arg24 : memref<!tpu.dma_semaphore, #tpu.memory_space<semaphore_mem>>) src(%dma_wait3A_258 : memref<10000x128xf32, #tpu.memory_space<hbm>>) dst(%arg17 : memref<80x128xf32, #tpu.memory_space<vmem>>)
        %dma_start3A_259 = arith.constant 0 : i32
        %dma_start3A_260 = arith.constant 0 : i32
        %dma_start3A_261 = tpu.memref_slice %arg18[%dma_start3A_259, %dma_start3A_260] : memref<10112x128xf32, #tpu.memory_space<vmem_shared>> -> memref<10112x128xf32, #tpu.memory_space<vmem_shared>>
        tpu.enqueue_indirect_dma source(%arg17 : memref<80x128xf32, #tpu.memory_space<vmem>>) target(%dma_start3A_261 : memref<10112x128xf32, #tpu.memory_space<vmem_shared>>) offsets(%arg14 : memref<80xi32, #tpu.memory_space<vmem>>) semaphore(%arg27 : memref<!tpu.dma_semaphore, #tpu.memory_space<semaphore_mem>>) {add = true}
        %ge3A = arith.constant 1 : i32
        %ge3A_262 = arith.cmpi sge, %add3A_250, %ge3A : i32
        %convert_element_type3A_263 = arith.extui %ge3A_262 : i1 to i32
        %cond3A_264 = arith.constant 0 : i32
        %cond3A_265 = arith.cmpi ne, %convert_element_type3A_263, %cond3A_264 : i32
        scf.if %cond3A_265 {
          %dma_wait3A_280 = arith.constant 0 : i32
          %dma_wait3A_281 = arith.constant 0 : i32
          %dma_wait3A_282 = tpu.memref_slice %arg18[%dma_wait3A_280, %dma_wait3A_281] : memref<10112x128xf32, #tpu.memory_space<vmem_shared>> -> memref<10112x128xf32, #tpu.memory_space<vmem_shared>>
          tpu.wait_indirect_dma semaphore(%arg26 : memref<!tpu.dma_semaphore, #tpu.memory_space<semaphore_mem>>) src(%arg16 : memref<80x128xf32, #tpu.memory_space<vmem>>) dst(%dma_wait3A_282 : memref<10112x128xf32, #tpu.memory_space<vmem_shared>>)
        } else {
        }
        %add3A_266 = arith.constant 2 : i32
        %add3A_267 = arith.addi %add3A_250, %add3A_266 : i32
        %lt3A_268 = arith.constant 125 : i32
        %lt3A_269 = arith.cmpi slt, %add3A_267, %lt3A_268 : i32
        %convert_element_type3A_270 = arith.extui %lt3A_269 : i1 to i32
        %cond3A_271 = arith.constant 0 : i32
        %cond3A_272 = arith.cmpi ne, %convert_element_type3A_270, %cond3A_271 : i32
        scf.if %cond3A_272 {
          %dma_wait3A_280 = arith.constant 0 : i32
          %dma_wait3A_281 = tpu.memref_slice %arg3[%mul3A_2, %dma_wait3A_280] : memref<4000x80xi32, #tpu.memory_space<hbm>> -> memref<1x80xi32, #tpu.memory_space<hbm>>
          %dma_wait3A_282 = tpu.memref_squeeze %dma_wait3A_281 : memref<1x80xi32, #tpu.memory_space<hbm>> -> memref<80xi32, #tpu.memory_space<hbm>>
          %dma_wait3A_283 = arith.constant 0 : i32
          %dma_wait3A_284 = tpu.memref_slice %arg3[%mul3A_2, %dma_wait3A_283] : memref<4000x80xi32, #tpu.memory_space<hbm>> -> memref<1x80xi32, #tpu.memory_space<hbm>>
          %dma_wait3A_285 = tpu.memref_squeeze %dma_wait3A_284 : memref<1x80xi32, #tpu.memory_space<hbm>> -> memref<80xi32, #tpu.memory_space<hbm>>
          tpu.wait_dma2 semaphore(%arg20 : memref<!tpu.dma_semaphore, #tpu.memory_space<semaphore_mem>>) src(%dma_wait3A_285 : memref<80xi32, #tpu.memory_space<hbm>>) dst(%arg7 : memref<80xi32, #tpu.memory_space<vmem>>)
          %get3A_286 = arith.constant 0 : index
          %get3A_287 = tpu.vector_load %arg7[%get3A_286] {strides = array<i32>} : memref<80xi32, #tpu.memory_space<vmem>>, vector<16xi32>,
          %get3A_288 = vector.shape_cast %get3A_287 : vector<16xi32> to vector<16xi32>
          %and3A_289 = arith.constant 65535 : i32
          %and3A_290 = vector.broadcast %and3A_289 : i32 to vector<16xi32>
          %and3A_291 = arith.andi %get3A_288, %and3A_290 : vector<16xi32>
          %swap3A_292 = arith.constant 0 : index
          %swap3A_293 = tpu.vector_load %arg10[%swap3A_292] {strides = array<i32>} : memref<80xi32, #tpu.memory_space<vmem>>, vector<16xi32>,
          %swap3A_294 = vector.shape_cast %swap3A_293 : vector<16xi32> to vector<16xi32>
          %swap3A_295 = vector.shape_cast %and3A_291 : vector<16xi32> to vector<16xi32>
          tpu.vector_store %arg10[%swap3A_292], %swap3A_295 {strides = array<i32>} : memref<80xi32, #tpu.memory_space<vmem>>, vector<16xi32>,
          %shift_right_logical3A_296 = arith.constant 16 : i32
          %shift_right_logical3A_297 = vector.broadcast %shift_right_logical3A_296 : i32 to vector<16xi32>
          %shift_right_logical3A_298 = arith.shrui %get3A_288, %shift_right_logical3A_297 : vector<16xi32>
          %swap3A_299 = arith.constant 0 : index
          %swap3A_300 = tpu.vector_load %arg13[%swap3A_299] {strides = array<i32>} : memref<80xi32, #tpu.memory_space<vmem>>, vector<16xi32>,
          %swap3A_301 = vector.shape_cast %swap3A_300 : vector<16xi32> to vector<16xi32>
          %swap3A_302 = vector.shape_cast %shift_right_logical3A_298 : vector<16xi32> to vector<16xi32>
          tpu.vector_store %arg13[%swap3A_299], %swap3A_302 {strides = array<i32>} : memref<80xi32, #tpu.memory_space<vmem>>, vector<16xi32>,
          %get3A_303 = arith.constant 16 : index
          %get3A_304 = tpu.vector_load %arg7[%get3A_303] {strides = array<i32>} : memref<80xi32, #tpu.memory_space<vmem>>, vector<16xi32>,
          %get3A_305 = vector.shape_cast %get3A_304 : vector<16xi32> to vector<16xi32>
          %and3A_306 = arith.constant 65535 : i32
          %and3A_307 = vector.broadcast %and3A_306 : i32 to vector<16xi32>
          %and3A_308 = arith.andi %get3A_305, %and3A_307 : vector<16xi32>
          %swap3A_309 = arith.constant 16 : index
          %swap3A_310 = tpu.vector_load %arg10[%swap3A_309] {strides = array<i32>} : memref<80xi32, #tpu.memory_space<vmem>>, vector<16xi32>,
          %swap3A_311 = vector.shape_cast %swap3A_310 : vector<16xi32> to vector<16xi32>
          %swap3A_312 = vector.shape_cast %and3A_308 : vector<16xi32> to vector<16xi32>
          tpu.vector_store %arg10[%swap3A_309], %swap3A_312 {strides = array<i32>} : memref<80xi32, #tpu.memory_space<vmem>>, vector<16xi32>,
          %shift_right_logical3A_313 = arith.constant 16 : i32
          %shift_right_logical3A_314 = vector.broadcast %shift_right_logical3A_313 : i32 to vector<16xi32>
          %shift_right_logical3A_315 = arith.shrui %get3A_305, %shift_right_logical3A_314 : vector<16xi32>
          %swap3A_316 = arith.constant 16 : index
          %swap3A_317 = tpu.vector_load %arg13[%swap3A_316] {strides = array<i32>} : memref<80xi32, #tpu.memory_space<vmem>>, vector<16xi32>,
          %swap3A_318 = vector.shape_cast %swap3A_317 : vector<16xi32> to vector<16xi32>
          %swap3A_319 = vector.shape_cast %shift_right_logical3A_315 : vector<16xi32> to vector<16xi32>
          tpu.vector_store %arg13[%swap3A_316], %swap3A_319 {strides = array<i32>} : memref<80xi32, #tpu.memory_space<vmem>>, vector<16xi32>,
          %get3A_320 = arith.constant 32 : index
          %get3A_321 = tpu.vector_load %arg7[%get3A_320] {strides = array<i32>} : memref<80xi32, #tpu.memory_space<vmem>>, vector<16xi32>,
          %get3A_322 = vector.shape_cast %get3A_321 : vector<16xi32> to vector<16xi32>
          %and3A_323 = arith.constant 65535 : i32
          %and3A_324 = vector.broadcast %and3A_323 : i32 to vector<16xi32>
          %and3A_325 = arith.andi %get3A_322, %and3A_324 : vector<16xi32>
          %swap3A_326 = arith.constant 32 : index
          %swap3A_327 = tpu.vector_load %arg10[%swap3A_326] {strides = array<i32>} : memref<80xi32, #tpu.memory_space<vmem>>, vector<16xi32>,
          %swap3A_328 = vector.shape_cast %swap3A_327 : vector<16xi32> to vector<16xi32>
          %swap3A_329 = vector.shape_cast %and3A_325 : vector<16xi32> to vector<16xi32>
          tpu.vector_store %arg10[%swap3A_326], %swap3A_329 {strides = array<i32>} : memref<80xi32, #tpu.memory_space<vmem>>, vector<16xi32>,
          %shift_right_logical3A_330 = arith.constant 16 : i32
          %shift_right_logical3A_331 = vector.broadcast %shift_right_logical3A_330 : i32 to vector<16xi32>
          %shift_right_logical3A_332 = arith.shrui %get3A_322, %shift_right_logical3A_331 : vector<16xi32>
          %swap3A_333 = arith.constant 32 : index
          %swap3A_334 = tpu.vector_load %arg13[%swap3A_333] {strides = array<i32>} : memref<80xi32, #tpu.memory_space<vmem>>, vector<16xi32>,
          %swap3A_335 = vector.shape_cast %swap3A_334 : vector<16xi32> to vector<16xi32>
          %swap3A_336 = vector.shape_cast %shift_right_logical3A_332 : vector<16xi32> to vector<16xi32>
          tpu.vector_store %arg13[%swap3A_333], %swap3A_336 {strides = array<i32>} : memref<80xi32, #tpu.memory_space<vmem>>, vector<16xi32>,
          %get3A_337 = arith.constant 48 : index
          %get3A_338 = tpu.vector_load %arg7[%get3A_337] {strides = array<i32>} : memref<80xi32, #tpu.memory_space<vmem>>, vector<16xi32>,
          %get3A_339 = vector.shape_cast %get3A_338 : vector<16xi32> to vector<16xi32>
          %and3A_340 = arith.constant 65535 : i32
          %and3A_341 = vector.broadcast %and3A_340 : i32 to vector<16xi32>
          %and3A_342 = arith.andi %get3A_339, %and3A_341 : vector<16xi32>
          %swap3A_343 = arith.constant 48 : index
          %swap3A_344 = tpu.vector_load %arg10[%swap3A_343] {strides = array<i32>} : memref<80xi32, #tpu.memory_space<vmem>>, vector<16xi32>,
          %swap3A_345 = vector.shape_cast %swap3A_344 : vector<16xi32> to vector<16xi32>
          %swap3A_346 = vector.shape_cast %and3A_342 : vector<16xi32> to vector<16xi32>
          tpu.vector_store %arg10[%swap3A_343], %swap3A_346 {strides = array<i32>} : memref<80xi32, #tpu.memory_space<vmem>>, vector<16xi32>,
          %shift_right_logical3A_347 = arith.constant 16 : i32
          %shift_right_logical3A_348 = vector.broadcast %shift_right_logical3A_347 : i32 to vector<16xi32>
          %shift_right_logical3A_349 = arith.shrui %get3A_339, %shift_right_logical3A_348 : vector<16xi32>
          %swap3A_350 = arith.constant 48 : index
          %swap3A_351 = tpu.vector_load %arg13[%swap3A_350] {strides = array<i32>} : memref<80xi32, #tpu.memory_space<vmem>>, vector<16xi32>,
          %swap3A_352 = vector.shape_cast %swap3A_351 : vector<16xi32> to vector<16xi32>
          %swap3A_353 = vector.shape_cast %shift_right_logical3A_349 : vector<16xi32> to vector<16xi32>
          tpu.vector_store %arg13[%swap3A_350], %swap3A_353 {strides = array<i32>} : memref<80xi32, #tpu.memory_space<vmem>>, vector<16xi32>,
          %get3A_354 = arith.constant 64 : index
          %get3A_355 = tpu.vector_load %arg7[%get3A_354] {strides = array<i32>} : memref<80xi32, #tpu.memory_space<vmem>>, vector<16xi32>,
          %get3A_356 = vector.shape_cast %get3A_355 : vector<16xi32> to vector<16xi32>
          %and3A_357 = arith.constant 65535 : i32
          %and3A_358 = vector.broadcast %and3A_357 : i32 to vector<16xi32>
          %and3A_359 = arith.andi %get3A_356, %and3A_358 : vector<16xi32>
          %swap3A_360 = arith.constant 64 : index
          %swap3A_361 = tpu.vector_load %arg10[%swap3A_360] {strides = array<i32>} : memref<80xi32, #tpu.memory_space<vmem>>, vector<16xi32>,
          %swap3A_362 = vector.shape_cast %swap3A_361 : vector<16xi32> to vector<16xi32>
          %swap3A_363 = vector.shape_cast %and3A_359 : vector<16xi32> to vector<16xi32>
          tpu.vector_store %arg10[%swap3A_360], %swap3A_363 {strides = array<i32>} : memref<80xi32, #tpu.memory_space<vmem>>, vector<16xi32>,
          %shift_right_logical3A_364 = arith.constant 16 : i32
          %shift_right_logical3A_365 = vector.broadcast %shift_right_logical3A_364 : i32 to vector<16xi32>
          %shift_right_logical3A_366 = arith.shrui %get3A_356, %shift_right_logical3A_365 : vector<16xi32>
          %swap3A_367 = arith.constant 64 : index
          %swap3A_368 = tpu.vector_load %arg13[%swap3A_367] {strides = array<i32>} : memref<80xi32, #tpu.memory_space<vmem>>, vector<16xi32>,
          %swap3A_369 = vector.shape_cast %swap3A_368 : vector<16xi32> to vector<16xi32>
          %swap3A_370 = vector.shape_cast %shift_right_logical3A_366 : vector<16xi32> to vector<16xi32>
          tpu.vector_store %arg13[%swap3A_367], %swap3A_370 {strides = array<i32>} : memref<80xi32, #tpu.memory_space<vmem>>, vector<16xi32>,
          %dma_start3A_371 = arith.constant 0 : i32
          %dma_start3A_372 = arith.constant 0 : i32
          %dma_start3A_373 = tpu.memref_slice %arg2[%dma_start3A_371, %dma_start3A_372] : memref<10000x128xf32, #tpu.memory_space<hbm>> -> memref<10000x128xf32, #tpu.memory_space<hbm>>
          tpu.enqueue_indirect_dma source(%dma_start3A_373 : memref<10000x128xf32, #tpu.memory_space<hbm>>) target(%arg16 : memref<80x128xf32, #tpu.memory_space<vmem>>) offsets(%arg10 : memref<80xi32, #tpu.memory_space<vmem>>) semaphore(%arg23 : memref<!tpu.dma_semaphore, #tpu.memory_space<semaphore_mem>>)
        } else {
        }
        %add3A_273 = arith.constant 3 : i32
        %add3A_274 = arith.addi %add3A_250, %add3A_273 : i32
        %lt3A_275 = arith.constant 125 : i32
        %lt3A_276 = arith.cmpi slt, %add3A_274, %lt3A_275 : i32
        %convert_element_type3A_277 = arith.extui %lt3A_276 : i1 to i32
        %cond3A_278 = arith.constant 0 : i32
        %cond3A_279 = arith.cmpi ne, %convert_element_type3A_277, %cond3A_278 : i32
        scf.if %cond3A_279 {
          %add3A_280 = arith.constant 3 : i32
          %add3A_281 = arith.addi %add3A_250, %add3A_280 : i32
          %add3A_282 = arith.addi %mul3A_2, %add3A_281 : i32
          %dma_start3A_283 = arith.constant 0 : i32
          %dma_start3A_284 = tpu.memref_slice %arg3[%add3A_282, %dma_start3A_283] : memref<4000x80xi32, #tpu.memory_space<hbm>> -> memref<1x80xi32, #tpu.memory_space<hbm>>
          %dma_start3A_285 = tpu.memref_squeeze %dma_start3A_284 : memref<1x80xi32, #tpu.memory_space<hbm>> -> memref<80xi32, #tpu.memory_space<hbm>>
          %dma_start3A_286 = arith.constant 0 : i32
          %dma_start3A_287 = tpu.memref_slice %arg3[%add3A_282, %dma_start3A_286] : memref<4000x80xi32, #tpu.memory_space<hbm>> -> memref<1x80xi32, #tpu.memory_space<hbm>>
          %dma_start3A_288 = tpu.memref_squeeze %dma_start3A_287 : memref<1x80xi32, #tpu.memory_space<hbm>> -> memref<80xi32, #tpu.memory_space<hbm>>
          tpu.enqueue_dma source(%dma_start3A_288 : memref<80xi32, #tpu.memory_space<hbm>>) target(%arg8 : memref<80xi32, #tpu.memory_space<vmem>>) target_semaphore(%arg21 : memref<!tpu.dma_semaphore, #tpu.memory_space<semaphore_mem>>)
        } else {
        }
      } else {
      }
    }
    %scan3A_224 = arith.constant 42 : i32
    %dma_wait3A_225 = arith.constant 0 : i32
    %dma_wait3A_226 = arith.constant 0 : i32
    %dma_wait3A_227 = tpu.memref_slice %arg18[%dma_wait3A_225, %dma_wait3A_226] : memref<10112x128xf32, #tpu.memory_space<vmem_shared>> -> memref<10112x128xf32, #tpu.memory_space<vmem_shared>>
    tpu.wait_indirect_dma semaphore(%arg26 : memref<!tpu.dma_semaphore, #tpu.memory_space<semaphore_mem>>) src(%arg16 : memref<80x128xf32, #tpu.memory_space<vmem>>) dst(%dma_wait3A_227 : memref<10112x128xf32, #tpu.memory_space<vmem_shared>>)
    %barrier3A_228 = arith.constant 0 : index
    tpu.barrier barrier_id(%barrier3A_228)
    %mul3A_229 = arith.constant 632 : i32
    %mul3A_230 = arith.muli %arg1, %mul3A_229 : i32
    %mul3A_231 = arith.constant 632 : i32
    %mul3A_232 = arith.muli %arg1, %mul3A_231 : i32
    "tpu.region"() ({
      %run_scoped3A = tpu.sem_alloc : memref<!tpu.dma_semaphore, #tpu.memory_space<semaphore_mem>>
      %dma_start3A_233 = arith.constant 0 : i32
      %dma_start3A_234 = tpu.memref_slice %arg5[%arg0, %mul3A_232, %dma_start3A_233] : memref<2x10112x128xf32, #tpu.memory_space<hbm>> -> memref<1x632x128xf32, #tpu.memory_space<hbm>>
      %dma_start3A_235 = tpu.memref_squeeze %dma_start3A_234 : memref<1x632x128xf32, #tpu.memory_space<hbm>> -> memref<632x128xf32, #tpu.memory_space<hbm>>
      %dma_start3A_236 = arith.constant 0 : i32
      %dma_start3A_237 = tpu.memref_slice %arg18[%mul3A_230, %dma_start3A_236] : memref<10112x128xf32, #tpu.memory_space<vmem_shared>> -> memref<632x128xf32, #tpu.memory_space<vmem_shared>>
      tpu.enqueue_dma source(%dma_start3A_237 : memref<632x128xf32, #tpu.memory_space<vmem_shared>>) target(%dma_start3A_235 : memref<632x128xf32, #tpu.memory_space<hbm>>) target_semaphore(%run_scoped3A : memref<!tpu.dma_semaphore, #tpu.memory_space<semaphore_mem>>)
      %dma_wait3A_238 = arith.constant 0 : i32
      %dma_wait3A_239 = tpu.memref_slice %arg5[%arg0, %mul3A_232, %dma_wait3A_238] : memref<2x10112x128xf32, #tpu.memory_space<hbm>> -> memref<1x632x128xf32, #tpu.memory_space<hbm>>
      %dma_wait3A_240 = tpu.memref_squeeze %dma_wait3A_239 : memref<1x632x128xf32, #tpu.memory_space<hbm>> -> memref<632x128xf32, #tpu.memory_space<hbm>>
      %dma_wait3A_241 = arith.constant 0 : i32
      %dma_wait3A_242 = tpu.memref_slice %arg18[%mul3A_230, %dma_wait3A_241] : memref<10112x128xf32, #tpu.memory_space<vmem_shared>> -> memref<632x128xf32, #tpu.memory_space<vmem_shared>>
      tpu.wait_dma2 semaphore(%run_scoped3A : memref<!tpu.dma_semaphore, #tpu.memory_space<semaphore_mem>>) src(%dma_wait3A_242 : memref<632x128xf32, #tpu.memory_space<vmem_shared>>) dst(%dma_wait3A_240 : memref<632x128xf32, #tpu.memory_space<hbm>>)
      tpu.yield
    }) : () -> ()
    return
  }
}

#map = affine_map<(d0, d1) -> (0, 0, 0)>
#map1 = affine_map<(d0, d1) -> (0, 0)>
module attributes {stable_mosaic.version = 14 : i64} {
  func.func @body(%arg0: i32, %arg1: i32, %arg2: memref<32x125x80xi32, #tpu.memory_space<hbm>>, %arg3: memref<10112x128xf32, #tpu.memory_space<hbm>>, %arg4: memref<80x128xf32, #tpu.memory_space<hbm>>, %arg5: memref<2x10112x128xf32, #tpu.memory_space<hbm>>, %arg6: memref<125x80xi32, #tpu.memory_space<vmem>>, %arg7: memref<80x128xf32, #tpu.memory_space<vmem>>, %arg8: memref<10112x128xf32, #tpu.memory_space<vmem_shared>>, %arg9: memref<!tpu.dma_semaphore, #tpu.memory_space<semaphore_mem>>, %arg10: memref<!tpu.dma_semaphore, #tpu.memory_space<semaphore_mem>>) attributes {dimension_semantics = [#tpu.dimension_semantics<core_parallel>, #tpu.dimension_semantics<subcore_parallel>], iteration_bounds = array<i64: 2, 16>, scalar_prefetch = 0 : i64, scratch_operands = 5 : i64, tpu.core_type = #tpu.core_type<sc_vector_subcore>, window_params = [{transform_indices = #map}, {transform_indices = #map1}, {transform_indices = #map1}, {transform_indices = #map}]} {
    %mul3A = arith.constant 16 : i32
    %mul3A_0 = arith.muli %arg0, %mul3A : i32
    %add3A = arith.addi %mul3A_0, %arg1 : i32
    %mul3A_1 = arith.constant 632 : i32
    %mul3A_2 = arith.muli %arg1, %mul3A_1 : i32
    %mul3A_3 = arith.constant 632 : i32
    %mul3A_4 = arith.muli %arg1, %mul3A_3 : i32
    %dma_start3A = arith.constant 0 : i32
    %dma_start3A_5 = tpu.memref_slice %arg8[%mul3A_4, %dma_start3A] : memref<10112x128xf32, #tpu.memory_space<vmem_shared>> -> memref<632x128xf32, #tpu.memory_space<vmem_shared>>
    %dma_start3A_6 = arith.constant 0 : i32
    %dma_start3A_7 = tpu.memref_slice %arg3[%mul3A_2, %dma_start3A_6] : memref<10112x128xf32, #tpu.memory_space<hbm>> -> memref<632x128xf32, #tpu.memory_space<hbm>>
    tpu.enqueue_dma source(%dma_start3A_7 : memref<632x128xf32, #tpu.memory_space<hbm>>) target(%dma_start3A_5 : memref<632x128xf32, #tpu.memory_space<vmem_shared>>) target_semaphore(%arg10 : memref<!tpu.dma_semaphore, #tpu.memory_space<semaphore_mem>>)
    "tpu.region"() ({
      %run_scoped3A = tpu.sem_alloc : memref<!tpu.dma_semaphore, #tpu.memory_space<semaphore_mem>>
      %dma_start3A_25 = arith.constant 0 : i32
      %dma_start3A_26 = arith.constant 0 : i32
      %dma_start3A_27 = tpu.memref_slice %arg2[%add3A, %dma_start3A_25, %dma_start3A_26] : memref<32x125x80xi32, #tpu.memory_space<hbm>> -> memref<1x125x80xi32, #tpu.memory_space<hbm>>
      %dma_start3A_28 = tpu.memref_squeeze %dma_start3A_27 : memref<1x125x80xi32, #tpu.memory_space<hbm>> -> memref<125x80xi32, #tpu.memory_space<hbm>>
      %dma_start3A_29 = arith.constant 0 : i32
      %dma_start3A_30 = arith.constant 0 : i32
      %dma_start3A_31 = tpu.memref_slice %arg2[%add3A, %dma_start3A_29, %dma_start3A_30] : memref<32x125x80xi32, #tpu.memory_space<hbm>> -> memref<1x125x80xi32, #tpu.memory_space<hbm>>
      %dma_start3A_32 = tpu.memref_squeeze %dma_start3A_31 : memref<1x125x80xi32, #tpu.memory_space<hbm>> -> memref<125x80xi32, #tpu.memory_space<hbm>>
      tpu.enqueue_dma source(%dma_start3A_32 : memref<125x80xi32, #tpu.memory_space<hbm>>) target(%arg6 : memref<125x80xi32, #tpu.memory_space<vmem>>) target_semaphore(%run_scoped3A : memref<!tpu.dma_semaphore, #tpu.memory_space<semaphore_mem>>)
      %dma_wait3A_33 = arith.constant 0 : i32
      %dma_wait3A_34 = arith.constant 0 : i32
      %dma_wait3A_35 = tpu.memref_slice %arg2[%add3A, %dma_wait3A_33, %dma_wait3A_34] : memref<32x125x80xi32, #tpu.memory_space<hbm>> -> memref<1x125x80xi32, #tpu.memory_space<hbm>>
      %dma_wait3A_36 = tpu.memref_squeeze %dma_wait3A_35 : memref<1x125x80xi32, #tpu.memory_space<hbm>> -> memref<125x80xi32, #tpu.memory_space<hbm>>
      %dma_wait3A_37 = arith.constant 0 : i32
      %dma_wait3A_38 = arith.constant 0 : i32
      %dma_wait3A_39 = tpu.memref_slice %arg2[%add3A, %dma_wait3A_37, %dma_wait3A_38] : memref<32x125x80xi32, #tpu.memory_space<hbm>> -> memref<1x125x80xi32, #tpu.memory_space<hbm>>
      %dma_wait3A_40 = tpu.memref_squeeze %dma_wait3A_39 : memref<1x125x80xi32, #tpu.memory_space<hbm>> -> memref<125x80xi32, #tpu.memory_space<hbm>>
      tpu.wait_dma2 semaphore(%run_scoped3A : memref<!tpu.dma_semaphore, #tpu.memory_space<semaphore_mem>>) src(%dma_wait3A_40 : memref<125x80xi32, #tpu.memory_space<hbm>>) dst(%arg6 : memref<125x80xi32, #tpu.memory_space<vmem>>)
      tpu.yield
    }) : () -> ()
    "tpu.region"() ({
      %run_scoped3A = tpu.sem_alloc : memref<!tpu.dma_semaphore, #tpu.memory_space<semaphore_mem>>
      tpu.enqueue_dma source(%arg4 : memref<80x128xf32, #tpu.memory_space<hbm>>) target(%arg7 : memref<80x128xf32, #tpu.memory_space<vmem>>) target_semaphore(%run_scoped3A : memref<!tpu.dma_semaphore, #tpu.memory_space<semaphore_mem>>)
      tpu.wait_dma2 semaphore(%run_scoped3A : memref<!tpu.dma_semaphore, #tpu.memory_space<semaphore_mem>>) src(%arg4 : memref<80x128xf32, #tpu.memory_space<hbm>>) dst(%arg7 : memref<80x128xf32, #tpu.memory_space<vmem>>)
      tpu.yield
    }) : () -> ()
    %dma_wait3A = arith.constant 0 : i32
    %dma_wait3A_8 = tpu.memref_slice %arg8[%mul3A_4, %dma_wait3A] : memref<10112x128xf32, #tpu.memory_space<vmem_shared>> -> memref<632x128xf32, #tpu.memory_space<vmem_shared>>
    %dma_wait3A_9 = arith.constant 0 : i32
    %dma_wait3A_10 = tpu.memref_slice %arg3[%mul3A_2, %dma_wait3A_9] : memref<10112x128xf32, #tpu.memory_space<hbm>> -> memref<632x128xf32, #tpu.memory_space<hbm>>
    tpu.wait_dma2 semaphore(%arg10 : memref<!tpu.dma_semaphore, #tpu.memory_space<semaphore_mem>>) src(%dma_wait3A_10 : memref<632x128xf32, #tpu.memory_space<hbm>>) dst(%dma_wait3A_8 : memref<632x128xf32, #tpu.memory_space<vmem_shared>>)
    %barrier3A = arith.constant 0 : index
    tpu.barrier barrier_id(%barrier3A)
    %scan3A = arith.constant 0 : i32
    %scan3A_11 = arith.constant 125 : i32
    %scan3A_12 = arith.addi %scan3A, %scan3A_11 : i32
    %scan3A_13 = arith.constant 1 : i32
    scf.for %scan3A_25 = %scan3A to %scan3A_12 step %scan3A_13  : i32 {
      %mul3A_26 = arith.constant 1 : i32
      %mul3A_27 = arith.muli %scan3A_25, %mul3A_26 : i32
      %add3A_28 = arith.constant 0 : i32
      %add3A_29 = arith.addi %add3A_28, %mul3A_27 : i32
      %dma_start3A_30 = arith.constant 0 : i32
      %dma_start3A_31 = tpu.memref_slice %arg6[%add3A_29, %dma_start3A_30] : memref<125x80xi32, #tpu.memory_space<vmem>> -> memref<1x80xi32, #tpu.memory_space<vmem>>
      %dma_start3A_32 = tpu.memref_squeeze %dma_start3A_31 : memref<1x80xi32, #tpu.memory_space<vmem>> -> memref<80xi32, #tpu.memory_space<vmem>>
      %dma_start3A_33 = arith.constant 0 : i32
      %dma_start3A_34 = arith.constant 0 : i32
      %dma_start3A_35 = tpu.memref_slice %arg8[%dma_start3A_33, %dma_start3A_34] : memref<10112x128xf32, #tpu.memory_space<vmem_shared>> -> memref<10112x128xf32, #tpu.memory_space<vmem_shared>>
      tpu.enqueue_indirect_dma source(%arg7 : memref<80x128xf32, #tpu.memory_space<vmem>>) target(%dma_start3A_35 : memref<10112x128xf32, #tpu.memory_space<vmem_shared>>) offsets(%dma_start3A_32 : memref<80xi32, #tpu.memory_space<vmem>>) semaphore(%arg9 : memref<!tpu.dma_semaphore, #tpu.memory_space<semaphore_mem>>) {add = true}
      %ge3A = arith.constant 4 : i32
      %ge3A_36 = arith.cmpi sge, %add3A_29, %ge3A : i32
      %convert_element_type3A = arith.extui %ge3A_36 : i1 to i32
      %cond3A = arith.constant 0 : i32
      %cond3A_37 = arith.cmpi ne, %convert_element_type3A, %cond3A : i32
      scf.if %cond3A_37 {
        %dma_wait3A_38 = arith.constant 0 : i32
        %dma_wait3A_39 = arith.constant 0 : i32
        %dma_wait3A_40 = tpu.memref_slice %arg6[%dma_wait3A_38, %dma_wait3A_39] : memref<125x80xi32, #tpu.memory_space<vmem>> -> memref<1x80xi32, #tpu.memory_space<vmem>>
        %dma_wait3A_41 = tpu.memref_squeeze %dma_wait3A_40 : memref<1x80xi32, #tpu.memory_space<vmem>> -> memref<80xi32, #tpu.memory_space<vmem>>
        %dma_wait3A_42 = arith.constant 0 : i32
        %dma_wait3A_43 = arith.constant 0 : i32
        %dma_wait3A_44 = tpu.memref_slice %arg8[%dma_wait3A_42, %dma_wait3A_43] : memref<10112x128xf32, #tpu.memory_space<vmem_shared>> -> memref<10112x128xf32, #tpu.memory_space<vmem_shared>>
        tpu.wait_indirect_dma semaphore(%arg9 : memref<!tpu.dma_semaphore, #tpu.memory_space<semaphore_mem>>) src(%arg7 : memref<80x128xf32, #tpu.memory_space<vmem>>) dst(%dma_wait3A_44 : memref<10112x128xf32, #tpu.memory_space<vmem_shared>>)
      } else {
      }
    }
    %scan3A_14 = arith.constant 125 : i32
    %scan3A_15 = arith.constant 0 : i32
    %scan3A_16 = arith.constant 4 : i32
    %scan3A_17 = arith.addi %scan3A_15, %scan3A_16 : i32
    %scan3A_18 = arith.constant 1 : i32
    scf.for %scan3A_25 = %scan3A_15 to %scan3A_17 step %scan3A_18  : i32 {
      %mul3A_26 = arith.constant 1 : i32
      %mul3A_27 = arith.muli %scan3A_25, %mul3A_26 : i32
      %add3A_28 = arith.constant 0 : i32
      %add3A_29 = arith.addi %add3A_28, %mul3A_27 : i32
      %dma_wait3A_30 = arith.constant 0 : i32
      %dma_wait3A_31 = arith.constant 0 : i32
      %dma_wait3A_32 = tpu.memref_slice %arg6[%dma_wait3A_30, %dma_wait3A_31] : memref<125x80xi32, #tpu.memory_space<vmem>> -> memref<1x80xi32, #tpu.memory_space<vmem>>
      %dma_wait3A_33 = tpu.memref_squeeze %dma_wait3A_32 : memref<1x80xi32, #tpu.memory_space<vmem>> -> memref<80xi32, #tpu.memory_space<vmem>>
      %dma_wait3A_34 = arith.constant 0 : i32
      %dma_wait3A_35 = arith.constant 0 : i32
      %dma_wait3A_36 = tpu.memref_slice %arg8[%dma_wait3A_34, %dma_wait3A_35] : memref<10112x128xf32, #tpu.memory_space<vmem_shared>> -> memref<10112x128xf32, #tpu.memory_space<vmem_shared>>
      tpu.wait_indirect_dma semaphore(%arg9 : memref<!tpu.dma_semaphore, #tpu.memory_space<semaphore_mem>>) src(%arg7 : memref<80x128xf32, #tpu.memory_space<vmem>>) dst(%dma_wait3A_36 : memref<10112x128xf32, #tpu.memory_space<vmem_shared>>)
    }
    %scan3A_19 = arith.constant 4 : i32
    %barrier3A_20 = arith.constant 0 : index
    tpu.barrier barrier_id(%barrier3A_20)
    %mul3A_21 = arith.constant 632 : i32
    %mul3A_22 = arith.muli %arg1, %mul3A_21 : i32
    %mul3A_23 = arith.constant 632 : i32
    %mul3A_24 = arith.muli %arg1, %mul3A_23 : i32
    "tpu.region"() ({
      %run_scoped3A = tpu.sem_alloc : memref<!tpu.dma_semaphore, #tpu.memory_space<semaphore_mem>>
      %dma_start3A_25 = arith.constant 0 : i32
      %dma_start3A_26 = tpu.memref_slice %arg5[%arg0, %mul3A_24, %dma_start3A_25] : memref<2x10112x128xf32, #tpu.memory_space<hbm>> -> memref<1x632x128xf32, #tpu.memory_space<hbm>>
      %dma_start3A_27 = tpu.memref_squeeze %dma_start3A_26 : memref<1x632x128xf32, #tpu.memory_space<hbm>> -> memref<632x128xf32, #tpu.memory_space<hbm>>
      %dma_start3A_28 = arith.constant 0 : i32
      %dma_start3A_29 = tpu.memref_slice %arg8[%mul3A_22, %dma_start3A_28] : memref<10112x128xf32, #tpu.memory_space<vmem_shared>> -> memref<632x128xf32, #tpu.memory_space<vmem_shared>>
      tpu.enqueue_dma source(%dma_start3A_29 : memref<632x128xf32, #tpu.memory_space<vmem_shared>>) target(%dma_start3A_27 : memref<632x128xf32, #tpu.memory_space<hbm>>) target_semaphore(%run_scoped3A : memref<!tpu.dma_semaphore, #tpu.memory_space<semaphore_mem>>)
      %dma_wait3A_30 = arith.constant 0 : i32
      %dma_wait3A_31 = tpu.memref_slice %arg5[%arg0, %mul3A_24, %dma_wait3A_30] : memref<2x10112x128xf32, #tpu.memory_space<hbm>> -> memref<1x632x128xf32, #tpu.memory_space<hbm>>
      %dma_wait3A_32 = tpu.memref_squeeze %dma_wait3A_31 : memref<1x632x128xf32, #tpu.memory_space<hbm>> -> memref<632x128xf32, #tpu.memory_space<hbm>>
      %dma_wait3A_33 = arith.constant 0 : i32
      %dma_wait3A_34 = tpu.memref_slice %arg8[%mul3A_22, %dma_wait3A_33] : memref<10112x128xf32, #tpu.memory_space<vmem_shared>> -> memref<632x128xf32, #tpu.memory_space<vmem_shared>>
      tpu.wait_dma2 semaphore(%run_scoped3A : memref<!tpu.dma_semaphore, #tpu.memory_space<semaphore_mem>>) src(%dma_wait3A_34 : memref<632x128xf32, #tpu.memory_space<vmem_shared>>) dst(%dma_wait3A_32 : memref<632x128xf32, #tpu.memory_space<hbm>>)
      tpu.yield
    }) : () -> ()
    return
  }
}

#map = affine_map<(d0, d1) -> (0, 0)>
#map1 = affine_map<(d0, d1) -> (0, 0, 0)>
module attributes {stable_mosaic.version = 14 : i64} {
  func.func @body(%arg0: i32, %arg1: i32, %arg2: memref<10000x128xf32, #tpu.memory_space<hbm>>, %arg3: memref<4000x80xi32, #tpu.memory_space<hbm>>, %arg4: memref<10112x128xf32, #tpu.memory_space<hbm>>, %arg5: memref<2x10112x128xf32, #tpu.memory_space<hbm>>, %arg6: memref<80xi32, #tpu.memory_space<vmem>>, %arg7: memref<80xi32, #tpu.memory_space<vmem>>, %arg8: memref<80xi32, #tpu.memory_space<vmem>>, %arg9: memref<80xi32, #tpu.memory_space<vmem>>, %arg10: memref<80xi32, #tpu.memory_space<vmem>>, %arg11: memref<80xi32, #tpu.memory_space<vmem>>, %arg12: memref<80xi32, #tpu.memory_space<vmem>>, %arg13: memref<80xi32, #tpu.memory_space<vmem>>, %arg14: memref<80xi32, #tpu.memory_space<vmem>>, %arg15: memref<80x128xf32, #tpu.memory_space<vmem>>, %arg16: memref<80x128xf32, #tpu.memory_space<vmem>>, %arg17: memref<80x128xf32, #tpu.memory_space<vmem>>, %arg18: memref<10112x128xf32, #tpu.memory_space<vmem_shared>>, %arg19: memref<!tpu.dma_semaphore, #tpu.memory_space<semaphore_mem>>, %arg20: memref<!tpu.dma_semaphore, #tpu.memory_space<semaphore_mem>>, %arg21: memref<!tpu.dma_semaphore, #tpu.memory_space<semaphore_mem>>, %arg22: memref<!tpu.dma_semaphore, #tpu.memory_space<semaphore_mem>>, %arg23: memref<!tpu.dma_semaphore, #tpu.memory_space<semaphore_mem>>, %arg24: memref<!tpu.dma_semaphore, #tpu.memory_space<semaphore_mem>>, %arg25: memref<!tpu.dma_semaphore, #tpu.memory_space<semaphore_mem>>, %arg26: memref<!tpu.dma_semaphore, #tpu.memory_space<semaphore_mem>>, %arg27: memref<!tpu.dma_semaphore, #tpu.memory_space<semaphore_mem>>, %arg28: memref<!tpu.dma_semaphore, #tpu.memory_space<semaphore_mem>>) attributes {dimension_semantics = [#tpu.dimension_semantics<core_parallel>, #tpu.dimension_semantics<subcore_parallel>], iteration_bounds = array<i64: 2, 16>, scalar_prefetch = 0 : i64, scratch_operands = 23 : i64, tpu.core_type = #tpu.core_type<sc_vector_subcore>, window_params = [{transform_indices = #map}, {transform_indices = #map}, {transform_indices = #map}, {transform_indices = #map1}]} {
    %mul3A = arith.constant 16 : i32
    %mul3A_0 = arith.muli %arg0, %mul3A : i32
    %add3A = arith.addi %mul3A_0, %arg1 : i32
    %mul3A_1 = arith.constant 125 : i32
    %mul3A_2 = arith.muli %add3A, %mul3A_1 : i32
    %mul3A_3 = arith.constant 632 : i32
    %mul3A_4 = arith.muli %arg1, %mul3A_3 : i32
    %mul3A_5 = arith.constant 632 : i32
    %mul3A_6 = arith.muli %arg1, %mul3A_5 : i32
    %dma_start3A = arith.constant 0 : i32
    %dma_start3A_7 = tpu.memref_slice %arg18[%mul3A_6, %dma_start3A] : memref<10112x128xf32, #tpu.memory_space<vmem_shared>> -> memref<632x128xf32, #tpu.memory_space<vmem_shared>>
    %dma_start3A_8 = arith.constant 0 : i32
    %dma_start3A_9 = tpu.memref_slice %arg4[%mul3A_4, %dma_start3A_8] : memref<10112x128xf32, #tpu.memory_space<hbm>> -> memref<632x128xf32, #tpu.memory_space<hbm>>
    tpu.enqueue_dma source(%dma_start3A_9 : memref<632x128xf32, #tpu.memory_space<hbm>>) target(%dma_start3A_7 : memref<632x128xf32, #tpu.memory_space<vmem_shared>>) target_semaphore(%arg28 : memref<!tpu.dma_semaphore, #tpu.memory_space<semaphore_mem>>)
    %add3A_10 = arith.constant 0 : i32
    %add3A_11 = arith.addi %mul3A_2, %add3A_10 : i32
    %dma_start3A_12 = arith.constant 0 : i32
    %dma_start3A_13 = tpu.memref_slice %arg3[%add3A_11, %dma_start3A_12] : memref<4000x80xi32, #tpu.memory_space<hbm>> -> memref<1x80xi32, #tpu.memory_space<hbm>>
    %dma_start3A_14 = tpu.memref_squeeze %dma_start3A_13 : memref<1x80xi32, #tpu.memory_space<hbm>> -> memref<80xi32, #tpu.memory_space<hbm>>
    %dma_start3A_15 = arith.constant 0 : i32
    %dma_start3A_16 = tpu.memref_slice %arg3[%add3A_11, %dma_start3A_15] : memref<4000x80xi32, #tpu.memory_space<hbm>> -> memref<1x80xi32, #tpu.memory_space<hbm>>
    %dma_start3A_17 = tpu.memref_squeeze %dma_start3A_16 : memref<1x80xi32, #tpu.memory_space<hbm>> -> memref<80xi32, #tpu.memory_space<hbm>>
    tpu.enqueue_dma source(%dma_start3A_17 : memref<80xi32, #tpu.memory_space<hbm>>) target(%arg6 : memref<80xi32, #tpu.memory_space<vmem>>) target_semaphore(%arg19 : memref<!tpu.dma_semaphore, #tpu.memory_space<semaphore_mem>>)
    %add3A_18 = arith.constant 1 : i32
    %add3A_19 = arith.addi %mul3A_2, %add3A_18 : i32
    %dma_start3A_20 = arith.constant 0 : i32
    %dma_start3A_21 = tpu.memref_slice %arg3[%add3A_19, %dma_start3A_20] : memref<4000x80xi32, #tpu.memory_space<hbm>> -> memref<1x80xi32, #tpu.memory_space<hbm>>
    %dma_start3A_22 = tpu.memref_squeeze %dma_start3A_21 : memref<1x80xi32, #tpu.memory_space<hbm>> -> memref<80xi32, #tpu.memory_space<hbm>>
    %dma_start3A_23 = arith.constant 0 : i32
    %dma_start3A_24 = tpu.memref_slice %arg3[%add3A_19, %dma_start3A_23] : memref<4000x80xi32, #tpu.memory_space<hbm>> -> memref<1x80xi32, #tpu.memory_space<hbm>>
    %dma_start3A_25 = tpu.memref_squeeze %dma_start3A_24 : memref<1x80xi32, #tpu.memory_space<hbm>> -> memref<80xi32, #tpu.memory_space<hbm>>
    tpu.enqueue_dma source(%dma_start3A_25 : memref<80xi32, #tpu.memory_space<hbm>>) target(%arg7 : memref<80xi32, #tpu.memory_space<vmem>>) target_semaphore(%arg20 : memref<!tpu.dma_semaphore, #tpu.memory_space<semaphore_mem>>)
    %add3A_26 = arith.constant 2 : i32
    %add3A_27 = arith.addi %mul3A_2, %add3A_26 : i32
    %dma_start3A_28 = arith.constant 0 : i32
    %dma_start3A_29 = tpu.memref_slice %arg3[%add3A_27, %dma_start3A_28] : memref<4000x80xi32, #tpu.memory_space<hbm>> -> memref<1x80xi32, #tpu.memory_space<hbm>>
    %dma_start3A_30 = tpu.memref_squeeze %dma_start3A_29 : memref<1x80xi32, #tpu.memory_space<hbm>> -> memref<80xi32, #tpu.memory_space<hbm>>
    %dma_start3A_31 = arith.constant 0 : i32
    %dma_start3A_32 = tpu.memref_slice %arg3[%add3A_27, %dma_start3A_31] : memref<4000x80xi32, #tpu.memory_space<hbm>> -> memref<1x80xi32, #tpu.memory_space<hbm>>
    %dma_start3A_33 = tpu.memref_squeeze %dma_start3A_32 : memref<1x80xi32, #tpu.memory_space<hbm>> -> memref<80xi32, #tpu.memory_space<hbm>>
    tpu.enqueue_dma source(%dma_start3A_33 : memref<80xi32, #tpu.memory_space<hbm>>) target(%arg8 : memref<80xi32, #tpu.memory_space<vmem>>) target_semaphore(%arg21 : memref<!tpu.dma_semaphore, #tpu.memory_space<semaphore_mem>>)
    %dma_wait3A = arith.constant 0 : i32
    %dma_wait3A_34 = tpu.memref_slice %arg3[%mul3A_2, %dma_wait3A] : memref<4000x80xi32, #tpu.memory_space<hbm>> -> memref<1x80xi32, #tpu.memory_space<hbm>>
    %dma_wait3A_35 = tpu.memref_squeeze %dma_wait3A_34 : memref<1x80xi32, #tpu.memory_space<hbm>> -> memref<80xi32, #tpu.memory_space<hbm>>
    %dma_wait3A_36 = arith.constant 0 : i32
    %dma_wait3A_37 = tpu.memref_slice %arg3[%mul3A_2, %dma_wait3A_36] : memref<4000x80xi32, #tpu.memory_space<hbm>> -> memref<1x80xi32, #tpu.memory_space<hbm>>
    %dma_wait3A_38 = tpu.memref_squeeze %dma_wait3A_37 : memref<1x80xi32, #tpu.memory_space<hbm>> -> memref<80xi32, #tpu.memory_space<hbm>>
    tpu.wait_dma2 semaphore(%arg19 : memref<!tpu.dma_semaphore, #tpu.memory_space<semaphore_mem>>) src(%dma_wait3A_38 : memref<80xi32, #tpu.memory_space<hbm>>) dst(%arg6 : memref<80xi32, #tpu.memory_space<vmem>>)
    %get3A = arith.constant 0 : index
    %get3A_39 = tpu.vector_load %arg6[%get3A] {strides = array<i32>} : memref<80xi32, #tpu.memory_space<vmem>>, vector<16xi32>,
    %get3A_40 = vector.shape_cast %get3A_39 : vector<16xi32> to vector<16xi32>
    %and3A = arith.constant 65535 : i32
    %and3A_41 = vector.broadcast %and3A : i32 to vector<16xi32>
    %and3A_42 = arith.andi %get3A_40, %and3A_41 : vector<16xi32>
    %swap3A = arith.constant 0 : index
    %swap3A_43 = tpu.vector_load %arg9[%swap3A] {strides = array<i32>} : memref<80xi32, #tpu.memory_space<vmem>>, vector<16xi32>,
    %swap3A_44 = vector.shape_cast %swap3A_43 : vector<16xi32> to vector<16xi32>
    %swap3A_45 = vector.shape_cast %and3A_42 : vector<16xi32> to vector<16xi32>
    tpu.vector_store %arg9[%swap3A], %swap3A_45 {strides = array<i32>} : memref<80xi32, #tpu.memory_space<vmem>>, vector<16xi32>,
    %shift_right_logical3A = arith.constant 16 : i32
    %shift_right_logical3A_46 = vector.broadcast %shift_right_logical3A : i32 to vector<16xi32>
    %shift_right_logical3A_47 = arith.shrui %get3A_40, %shift_right_logical3A_46 : vector<16xi32>
    %swap3A_48 = arith.constant 0 : index
    %swap3A_49 = tpu.vector_load %arg12[%swap3A_48] {strides = array<i32>} : memref<80xi32, #tpu.memory_space<vmem>>, vector<16xi32>,
    %swap3A_50 = vector.shape_cast %swap3A_49 : vector<16xi32> to vector<16xi32>
    %swap3A_51 = vector.shape_cast %shift_right_logical3A_47 : vector<16xi32> to vector<16xi32>
    tpu.vector_store %arg12[%swap3A_48], %swap3A_51 {strides = array<i32>} : memref<80xi32, #tpu.memory_space<vmem>>, vector<16xi32>,
    %get3A_52 = arith.constant 16 : index
    %get3A_53 = tpu.vector_load %arg6[%get3A_52] {strides = array<i32>} : memref<80xi32, #tpu.memory_space<vmem>>, vector<16xi32>,
    %get3A_54 = vector.shape_cast %get3A_53 : vector<16xi32> to vector<16xi32>
    %and3A_55 = arith.constant 65535 : i32
    %and3A_56 = vector.broadcast %and3A_55 : i32 to vector<16xi32>
    %and3A_57 = arith.andi %get3A_54, %and3A_56 : vector<16xi32>
    %swap3A_58 = arith.constant 16 : index
    %swap3A_59 = tpu.vector_load %arg9[%swap3A_58] {strides = array<i32>} : memref<80xi32, #tpu.memory_space<vmem>>, vector<16xi32>,
    %swap3A_60 = vector.shape_cast %swap3A_59 : vector<16xi32> to vector<16xi32>
    %swap3A_61 = vector.shape_cast %and3A_57 : vector<16xi32> to vector<16xi32>
    tpu.vector_store %arg9[%swap3A_58], %swap3A_61 {strides = array<i32>} : memref<80xi32, #tpu.memory_space<vmem>>, vector<16xi32>,
    %shift_right_logical3A_62 = arith.constant 16 : i32
    %shift_right_logical3A_63 = vector.broadcast %shift_right_logical3A_62 : i32 to vector<16xi32>
    %shift_right_logical3A_64 = arith.shrui %get3A_54, %shift_right_logical3A_63 : vector<16xi32>
    %swap3A_65 = arith.constant 16 : index
    %swap3A_66 = tpu.vector_load %arg12[%swap3A_65] {strides = array<i32>} : memref<80xi32, #tpu.memory_space<vmem>>, vector<16xi32>,
    %swap3A_67 = vector.shape_cast %swap3A_66 : vector<16xi32> to vector<16xi32>
    %swap3A_68 = vector.shape_cast %shift_right_logical3A_64 : vector<16xi32> to vector<16xi32>
    tpu.vector_store %arg12[%swap3A_65], %swap3A_68 {strides = array<i32>} : memref<80xi32, #tpu.memory_space<vmem>>, vector<16xi32>,
    %get3A_69 = arith.constant 32 : index
    %get3A_70 = tpu.vector_load %arg6[%get3A_69] {strides = array<i32>} : memref<80xi32, #tpu.memory_space<vmem>>, vector<16xi32>,
    %get3A_71 = vector.shape_cast %get3A_70 : vector<16xi32> to vector<16xi32>
    %and3A_72 = arith.constant 65535 : i32
    %and3A_73 = vector.broadcast %and3A_72 : i32 to vector<16xi32>
    %and3A_74 = arith.andi %get3A_71, %and3A_73 : vector<16xi32>
    %swap3A_75 = arith.constant 32 : index
    %swap3A_76 = tpu.vector_load %arg9[%swap3A_75] {strides = array<i32>} : memref<80xi32, #tpu.memory_space<vmem>>, vector<16xi32>,
    %swap3A_77 = vector.shape_cast %swap3A_76 : vector<16xi32> to vector<16xi32>
    %swap3A_78 = vector.shape_cast %and3A_74 : vector<16xi32> to vector<16xi32>
    tpu.vector_store %arg9[%swap3A_75], %swap3A_78 {strides = array<i32>} : memref<80xi32, #tpu.memory_space<vmem>>, vector<16xi32>,
    %shift_right_logical3A_79 = arith.constant 16 : i32
    %shift_right_logical3A_80 = vector.broadcast %shift_right_logical3A_79 : i32 to vector<16xi32>
    %shift_right_logical3A_81 = arith.shrui %get3A_71, %shift_right_logical3A_80 : vector<16xi32>
    %swap3A_82 = arith.constant 32 : index
    %swap3A_83 = tpu.vector_load %arg12[%swap3A_82] {strides = array<i32>} : memref<80xi32, #tpu.memory_space<vmem>>, vector<16xi32>,
    %swap3A_84 = vector.shape_cast %swap3A_83 : vector<16xi32> to vector<16xi32>
    %swap3A_85 = vector.shape_cast %shift_right_logical3A_81 : vector<16xi32> to vector<16xi32>
    tpu.vector_store %arg12[%swap3A_82], %swap3A_85 {strides = array<i32>} : memref<80xi32, #tpu.memory_space<vmem>>, vector<16xi32>,
    %get3A_86 = arith.constant 48 : index
    %get3A_87 = tpu.vector_load %arg6[%get3A_86] {strides = array<i32>} : memref<80xi32, #tpu.memory_space<vmem>>, vector<16xi32>,
    %get3A_88 = vector.shape_cast %get3A_87 : vector<16xi32> to vector<16xi32>
    %and3A_89 = arith.constant 65535 : i32
    %and3A_90 = vector.broadcast %and3A_89 : i32 to vector<16xi32>
    %and3A_91 = arith.andi %get3A_88, %and3A_90 : vector<16xi32>
    %swap3A_92 = arith.constant 48 : index
    %swap3A_93 = tpu.vector_load %arg9[%swap3A_92] {strides = array<i32>} : memref<80xi32, #tpu.memory_space<vmem>>, vector<16xi32>,
    %swap3A_94 = vector.shape_cast %swap3A_93 : vector<16xi32> to vector<16xi32>
    %swap3A_95 = vector.shape_cast %and3A_91 : vector<16xi32> to vector<16xi32>
    tpu.vector_store %arg9[%swap3A_92], %swap3A_95 {strides = array<i32>} : memref<80xi32, #tpu.memory_space<vmem>>, vector<16xi32>,
    %shift_right_logical3A_96 = arith.constant 16 : i32
    %shift_right_logical3A_97 = vector.broadcast %shift_right_logical3A_96 : i32 to vector<16xi32>
    %shift_right_logical3A_98 = arith.shrui %get3A_88, %shift_right_logical3A_97 : vector<16xi32>
    %swap3A_99 = arith.constant 48 : index
    %swap3A_100 = tpu.vector_load %arg12[%swap3A_99] {strides = array<i32>} : memref<80xi32, #tpu.memory_space<vmem>>, vector<16xi32>,
    %swap3A_101 = vector.shape_cast %swap3A_100 : vector<16xi32> to vector<16xi32>
    %swap3A_102 = vector.shape_cast %shift_right_logical3A_98 : vector<16xi32> to vector<16xi32>
    tpu.vector_store %arg12[%swap3A_99], %swap3A_102 {strides = array<i32>} : memref<80xi32, #tpu.memory_space<vmem>>, vector<16xi32>,
    %get3A_103 = arith.constant 64 : index
    %get3A_104 = tpu.vector_load %arg6[%get3A_103] {strides = array<i32>} : memref<80xi32, #tpu.memory_space<vmem>>, vector<16xi32>,
    %get3A_105 = vector.shape_cast %get3A_104 : vector<16xi32> to vector<16xi32>
    %and3A_106 = arith.constant 65535 : i32
    %and3A_107 = vector.broadcast %and3A_106 : i32 to vector<16xi32>
    %and3A_108 = arith.andi %get3A_105, %and3A_107 : vector<16xi32>
    %swap3A_109 = arith.constant 64 : index
    %swap3A_110 = tpu.vector_load %arg9[%swap3A_109] {strides = array<i32>} : memref<80xi32, #tpu.memory_space<vmem>>, vector<16xi32>,
    %swap3A_111 = vector.shape_cast %swap3A_110 : vector<16xi32> to vector<16xi32>
    %swap3A_112 = vector.shape_cast %and3A_108 : vector<16xi32> to vector<16xi32>
    tpu.vector_store %arg9[%swap3A_109], %swap3A_112 {strides = array<i32>} : memref<80xi32, #tpu.memory_space<vmem>>, vector<16xi32>,
    %shift_right_logical3A_113 = arith.constant 16 : i32
    %shift_right_logical3A_114 = vector.broadcast %shift_right_logical3A_113 : i32 to vector<16xi32>
    %shift_right_logical3A_115 = arith.shrui %get3A_105, %shift_right_logical3A_114 : vector<16xi32>
    %swap3A_116 = arith.constant 64 : index
    %swap3A_117 = tpu.vector_load %arg12[%swap3A_116] {strides = array<i32>} : memref<80xi32, #tpu.memory_space<vmem>>, vector<16xi32>,
    %swap3A_118 = vector.shape_cast %swap3A_117 : vector<16xi32> to vector<16xi32>
    %swap3A_119 = vector.shape_cast %shift_right_logical3A_115 : vector<16xi32> to vector<16xi32>
    tpu.vector_store %arg12[%swap3A_116], %swap3A_119 {strides = array<i32>} : memref<80xi32, #tpu.memory_space<vmem>>, vector<16xi32>,
    %dma_wait3A_120 = arith.constant 0 : i32
    %dma_wait3A_121 = tpu.memref_slice %arg3[%mul3A_2, %dma_wait3A_120] : memref<4000x80xi32, #tpu.memory_space<hbm>> -> memref<1x80xi32, #tpu.memory_space<hbm>>
    %dma_wait3A_122 = tpu.memref_squeeze %dma_wait3A_121 : memref<1x80xi32, #tpu.memory_space<hbm>> -> memref<80xi32, #tpu.memory_space<hbm>>
    %dma_wait3A_123 = arith.constant 0 : i32
    %dma_wait3A_124 = tpu.memref_slice %arg3[%mul3A_2, %dma_wait3A_123] : memref<4000x80xi32, #tpu.memory_space<hbm>> -> memref<1x80xi32, #tpu.memory_space<hbm>>
    %dma_wait3A_125 = tpu.memref_squeeze %dma_wait3A_124 : memref<1x80xi32, #tpu.memory_space<hbm>> -> memref<80xi32, #tpu.memory_space<hbm>>
    tpu.wait_dma2 semaphore(%arg20 : memref<!tpu.dma_semaphore, #tpu.memory_space<semaphore_mem>>) src(%dma_wait3A_125 : memref<80xi32, #tpu.memory_space<hbm>>) dst(%arg7 : memref<80xi32, #tpu.memory_space<vmem>>)
    %get3A_126 = arith.constant 0 : index
    %get3A_127 = tpu.vector_load %arg7[%get3A_126] {strides = array<i32>} : memref<80xi32, #tpu.memory_space<vmem>>, vector<16xi32>,
    %get3A_128 = vector.shape_cast %get3A_127 : vector<16xi32> to vector<16xi32>
    %and3A_129 = arith.constant 65535 : i32
    %and3A_130 = vector.broadcast %and3A_129 : i32 to vector<16xi32>
    %and3A_131 = arith.andi %get3A_128, %and3A_130 : vector<16xi32>
    %swap3A_132 = arith.constant 0 : index
    %swap3A_133 = tpu.vector_load %arg10[%swap3A_132] {strides = array<i32>} : memref<80xi32, #tpu.memory_space<vmem>>, vector<16xi32>,
    %swap3A_134 = vector.shape_cast %swap3A_133 : vector<16xi32> to vector<16xi32>
    %swap3A_135 = vector.shape_cast %and3A_131 : vector<16xi32> to vector<16xi32>
    tpu.vector_store %arg10[%swap3A_132], %swap3A_135 {strides = array<i32>} : memref<80xi32, #tpu.memory_space<vmem>>, vector<16xi32>,
    %shift_right_logical3A_136 = arith.constant 16 : i32
    %shift_right_logical3A_137 = vector.broadcast %shift_right_logical3A_136 : i32 to vector<16xi32>
    %shift_right_logical3A_138 = arith.shrui %get3A_128, %shift_right_logical3A_137 : vector<16xi32>
    %swap3A_139 = arith.constant 0 : index
    %swap3A_140 = tpu.vector_load %arg13[%swap3A_139] {strides = array<i32>} : memref<80xi32, #tpu.memory_space<vmem>>, vector<16xi32>,
    %swap3A_141 = vector.shape_cast %swap3A_140 : vector<16xi32> to vector<16xi32>
    %swap3A_142 = vector.shape_cast %shift_right_logical3A_138 : vector<16xi32> to vector<16xi32>
    tpu.vector_store %arg13[%swap3A_139], %swap3A_142 {strides = array<i32>} : memref<80xi32, #tpu.memory_space<vmem>>, vector<16xi32>,
    %get3A_143 = arith.constant 16 : index
    %get3A_144 = tpu.vector_load %arg7[%get3A_143] {strides = array<i32>} : memref<80xi32, #tpu.memory_space<vmem>>, vector<16xi32>,
    %get3A_145 = vector.shape_cast %get3A_144 : vector<16xi32> to vector<16xi32>
    %and3A_146 = arith.constant 65535 : i32
    %and3A_147 = vector.broadcast %and3A_146 : i32 to vector<16xi32>
    %and3A_148 = arith.andi %get3A_145, %and3A_147 : vector<16xi32>
    %swap3A_149 = arith.constant 16 : index
    %swap3A_150 = tpu.vector_load %arg10[%swap3A_149] {strides = array<i32>} : memref<80xi32, #tpu.memory_space<vmem>>, vector<16xi32>,
    %swap3A_151 = vector.shape_cast %swap3A_150 : vector<16xi32> to vector<16xi32>
    %swap3A_152 = vector.shape_cast %and3A_148 : vector<16xi32> to vector<16xi32>
    tpu.vector_store %arg10[%swap3A_149], %swap3A_152 {strides = array<i32>} : memref<80xi32, #tpu.memory_space<vmem>>, vector<16xi32>,
    %shift_right_logical3A_153 = arith.constant 16 : i32
    %shift_right_logical3A_154 = vector.broadcast %shift_right_logical3A_153 : i32 to vector<16xi32>
    %shift_right_logical3A_155 = arith.shrui %get3A_145, %shift_right_logical3A_154 : vector<16xi32>
    %swap3A_156 = arith.constant 16 : index
    %swap3A_157 = tpu.vector_load %arg13[%swap3A_156] {strides = array<i32>} : memref<80xi32, #tpu.memory_space<vmem>>, vector<16xi32>,
    %swap3A_158 = vector.shape_cast %swap3A_157 : vector<16xi32> to vector<16xi32>
    %swap3A_159 = vector.shape_cast %shift_right_logical3A_155 : vector<16xi32> to vector<16xi32>
    tpu.vector_store %arg13[%swap3A_156], %swap3A_159 {strides = array<i32>} : memref<80xi32, #tpu.memory_space<vmem>>, vector<16xi32>,
    %get3A_160 = arith.constant 32 : index
    %get3A_161 = tpu.vector_load %arg7[%get3A_160] {strides = array<i32>} : memref<80xi32, #tpu.memory_space<vmem>>, vector<16xi32>,
    %get3A_162 = vector.shape_cast %get3A_161 : vector<16xi32> to vector<16xi32>
    %and3A_163 = arith.constant 65535 : i32
    %and3A_164 = vector.broadcast %and3A_163 : i32 to vector<16xi32>
    %and3A_165 = arith.andi %get3A_162, %and3A_164 : vector<16xi32>
    %swap3A_166 = arith.constant 32 : index
    %swap3A_167 = tpu.vector_load %arg10[%swap3A_166] {strides = array<i32>} : memref<80xi32, #tpu.memory_space<vmem>>, vector<16xi32>,
    %swap3A_168 = vector.shape_cast %swap3A_167 : vector<16xi32> to vector<16xi32>
    %swap3A_169 = vector.shape_cast %and3A_165 : vector<16xi32> to vector<16xi32>
    tpu.vector_store %arg10[%swap3A_166], %swap3A_169 {strides = array<i32>} : memref<80xi32, #tpu.memory_space<vmem>>, vector<16xi32>,
    %shift_right_logical3A_170 = arith.constant 16 : i32
    %shift_right_logical3A_171 = vector.broadcast %shift_right_logical3A_170 : i32 to vector<16xi32>
    %shift_right_logical3A_172 = arith.shrui %get3A_162, %shift_right_logical3A_171 : vector<16xi32>
    %swap3A_173 = arith.constant 32 : index
    %swap3A_174 = tpu.vector_load %arg13[%swap3A_173] {strides = array<i32>} : memref<80xi32, #tpu.memory_space<vmem>>, vector<16xi32>,
    %swap3A_175 = vector.shape_cast %swap3A_174 : vector<16xi32> to vector<16xi32>
    %swap3A_176 = vector.shape_cast %shift_right_logical3A_172 : vector<16xi32> to vector<16xi32>
    tpu.vector_store %arg13[%swap3A_173], %swap3A_176 {strides = array<i32>} : memref<80xi32, #tpu.memory_space<vmem>>, vector<16xi32>,
    %get3A_177 = arith.constant 48 : index
    %get3A_178 = tpu.vector_load %arg7[%get3A_177] {strides = array<i32>} : memref<80xi32, #tpu.memory_space<vmem>>, vector<16xi32>,
    %get3A_179 = vector.shape_cast %get3A_178 : vector<16xi32> to vector<16xi32>
    %and3A_180 = arith.constant 65535 : i32
    %and3A_181 = vector.broadcast %and3A_180 : i32 to vector<16xi32>
    %and3A_182 = arith.andi %get3A_179, %and3A_181 : vector<16xi32>
    %swap3A_183 = arith.constant 48 : index
    %swap3A_184 = tpu.vector_load %arg10[%swap3A_183] {strides = array<i32>} : memref<80xi32, #tpu.memory_space<vmem>>, vector<16xi32>,
    %swap3A_185 = vector.shape_cast %swap3A_184 : vector<16xi32> to vector<16xi32>
    %swap3A_186 = vector.shape_cast %and3A_182 : vector<16xi32> to vector<16xi32>
    tpu.vector_store %arg10[%swap3A_183], %swap3A_186 {strides = array<i32>} : memref<80xi32, #tpu.memory_space<vmem>>, vector<16xi32>,
    %shift_right_logical3A_187 = arith.constant 16 : i32
    %shift_right_logical3A_188 = vector.broadcast %shift_right_logical3A_187 : i32 to vector<16xi32>
    %shift_right_logical3A_189 = arith.shrui %get3A_179, %shift_right_logical3A_188 : vector<16xi32>
    %swap3A_190 = arith.constant 48 : index
    %swap3A_191 = tpu.vector_load %arg13[%swap3A_190] {strides = array<i32>} : memref<80xi32, #tpu.memory_space<vmem>>, vector<16xi32>,
    %swap3A_192 = vector.shape_cast %swap3A_191 : vector<16xi32> to vector<16xi32>
    %swap3A_193 = vector.shape_cast %shift_right_logical3A_189 : vector<16xi32> to vector<16xi32>
    tpu.vector_store %arg13[%swap3A_190], %swap3A_193 {strides = array<i32>} : memref<80xi32, #tpu.memory_space<vmem>>, vector<16xi32>,
    %get3A_194 = arith.constant 64 : index
    %get3A_195 = tpu.vector_load %arg7[%get3A_194] {strides = array<i32>} : memref<80xi32, #tpu.memory_space<vmem>>, vector<16xi32>,
    %get3A_196 = vector.shape_cast %get3A_195 : vector<16xi32> to vector<16xi32>
    %and3A_197 = arith.constant 65535 : i32
    %and3A_198 = vector.broadcast %and3A_197 : i32 to vector<16xi32>
    %and3A_199 = arith.andi %get3A_196, %and3A_198 : vector<16xi32>
    %swap3A_200 = arith.constant 64 : index
    %swap3A_201 = tpu.vector_load %arg10[%swap3A_200] {strides = array<i32>} : memref<80xi32, #tpu.memory_space<vmem>>, vector<16xi32>,
    %swap3A_202 = vector.shape_cast %swap3A_201 : vector<16xi32> to vector<16xi32>
    %swap3A_203 = vector.shape_cast %and3A_199 : vector<16xi32> to vector<16xi32>
    tpu.vector_store %arg10[%swap3A_200], %swap3A_203 {strides = array<i32>} : memref<80xi32, #tpu.memory_space<vmem>>, vector<16xi32>,
    %shift_right_logical3A_204 = arith.constant 16 : i32
    %shift_right_logical3A_205 = vector.broadcast %shift_right_logical3A_204 : i32 to vector<16xi32>
    %shift_right_logical3A_206 = arith.shrui %get3A_196, %shift_right_logical3A_205 : vector<16xi32>
    %swap3A_207 = arith.constant 64 : index
    %swap3A_208 = tpu.vector_load %arg13[%swap3A_207] {strides = array<i32>} : memref<80xi32, #tpu.memory_space<vmem>>, vector<16xi32>,
    %swap3A_209 = vector.shape_cast %swap3A_208 : vector<16xi32> to vector<16xi32>
    %swap3A_210 = vector.shape_cast %shift_right_logical3A_206 : vector<16xi32> to vector<16xi32>
    tpu.vector_store %arg13[%swap3A_207], %swap3A_210 {strides = array<i32>} : memref<80xi32, #tpu.memory_space<vmem>>, vector<16xi32>,
    %dma_start3A_211 = arith.constant 0 : i32
    %dma_start3A_212 = arith.constant 0 : i32
    %dma_start3A_213 = tpu.memref_slice %arg2[%dma_start3A_211, %dma_start3A_212] : memref<10000x128xf32, #tpu.memory_space<hbm>> -> memref<10000x128xf32, #tpu.memory_space<hbm>>
    tpu.enqueue_indirect_dma source(%dma_start3A_213 : memref<10000x128xf32, #tpu.memory_space<hbm>>) target(%arg15 : memref<80x128xf32, #tpu.memory_space<vmem>>) offsets(%arg9 : memref<80xi32, #tpu.memory_space<vmem>>) semaphore(%arg22 : memref<!tpu.dma_semaphore, #tpu.memory_space<semaphore_mem>>)
    %dma_start3A_214 = arith.constant 0 : i32
    %dma_start3A_215 = arith.constant 0 : i32
    %dma_start3A_216 = tpu.memref_slice %arg2[%dma_start3A_214, %dma_start3A_215] : memref<10000x128xf32, #tpu.memory_space<hbm>> -> memref<10000x128xf32, #tpu.memory_space<hbm>>
    tpu.enqueue_indirect_dma source(%dma_start3A_216 : memref<10000x128xf32, #tpu.memory_space<hbm>>) target(%arg16 : memref<80x128xf32, #tpu.memory_space<vmem>>) offsets(%arg10 : memref<80xi32, #tpu.memory_space<vmem>>) semaphore(%arg23 : memref<!tpu.dma_semaphore, #tpu.memory_space<semaphore_mem>>)
    %dma_wait3A_217 = arith.constant 0 : i32
    %dma_wait3A_218 = tpu.memref_slice %arg18[%mul3A_6, %dma_wait3A_217] : memref<10112x128xf32, #tpu.memory_space<vmem_shared>> -> memref<632x128xf32, #tpu.memory_space<vmem_shared>>
    %dma_wait3A_219 = arith.constant 0 : i32
    %dma_wait3A_220 = tpu.memref_slice %arg4[%mul3A_4, %dma_wait3A_219] : memref<10112x128xf32, #tpu.memory_space<hbm>> -> memref<632x128xf32, #tpu.memory_space<hbm>>
    tpu.wait_dma2 semaphore(%arg28 : memref<!tpu.dma_semaphore, #tpu.memory_space<semaphore_mem>>) src(%dma_wait3A_220 : memref<632x128xf32, #tpu.memory_space<hbm>>) dst(%dma_wait3A_218 : memref<632x128xf32, #tpu.memory_space<vmem_shared>>)
    %barrier3A = arith.constant 0 : index
    tpu.barrier barrier_id(%barrier3A)
    %scan3A = arith.constant 0 : i32
    %scan3A_221 = arith.constant 42 : i32
    %scan3A_222 = arith.addi %scan3A, %scan3A_221 : i32
    %scan3A_223 = arith.constant 1 : i32
    scf.for %scan3A_233 = %scan3A to %scan3A_222 step %scan3A_223  : i32 {
      %mul3A_234 = arith.constant 3 : i32
      %mul3A_235 = arith.muli %scan3A_233, %mul3A_234 : i32
      %add3A_236 = arith.constant 0 : i32
      %add3A_237 = arith.addi %add3A_236, %mul3A_235 : i32
      %add3A_238 = arith.constant 0 : i32
      %add3A_239 = arith.addi %add3A_237, %add3A_238 : i32
      %lt3A = arith.constant 125 : i32
      %lt3A_240 = arith.cmpi slt, %add3A_239, %lt3A : i32
      %convert_element_type3A = arith.extui %lt3A_240 : i1 to i32
      %cond3A = arith.constant 0 : i32
      %cond3A_241 = arith.cmpi ne, %convert_element_type3A, %cond3A : i32
      scf.if %cond3A_241 {
        %dma_wait3A_256 = arith.constant 0 : i32
        %dma_wait3A_257 = arith.constant 0 : i32
        %dma_wait3A_258 = tpu.memref_slice %arg2[%dma_wait3A_256, %dma_wait3A_257] : memref<10000x128xf32, #tpu.memory_space<hbm>> -> memref<10000x128xf32, #tpu.memory_space<hbm>>
        tpu.wait_indirect_dma semaphore(%arg22 : memref<!tpu.dma_semaphore, #tpu.memory_space<semaphore_mem>>) src(%dma_wait3A_258 : memref<10000x128xf32, #tpu.memory_space<hbm>>) dst(%arg15 : memref<80x128xf32, #tpu.memory_space<vmem>>)
        %dma_start3A_259 = arith.constant 0 : i32
        %dma_start3A_260 = arith.constant 0 : i32
        %dma_start3A_261 = tpu.memref_slice %arg18[%dma_start3A_259, %dma_start3A_260] : memref<10112x128xf32, #tpu.memory_space<vmem_shared>> -> memref<10112x128xf32, #tpu.memory_space<vmem_shared>>
        tpu.enqueue_indirect_dma source(%arg15 : memref<80x128xf32, #tpu.memory_space<vmem>>) target(%dma_start3A_261 : memref<10112x128xf32, #tpu.memory_space<vmem_shared>>) offsets(%arg12 : memref<80xi32, #tpu.memory_space<vmem>>) semaphore(%arg25 : memref<!tpu.dma_semaphore, #tpu.memory_space<semaphore_mem>>) {add = true}
        %ge3A = arith.constant 1 : i32
        %ge3A_262 = arith.cmpi sge, %add3A_239, %ge3A : i32
        %convert_element_type3A_263 = arith.extui %ge3A_262 : i1 to i32
        %cond3A_264 = arith.constant 0 : i32
        %cond3A_265 = arith.cmpi ne, %convert_element_type3A_263, %cond3A_264 : i32
        scf.if %cond3A_265 {
          %dma_wait3A_280 = arith.constant 0 : i32
          %dma_wait3A_281 = arith.constant 0 : i32
          %dma_wait3A_282 = tpu.memref_slice %arg18[%dma_wait3A_280, %dma_wait3A_281] : memref<10112x128xf32, #tpu.memory_space<vmem_shared>> -> memref<10112x128xf32, #tpu.memory_space<vmem_shared>>
          tpu.wait_indirect_dma semaphore(%arg27 : memref<!tpu.dma_semaphore, #tpu.memory_space<semaphore_mem>>) src(%arg17 : memref<80x128xf32, #tpu.memory_space<vmem>>) dst(%dma_wait3A_282 : memref<10112x128xf32, #tpu.memory_space<vmem_shared>>)
        } else {
        }
        %add3A_266 = arith.constant 2 : i32
        %add3A_267 = arith.addi %add3A_239, %add3A_266 : i32
        %lt3A_268 = arith.constant 125 : i32
        %lt3A_269 = arith.cmpi slt, %add3A_267, %lt3A_268 : i32
        %convert_element_type3A_270 = arith.extui %lt3A_269 : i1 to i32
        %cond3A_271 = arith.constant 0 : i32
        %cond3A_272 = arith.cmpi ne, %convert_element_type3A_270, %cond3A_271 : i32
        scf.if %cond3A_272 {
          %dma_wait3A_280 = arith.constant 0 : i32
          %dma_wait3A_281 = tpu.memref_slice %arg3[%mul3A_2, %dma_wait3A_280] : memref<4000x80xi32, #tpu.memory_space<hbm>> -> memref<1x80xi32, #tpu.memory_space<hbm>>
          %dma_wait3A_282 = tpu.memref_squeeze %dma_wait3A_281 : memref<1x80xi32, #tpu.memory_space<hbm>> -> memref<80xi32, #tpu.memory_space<hbm>>
          %dma_wait3A_283 = arith.constant 0 : i32
          %dma_wait3A_284 = tpu.memref_slice %arg3[%mul3A_2, %dma_wait3A_283] : memref<4000x80xi32, #tpu.memory_space<hbm>> -> memref<1x80xi32, #tpu.memory_space<hbm>>
          %dma_wait3A_285 = tpu.memref_squeeze %dma_wait3A_284 : memref<1x80xi32, #tpu.memory_space<hbm>> -> memref<80xi32, #tpu.memory_space<hbm>>
          tpu.wait_dma2 semaphore(%arg21 : memref<!tpu.dma_semaphore, #tpu.memory_space<semaphore_mem>>) src(%dma_wait3A_285 : memref<80xi32, #tpu.memory_space<hbm>>) dst(%arg8 : memref<80xi32, #tpu.memory_space<vmem>>)
          %get3A_286 = arith.constant 0 : index
          %get3A_287 = tpu.vector_load %arg8[%get3A_286] {strides = array<i32>} : memref<80xi32, #tpu.memory_space<vmem>>, vector<16xi32>,
          %get3A_288 = vector.shape_cast %get3A_287 : vector<16xi32> to vector<16xi32>
          %and3A_289 = arith.constant 65535 : i32
          %and3A_290 = vector.broadcast %and3A_289 : i32 to vector<16xi32>
          %and3A_291 = arith.andi %get3A_288, %and3A_290 : vector<16xi32>
          %swap3A_292 = arith.constant 0 : index
          %swap3A_293 = tpu.vector_load %arg11[%swap3A_292] {strides = array<i32>} : memref<80xi32, #tpu.memory_space<vmem>>, vector<16xi32>,
          %swap3A_294 = vector.shape_cast %swap3A_293 : vector<16xi32> to vector<16xi32>
          %swap3A_295 = vector.shape_cast %and3A_291 : vector<16xi32> to vector<16xi32>
          tpu.vector_store %arg11[%swap3A_292], %swap3A_295 {strides = array<i32>} : memref<80xi32, #tpu.memory_space<vmem>>, vector<16xi32>,
          %shift_right_logical3A_296 = arith.constant 16 : i32
          %shift_right_logical3A_297 = vector.broadcast %shift_right_logical3A_296 : i32 to vector<16xi32>
          %shift_right_logical3A_298 = arith.shrui %get3A_288, %shift_right_logical3A_297 : vector<16xi32>
          %swap3A_299 = arith.constant 0 : index
          %swap3A_300 = tpu.vector_load %arg14[%swap3A_299] {strides = array<i32>} : memref<80xi32, #tpu.memory_space<vmem>>, vector<16xi32>,
          %swap3A_301 = vector.shape_cast %swap3A_300 : vector<16xi32> to vector<16xi32>
          %swap3A_302 = vector.shape_cast %shift_right_logical3A_298 : vector<16xi32> to vector<16xi32>
          tpu.vector_store %arg14[%swap3A_299], %swap3A_302 {strides = array<i32>} : memref<80xi32, #tpu.memory_space<vmem>>, vector<16xi32>,
          %get3A_303 = arith.constant 16 : index
          %get3A_304 = tpu.vector_load %arg8[%get3A_303] {strides = array<i32>} : memref<80xi32, #tpu.memory_space<vmem>>, vector<16xi32>,
          %get3A_305 = vector.shape_cast %get3A_304 : vector<16xi32> to vector<16xi32>
          %and3A_306 = arith.constant 65535 : i32
          %and3A_307 = vector.broadcast %and3A_306 : i32 to vector<16xi32>
          %and3A_308 = arith.andi %get3A_305, %and3A_307 : vector<16xi32>
          %swap3A_309 = arith.constant 16 : index
          %swap3A_310 = tpu.vector_load %arg11[%swap3A_309] {strides = array<i32>} : memref<80xi32, #tpu.memory_space<vmem>>, vector<16xi32>,
          %swap3A_311 = vector.shape_cast %swap3A_310 : vector<16xi32> to vector<16xi32>
          %swap3A_312 = vector.shape_cast %and3A_308 : vector<16xi32> to vector<16xi32>
          tpu.vector_store %arg11[%swap3A_309], %swap3A_312 {strides = array<i32>} : memref<80xi32, #tpu.memory_space<vmem>>, vector<16xi32>,
          %shift_right_logical3A_313 = arith.constant 16 : i32
          %shift_right_logical3A_314 = vector.broadcast %shift_right_logical3A_313 : i32 to vector<16xi32>
          %shift_right_logical3A_315 = arith.shrui %get3A_305, %shift_right_logical3A_314 : vector<16xi32>
          %swap3A_316 = arith.constant 16 : index
          %swap3A_317 = tpu.vector_load %arg14[%swap3A_316] {strides = array<i32>} : memref<80xi32, #tpu.memory_space<vmem>>, vector<16xi32>,
          %swap3A_318 = vector.shape_cast %swap3A_317 : vector<16xi32> to vector<16xi32>
          %swap3A_319 = vector.shape_cast %shift_right_logical3A_315 : vector<16xi32> to vector<16xi32>
          tpu.vector_store %arg14[%swap3A_316], %swap3A_319 {strides = array<i32>} : memref<80xi32, #tpu.memory_space<vmem>>, vector<16xi32>,
          %get3A_320 = arith.constant 32 : index
          %get3A_321 = tpu.vector_load %arg8[%get3A_320] {strides = array<i32>} : memref<80xi32, #tpu.memory_space<vmem>>, vector<16xi32>,
          %get3A_322 = vector.shape_cast %get3A_321 : vector<16xi32> to vector<16xi32>
          %and3A_323 = arith.constant 65535 : i32
          %and3A_324 = vector.broadcast %and3A_323 : i32 to vector<16xi32>
          %and3A_325 = arith.andi %get3A_322, %and3A_324 : vector<16xi32>
          %swap3A_326 = arith.constant 32 : index
          %swap3A_327 = tpu.vector_load %arg11[%swap3A_326] {strides = array<i32>} : memref<80xi32, #tpu.memory_space<vmem>>, vector<16xi32>,
          %swap3A_328 = vector.shape_cast %swap3A_327 : vector<16xi32> to vector<16xi32>
          %swap3A_329 = vector.shape_cast %and3A_325 : vector<16xi32> to vector<16xi32>
          tpu.vector_store %arg11[%swap3A_326], %swap3A_329 {strides = array<i32>} : memref<80xi32, #tpu.memory_space<vmem>>, vector<16xi32>,
          %shift_right_logical3A_330 = arith.constant 16 : i32
          %shift_right_logical3A_331 = vector.broadcast %shift_right_logical3A_330 : i32 to vector<16xi32>
          %shift_right_logical3A_332 = arith.shrui %get3A_322, %shift_right_logical3A_331 : vector<16xi32>
          %swap3A_333 = arith.constant 32 : index
          %swap3A_334 = tpu.vector_load %arg14[%swap3A_333] {strides = array<i32>} : memref<80xi32, #tpu.memory_space<vmem>>, vector<16xi32>,
          %swap3A_335 = vector.shape_cast %swap3A_334 : vector<16xi32> to vector<16xi32>
          %swap3A_336 = vector.shape_cast %shift_right_logical3A_332 : vector<16xi32> to vector<16xi32>
          tpu.vector_store %arg14[%swap3A_333], %swap3A_336 {strides = array<i32>} : memref<80xi32, #tpu.memory_space<vmem>>, vector<16xi32>,
          %get3A_337 = arith.constant 48 : index
          %get3A_338 = tpu.vector_load %arg8[%get3A_337] {strides = array<i32>} : memref<80xi32, #tpu.memory_space<vmem>>, vector<16xi32>,
          %get3A_339 = vector.shape_cast %get3A_338 : vector<16xi32> to vector<16xi32>
          %and3A_340 = arith.constant 65535 : i32
          %and3A_341 = vector.broadcast %and3A_340 : i32 to vector<16xi32>
          %and3A_342 = arith.andi %get3A_339, %and3A_341 : vector<16xi32>
          %swap3A_343 = arith.constant 48 : index
          %swap3A_344 = tpu.vector_load %arg11[%swap3A_343] {strides = array<i32>} : memref<80xi32, #tpu.memory_space<vmem>>, vector<16xi32>,
          %swap3A_345 = vector.shape_cast %swap3A_344 : vector<16xi32> to vector<16xi32>
          %swap3A_346 = vector.shape_cast %and3A_342 : vector<16xi32> to vector<16xi32>
          tpu.vector_store %arg11[%swap3A_343], %swap3A_346 {strides = array<i32>} : memref<80xi32, #tpu.memory_space<vmem>>, vector<16xi32>,
          %shift_right_logical3A_347 = arith.constant 16 : i32
          %shift_right_logical3A_348 = vector.broadcast %shift_right_logical3A_347 : i32 to vector<16xi32>
          %shift_right_logical3A_349 = arith.shrui %get3A_339, %shift_right_logical3A_348 : vector<16xi32>
          %swap3A_350 = arith.constant 48 : index
          %swap3A_351 = tpu.vector_load %arg14[%swap3A_350] {strides = array<i32>} : memref<80xi32, #tpu.memory_space<vmem>>, vector<16xi32>,
          %swap3A_352 = vector.shape_cast %swap3A_351 : vector<16xi32> to vector<16xi32>
          %swap3A_353 = vector.shape_cast %shift_right_logical3A_349 : vector<16xi32> to vector<16xi32>
          tpu.vector_store %arg14[%swap3A_350], %swap3A_353 {strides = array<i32>} : memref<80xi32, #tpu.memory_space<vmem>>, vector<16xi32>,
          %get3A_354 = arith.constant 64 : index
          %get3A_355 = tpu.vector_load %arg8[%get3A_354] {strides = array<i32>} : memref<80xi32, #tpu.memory_space<vmem>>, vector<16xi32>,
          %get3A_356 = vector.shape_cast %get3A_355 : vector<16xi32> to vector<16xi32>
          %and3A_357 = arith.constant 65535 : i32
          %and3A_358 = vector.broadcast %and3A_357 : i32 to vector<16xi32>
          %and3A_359 = arith.andi %get3A_356, %and3A_358 : vector<16xi32>
          %swap3A_360 = arith.constant 64 : index
          %swap3A_361 = tpu.vector_load %arg11[%swap3A_360] {strides = array<i32>} : memref<80xi32, #tpu.memory_space<vmem>>, vector<16xi32>,
          %swap3A_362 = vector.shape_cast %swap3A_361 : vector<16xi32> to vector<16xi32>
          %swap3A_363 = vector.shape_cast %and3A_359 : vector<16xi32> to vector<16xi32>
          tpu.vector_store %arg11[%swap3A_360], %swap3A_363 {strides = array<i32>} : memref<80xi32, #tpu.memory_space<vmem>>, vector<16xi32>,
          %shift_right_logical3A_364 = arith.constant 16 : i32
          %shift_right_logical3A_365 = vector.broadcast %shift_right_logical3A_364 : i32 to vector<16xi32>
          %shift_right_logical3A_366 = arith.shrui %get3A_356, %shift_right_logical3A_365 : vector<16xi32>
          %swap3A_367 = arith.constant 64 : index
          %swap3A_368 = tpu.vector_load %arg14[%swap3A_367] {strides = array<i32>} : memref<80xi32, #tpu.memory_space<vmem>>, vector<16xi32>,
          %swap3A_369 = vector.shape_cast %swap3A_368 : vector<16xi32> to vector<16xi32>
          %swap3A_370 = vector.shape_cast %shift_right_logical3A_366 : vector<16xi32> to vector<16xi32>
          tpu.vector_store %arg14[%swap3A_367], %swap3A_370 {strides = array<i32>} : memref<80xi32, #tpu.memory_space<vmem>>, vector<16xi32>,
          %dma_start3A_371 = arith.constant 0 : i32
          %dma_start3A_372 = arith.constant 0 : i32
          %dma_start3A_373 = tpu.memref_slice %arg2[%dma_start3A_371, %dma_start3A_372] : memref<10000x128xf32, #tpu.memory_space<hbm>> -> memref<10000x128xf32, #tpu.memory_space<hbm>>
          tpu.enqueue_indirect_dma source(%dma_start3A_373 : memref<10000x128xf32, #tpu.memory_space<hbm>>) target(%arg17 : memref<80x128xf32, #tpu.memory_space<vmem>>) offsets(%arg11 : memref<80xi32, #tpu.memory_space<vmem>>) semaphore(%arg24 : memref<!tpu.dma_semaphore, #tpu.memory_space<semaphore_mem>>)
        } else {
        }
        %add3A_273 = arith.constant 3 : i32
        %add3A_274 = arith.addi %add3A_239, %add3A_273 : i32
        %lt3A_275 = arith.constant 125 : i32
        %lt3A_276 = arith.cmpi slt, %add3A_274, %lt3A_275 : i32
        %convert_element_type3A_277 = arith.extui %lt3A_276 : i1 to i32
        %cond3A_278 = arith.constant 0 : i32
        %cond3A_279 = arith.cmpi ne, %convert_element_type3A_277, %cond3A_278 : i32
        scf.if %cond3A_279 {
          %add3A_280 = arith.constant 3 : i32
          %add3A_281 = arith.addi %add3A_239, %add3A_280 : i32
          %add3A_282 = arith.addi %mul3A_2, %add3A_281 : i32
          %dma_start3A_283 = arith.constant 0 : i32
          %dma_start3A_284 = tpu.memref_slice %arg3[%add3A_282, %dma_start3A_283] : memref<4000x80xi32, #tpu.memory_space<hbm>> -> memref<1x80xi32, #tpu.memory_space<hbm>>
          %dma_start3A_285 = tpu.memref_squeeze %dma_start3A_284 : memref<1x80xi32, #tpu.memory_space<hbm>> -> memref<80xi32, #tpu.memory_space<hbm>>
          %dma_start3A_286 = arith.constant 0 : i32
          %dma_start3A_287 = tpu.memref_slice %arg3[%add3A_282, %dma_start3A_286] : memref<4000x80xi32, #tpu.memory_space<hbm>> -> memref<1x80xi32, #tpu.memory_space<hbm>>
          %dma_start3A_288 = tpu.memref_squeeze %dma_start3A_287 : memref<1x80xi32, #tpu.memory_space<hbm>> -> memref<80xi32, #tpu.memory_space<hbm>>
          tpu.enqueue_dma source(%dma_start3A_288 : memref<80xi32, #tpu.memory_space<hbm>>) target(%arg6 : memref<80xi32, #tpu.memory_space<vmem>>) target_semaphore(%arg19 : memref<!tpu.dma_semaphore, #tpu.memory_space<semaphore_mem>>)
        } else {
        }
      } else {
      }
      %add3A_242 = arith.constant 1 : i32
      %add3A_243 = arith.addi %add3A_237, %add3A_242 : i32
      %lt3A_244 = arith.constant 125 : i32
      %lt3A_245 = arith.cmpi slt, %add3A_243, %lt3A_244 : i32
      %convert_element_type3A_246 = arith.extui %lt3A_245 : i1 to i32
      %cond3A_247 = arith.constant 0 : i32
      %cond3A_248 = arith.cmpi ne, %convert_element_type3A_246, %cond3A_247 : i32
      scf.if %cond3A_248 {
        %dma_wait3A_256 = arith.constant 0 : i32
        %dma_wait3A_257 = arith.constant 0 : i32
        %dma_wait3A_258 = tpu.memref_slice %arg2[%dma_wait3A_256, %dma_wait3A_257] : memref<10000x128xf32, #tpu.memory_space<hbm>> -> memref<10000x128xf32, #tpu.memory_space<hbm>>
        tpu.wait_indirect_dma semaphore(%arg23 : memref<!tpu.dma_semaphore, #tpu.memory_space<semaphore_mem>>) src(%dma_wait3A_258 : memref<10000x128xf32, #tpu.memory_space<hbm>>) dst(%arg16 : memref<80x128xf32, #tpu.memory_space<vmem>>)
        %dma_start3A_259 = arith.constant 0 : i32
        %dma_start3A_260 = arith.constant 0 : i32
        %dma_start3A_261 = tpu.memref_slice %arg18[%dma_start3A_259, %dma_start3A_260] : memref<10112x128xf32, #tpu.memory_space<vmem_shared>> -> memref<10112x128xf32, #tpu.memory_space<vmem_shared>>
        tpu.enqueue_indirect_dma source(%arg16 : memref<80x128xf32, #tpu.memory_space<vmem>>) target(%dma_start3A_261 : memref<10112x128xf32, #tpu.memory_space<vmem_shared>>) offsets(%arg13 : memref<80xi32, #tpu.memory_space<vmem>>) semaphore(%arg26 : memref<!tpu.dma_semaphore, #tpu.memory_space<semaphore_mem>>) {add = true}
        %ge3A = arith.constant 1 : i32
        %ge3A_262 = arith.cmpi sge, %add3A_243, %ge3A : i32
        %convert_element_type3A_263 = arith.extui %ge3A_262 : i1 to i32
        %cond3A_264 = arith.constant 0 : i32
        %cond3A_265 = arith.cmpi ne, %convert_element_type3A_263, %cond3A_264 : i32
        scf.if %cond3A_265 {
          %dma_wait3A_280 = arith.constant 0 : i32
          %dma_wait3A_281 = arith.constant 0 : i32
          %dma_wait3A_282 = tpu.memref_slice %arg18[%dma_wait3A_280, %dma_wait3A_281] : memref<10112x128xf32, #tpu.memory_space<vmem_shared>> -> memref<10112x128xf32, #tpu.memory_space<vmem_shared>>
          tpu.wait_indirect_dma semaphore(%arg25 : memref<!tpu.dma_semaphore, #tpu.memory_space<semaphore_mem>>) src(%arg15 : memref<80x128xf32, #tpu.memory_space<vmem>>) dst(%dma_wait3A_282 : memref<10112x128xf32, #tpu.memory_space<vmem_shared>>)
        } else {
        }
        %add3A_266 = arith.constant 2 : i32
        %add3A_267 = arith.addi %add3A_243, %add3A_266 : i32
        %lt3A_268 = arith.constant 125 : i32
        %lt3A_269 = arith.cmpi slt, %add3A_267, %lt3A_268 : i32
        %convert_element_type3A_270 = arith.extui %lt3A_269 : i1 to i32
        %cond3A_271 = arith.constant 0 : i32
        %cond3A_272 = arith.cmpi ne, %convert_element_type3A_270, %cond3A_271 : i32
        scf.if %cond3A_272 {
          %dma_wait3A_280 = arith.constant 0 : i32
          %dma_wait3A_281 = tpu.memref_slice %arg3[%mul3A_2, %dma_wait3A_280] : memref<4000x80xi32, #tpu.memory_space<hbm>> -> memref<1x80xi32, #tpu.memory_space<hbm>>
          %dma_wait3A_282 = tpu.memref_squeeze %dma_wait3A_281 : memref<1x80xi32, #tpu.memory_space<hbm>> -> memref<80xi32, #tpu.memory_space<hbm>>
          %dma_wait3A_283 = arith.constant 0 : i32
          %dma_wait3A_284 = tpu.memref_slice %arg3[%mul3A_2, %dma_wait3A_283] : memref<4000x80xi32, #tpu.memory_space<hbm>> -> memref<1x80xi32, #tpu.memory_space<hbm>>
          %dma_wait3A_285 = tpu.memref_squeeze %dma_wait3A_284 : memref<1x80xi32, #tpu.memory_space<hbm>> -> memref<80xi32, #tpu.memory_space<hbm>>
          tpu.wait_dma2 semaphore(%arg19 : memref<!tpu.dma_semaphore, #tpu.memory_space<semaphore_mem>>) src(%dma_wait3A_285 : memref<80xi32, #tpu.memory_space<hbm>>) dst(%arg6 : memref<80xi32, #tpu.memory_space<vmem>>)
          %get3A_286 = arith.constant 0 : index
          %get3A_287 = tpu.vector_load %arg6[%get3A_286] {strides = array<i32>} : memref<80xi32, #tpu.memory_space<vmem>>, vector<16xi32>,
          %get3A_288 = vector.shape_cast %get3A_287 : vector<16xi32> to vector<16xi32>
          %and3A_289 = arith.constant 65535 : i32
          %and3A_290 = vector.broadcast %and3A_289 : i32 to vector<16xi32>
          %and3A_291 = arith.andi %get3A_288, %and3A_290 : vector<16xi32>
          %swap3A_292 = arith.constant 0 : index
          %swap3A_293 = tpu.vector_load %arg9[%swap3A_292] {strides = array<i32>} : memref<80xi32, #tpu.memory_space<vmem>>, vector<16xi32>,
          %swap3A_294 = vector.shape_cast %swap3A_293 : vector<16xi32> to vector<16xi32>
          %swap3A_295 = vector.shape_cast %and3A_291 : vector<16xi32> to vector<16xi32>
          tpu.vector_store %arg9[%swap3A_292], %swap3A_295 {strides = array<i32>} : memref<80xi32, #tpu.memory_space<vmem>>, vector<16xi32>,
          %shift_right_logical3A_296 = arith.constant 16 : i32
          %shift_right_logical3A_297 = vector.broadcast %shift_right_logical3A_296 : i32 to vector<16xi32>
          %shift_right_logical3A_298 = arith.shrui %get3A_288, %shift_right_logical3A_297 : vector<16xi32>
          %swap3A_299 = arith.constant 0 : index
          %swap3A_300 = tpu.vector_load %arg12[%swap3A_299] {strides = array<i32>} : memref<80xi32, #tpu.memory_space<vmem>>, vector<16xi32>,
          %swap3A_301 = vector.shape_cast %swap3A_300 : vector<16xi32> to vector<16xi32>
          %swap3A_302 = vector.shape_cast %shift_right_logical3A_298 : vector<16xi32> to vector<16xi32>
          tpu.vector_store %arg12[%swap3A_299], %swap3A_302 {strides = array<i32>} : memref<80xi32, #tpu.memory_space<vmem>>, vector<16xi32>,
          %get3A_303 = arith.constant 16 : index
          %get3A_304 = tpu.vector_load %arg6[%get3A_303] {strides = array<i32>} : memref<80xi32, #tpu.memory_space<vmem>>, vector<16xi32>,
          %get3A_305 = vector.shape_cast %get3A_304 : vector<16xi32> to vector<16xi32>
          %and3A_306 = arith.constant 65535 : i32
          %and3A_307 = vector.broadcast %and3A_306 : i32 to vector<16xi32>
          %and3A_308 = arith.andi %get3A_305, %and3A_307 : vector<16xi32>
          %swap3A_309 = arith.constant 16 : index
          %swap3A_310 = tpu.vector_load %arg9[%swap3A_309] {strides = array<i32>} : memref<80xi32, #tpu.memory_space<vmem>>, vector<16xi32>,
          %swap3A_311 = vector.shape_cast %swap3A_310 : vector<16xi32> to vector<16xi32>
          %swap3A_312 = vector.shape_cast %and3A_308 : vector<16xi32> to vector<16xi32>
          tpu.vector_store %arg9[%swap3A_309], %swap3A_312 {strides = array<i32>} : memref<80xi32, #tpu.memory_space<vmem>>, vector<16xi32>,
          %shift_right_logical3A_313 = arith.constant 16 : i32
          %shift_right_logical3A_314 = vector.broadcast %shift_right_logical3A_313 : i32 to vector<16xi32>
          %shift_right_logical3A_315 = arith.shrui %get3A_305, %shift_right_logical3A_314 : vector<16xi32>
          %swap3A_316 = arith.constant 16 : index
          %swap3A_317 = tpu.vector_load %arg12[%swap3A_316] {strides = array<i32>} : memref<80xi32, #tpu.memory_space<vmem>>, vector<16xi32>,
          %swap3A_318 = vector.shape_cast %swap3A_317 : vector<16xi32> to vector<16xi32>
          %swap3A_319 = vector.shape_cast %shift_right_logical3A_315 : vector<16xi32> to vector<16xi32>
          tpu.vector_store %arg12[%swap3A_316], %swap3A_319 {strides = array<i32>} : memref<80xi32, #tpu.memory_space<vmem>>, vector<16xi32>,
          %get3A_320 = arith.constant 32 : index
          %get3A_321 = tpu.vector_load %arg6[%get3A_320] {strides = array<i32>} : memref<80xi32, #tpu.memory_space<vmem>>, vector<16xi32>,
          %get3A_322 = vector.shape_cast %get3A_321 : vector<16xi32> to vector<16xi32>
          %and3A_323 = arith.constant 65535 : i32
          %and3A_324 = vector.broadcast %and3A_323 : i32 to vector<16xi32>
          %and3A_325 = arith.andi %get3A_322, %and3A_324 : vector<16xi32>
          %swap3A_326 = arith.constant 32 : index
          %swap3A_327 = tpu.vector_load %arg9[%swap3A_326] {strides = array<i32>} : memref<80xi32, #tpu.memory_space<vmem>>, vector<16xi32>,
          %swap3A_328 = vector.shape_cast %swap3A_327 : vector<16xi32> to vector<16xi32>
          %swap3A_329 = vector.shape_cast %and3A_325 : vector<16xi32> to vector<16xi32>
          tpu.vector_store %arg9[%swap3A_326], %swap3A_329 {strides = array<i32>} : memref<80xi32, #tpu.memory_space<vmem>>, vector<16xi32>,
          %shift_right_logical3A_330 = arith.constant 16 : i32
          %shift_right_logical3A_331 = vector.broadcast %shift_right_logical3A_330 : i32 to vector<16xi32>
          %shift_right_logical3A_332 = arith.shrui %get3A_322, %shift_right_logical3A_331 : vector<16xi32>
          %swap3A_333 = arith.constant 32 : index
          %swap3A_334 = tpu.vector_load %arg12[%swap3A_333] {strides = array<i32>} : memref<80xi32, #tpu.memory_space<vmem>>, vector<16xi32>,
          %swap3A_335 = vector.shape_cast %swap3A_334 : vector<16xi32> to vector<16xi32>
          %swap3A_336 = vector.shape_cast %shift_right_logical3A_332 : vector<16xi32> to vector<16xi32>
          tpu.vector_store %arg12[%swap3A_333], %swap3A_336 {strides = array<i32>} : memref<80xi32, #tpu.memory_space<vmem>>, vector<16xi32>,
          %get3A_337 = arith.constant 48 : index
          %get3A_338 = tpu.vector_load %arg6[%get3A_337] {strides = array<i32>} : memref<80xi32, #tpu.memory_space<vmem>>, vector<16xi32>,
          %get3A_339 = vector.shape_cast %get3A_338 : vector<16xi32> to vector<16xi32>
          %and3A_340 = arith.constant 65535 : i32
          %and3A_341 = vector.broadcast %and3A_340 : i32 to vector<16xi32>
          %and3A_342 = arith.andi %get3A_339, %and3A_341 : vector<16xi32>
          %swap3A_343 = arith.constant 48 : index
          %swap3A_344 = tpu.vector_load %arg9[%swap3A_343] {strides = array<i32>} : memref<80xi32, #tpu.memory_space<vmem>>, vector<16xi32>,
          %swap3A_345 = vector.shape_cast %swap3A_344 : vector<16xi32> to vector<16xi32>
          %swap3A_346 = vector.shape_cast %and3A_342 : vector<16xi32> to vector<16xi32>
          tpu.vector_store %arg9[%swap3A_343], %swap3A_346 {strides = array<i32>} : memref<80xi32, #tpu.memory_space<vmem>>, vector<16xi32>,
          %shift_right_logical3A_347 = arith.constant 16 : i32
          %shift_right_logical3A_348 = vector.broadcast %shift_right_logical3A_347 : i32 to vector<16xi32>
          %shift_right_logical3A_349 = arith.shrui %get3A_339, %shift_right_logical3A_348 : vector<16xi32>
          %swap3A_350 = arith.constant 48 : index
          %swap3A_351 = tpu.vector_load %arg12[%swap3A_350] {strides = array<i32>} : memref<80xi32, #tpu.memory_space<vmem>>, vector<16xi32>,
          %swap3A_352 = vector.shape_cast %swap3A_351 : vector<16xi32> to vector<16xi32>
          %swap3A_353 = vector.shape_cast %shift_right_logical3A_349 : vector<16xi32> to vector<16xi32>
          tpu.vector_store %arg12[%swap3A_350], %swap3A_353 {strides = array<i32>} : memref<80xi32, #tpu.memory_space<vmem>>, vector<16xi32>,
          %get3A_354 = arith.constant 64 : index
          %get3A_355 = tpu.vector_load %arg6[%get3A_354] {strides = array<i32>} : memref<80xi32, #tpu.memory_space<vmem>>, vector<16xi32>,
          %get3A_356 = vector.shape_cast %get3A_355 : vector<16xi32> to vector<16xi32>
          %and3A_357 = arith.constant 65535 : i32
          %and3A_358 = vector.broadcast %and3A_357 : i32 to vector<16xi32>
          %and3A_359 = arith.andi %get3A_356, %and3A_358 : vector<16xi32>
          %swap3A_360 = arith.constant 64 : index
          %swap3A_361 = tpu.vector_load %arg9[%swap3A_360] {strides = array<i32>} : memref<80xi32, #tpu.memory_space<vmem>>, vector<16xi32>,
          %swap3A_362 = vector.shape_cast %swap3A_361 : vector<16xi32> to vector<16xi32>
          %swap3A_363 = vector.shape_cast %and3A_359 : vector<16xi32> to vector<16xi32>
          tpu.vector_store %arg9[%swap3A_360], %swap3A_363 {strides = array<i32>} : memref<80xi32, #tpu.memory_space<vmem>>, vector<16xi32>,
          %shift_right_logical3A_364 = arith.constant 16 : i32
          %shift_right_logical3A_365 = vector.broadcast %shift_right_logical3A_364 : i32 to vector<16xi32>
          %shift_right_logical3A_366 = arith.shrui %get3A_356, %shift_right_logical3A_365 : vector<16xi32>
          %swap3A_367 = arith.constant 64 : index
          %swap3A_368 = tpu.vector_load %arg12[%swap3A_367] {strides = array<i32>} : memref<80xi32, #tpu.memory_space<vmem>>, vector<16xi32>,
          %swap3A_369 = vector.shape_cast %swap3A_368 : vector<16xi32> to vector<16xi32>
          %swap3A_370 = vector.shape_cast %shift_right_logical3A_366 : vector<16xi32> to vector<16xi32>
          tpu.vector_store %arg12[%swap3A_367], %swap3A_370 {strides = array<i32>} : memref<80xi32, #tpu.memory_space<vmem>>, vector<16xi32>,
          %dma_start3A_371 = arith.constant 0 : i32
          %dma_start3A_372 = arith.constant 0 : i32
          %dma_start3A_373 = tpu.memref_slice %arg2[%dma_start3A_371, %dma_start3A_372] : memref<10000x128xf32, #tpu.memory_space<hbm>> -> memref<10000x128xf32, #tpu.memory_space<hbm>>
          tpu.enqueue_indirect_dma source(%dma_start3A_373 : memref<10000x128xf32, #tpu.memory_space<hbm>>) target(%arg15 : memref<80x128xf32, #tpu.memory_space<vmem>>) offsets(%arg9 : memref<80xi32, #tpu.memory_space<vmem>>) semaphore(%arg22 : memref<!tpu.dma_semaphore, #tpu.memory_space<semaphore_mem>>)
        } else {
        }
        %add3A_273 = arith.constant 3 : i32
        %add3A_274 = arith.addi %add3A_243, %add3A_273 : i32
        %lt3A_275 = arith.constant 125 : i32
        %lt3A_276 = arith.cmpi slt, %add3A_274, %lt3A_275 : i32
        %convert_element_type3A_277 = arith.extui %lt3A_276 : i1 to i32
        %cond3A_278 = arith.constant 0 : i32
        %cond3A_279 = arith.cmpi ne, %convert_element_type3A_277, %cond3A_278 : i32
        scf.if %cond3A_279 {
          %add3A_280 = arith.constant 3 : i32
          %add3A_281 = arith.addi %add3A_243, %add3A_280 : i32
          %add3A_282 = arith.addi %mul3A_2, %add3A_281 : i32
          %dma_start3A_283 = arith.constant 0 : i32
          %dma_start3A_284 = tpu.memref_slice %arg3[%add3A_282, %dma_start3A_283] : memref<4000x80xi32, #tpu.memory_space<hbm>> -> memref<1x80xi32, #tpu.memory_space<hbm>>
          %dma_start3A_285 = tpu.memref_squeeze %dma_start3A_284 : memref<1x80xi32, #tpu.memory_space<hbm>> -> memref<80xi32, #tpu.memory_space<hbm>>
          %dma_start3A_286 = arith.constant 0 : i32
          %dma_start3A_287 = tpu.memref_slice %arg3[%add3A_282, %dma_start3A_286] : memref<4000x80xi32, #tpu.memory_space<hbm>> -> memref<1x80xi32, #tpu.memory_space<hbm>>
          %dma_start3A_288 = tpu.memref_squeeze %dma_start3A_287 : memref<1x80xi32, #tpu.memory_space<hbm>> -> memref<80xi32, #tpu.memory_space<hbm>>
          tpu.enqueue_dma source(%dma_start3A_288 : memref<80xi32, #tpu.memory_space<hbm>>) target(%arg7 : memref<80xi32, #tpu.memory_space<vmem>>) target_semaphore(%arg20 : memref<!tpu.dma_semaphore, #tpu.memory_space<semaphore_mem>>)
        } else {
        }
      } else {
      }
      %add3A_249 = arith.constant 2 : i32
      %add3A_250 = arith.addi %add3A_237, %add3A_249 : i32
      %lt3A_251 = arith.constant 125 : i32
      %lt3A_252 = arith.cmpi slt, %add3A_250, %lt3A_251 : i32
      %convert_element_type3A_253 = arith.extui %lt3A_252 : i1 to i32
      %cond3A_254 = arith.constant 0 : i32
      %cond3A_255 = arith.cmpi ne, %convert_element_type3A_253, %cond3A_254 : i32
      scf.if %cond3A_255 {
        %dma_wait3A_256 = arith.constant 0 : i32
        %dma_wait3A_257 = arith.constant 0 : i32
        %dma_wait3A_258 = tpu.memref_slice %arg2[%dma_wait3A_256, %dma_wait3A_257] : memref<10000x128xf32, #tpu.memory_space<hbm>> -> memref<10000x128xf32, #tpu.memory_space<hbm>>
        tpu.wait_indirect_dma semaphore(%arg24 : memref<!tpu.dma_semaphore, #tpu.memory_space<semaphore_mem>>) src(%dma_wait3A_258 : memref<10000x128xf32, #tpu.memory_space<hbm>>) dst(%arg17 : memref<80x128xf32, #tpu.memory_space<vmem>>)
        %dma_start3A_259 = arith.constant 0 : i32
        %dma_start3A_260 = arith.constant 0 : i32
        %dma_start3A_261 = tpu.memref_slice %arg18[%dma_start3A_259, %dma_start3A_260] : memref<10112x128xf32, #tpu.memory_space<vmem_shared>> -> memref<10112x128xf32, #tpu.memory_space<vmem_shared>>
        tpu.enqueue_indirect_dma source(%arg17 : memref<80x128xf32, #tpu.memory_space<vmem>>) target(%dma_start3A_261 : memref<10112x128xf32, #tpu.memory_space<vmem_shared>>) offsets(%arg14 : memref<80xi32, #tpu.memory_space<vmem>>) semaphore(%arg27 : memref<!tpu.dma_semaphore, #tpu.memory_space<semaphore_mem>>) {add = true}
        %ge3A = arith.constant 1 : i32
        %ge3A_262 = arith.cmpi sge, %add3A_250, %ge3A : i32
        %convert_element_type3A_263 = arith.extui %ge3A_262 : i1 to i32
        %cond3A_264 = arith.constant 0 : i32
        %cond3A_265 = arith.cmpi ne, %convert_element_type3A_263, %cond3A_264 : i32
        scf.if %cond3A_265 {
          %dma_wait3A_280 = arith.constant 0 : i32
          %dma_wait3A_281 = arith.constant 0 : i32
          %dma_wait3A_282 = tpu.memref_slice %arg18[%dma_wait3A_280, %dma_wait3A_281] : memref<10112x128xf32, #tpu.memory_space<vmem_shared>> -> memref<10112x128xf32, #tpu.memory_space<vmem_shared>>
          tpu.wait_indirect_dma semaphore(%arg26 : memref<!tpu.dma_semaphore, #tpu.memory_space<semaphore_mem>>) src(%arg16 : memref<80x128xf32, #tpu.memory_space<vmem>>) dst(%dma_wait3A_282 : memref<10112x128xf32, #tpu.memory_space<vmem_shared>>)
        } else {
        }
        %add3A_266 = arith.constant 2 : i32
        %add3A_267 = arith.addi %add3A_250, %add3A_266 : i32
        %lt3A_268 = arith.constant 125 : i32
        %lt3A_269 = arith.cmpi slt, %add3A_267, %lt3A_268 : i32
        %convert_element_type3A_270 = arith.extui %lt3A_269 : i1 to i32
        %cond3A_271 = arith.constant 0 : i32
        %cond3A_272 = arith.cmpi ne, %convert_element_type3A_270, %cond3A_271 : i32
        scf.if %cond3A_272 {
          %dma_wait3A_280 = arith.constant 0 : i32
          %dma_wait3A_281 = tpu.memref_slice %arg3[%mul3A_2, %dma_wait3A_280] : memref<4000x80xi32, #tpu.memory_space<hbm>> -> memref<1x80xi32, #tpu.memory_space<hbm>>
          %dma_wait3A_282 = tpu.memref_squeeze %dma_wait3A_281 : memref<1x80xi32, #tpu.memory_space<hbm>> -> memref<80xi32, #tpu.memory_space<hbm>>
          %dma_wait3A_283 = arith.constant 0 : i32
          %dma_wait3A_284 = tpu.memref_slice %arg3[%mul3A_2, %dma_wait3A_283] : memref<4000x80xi32, #tpu.memory_space<hbm>> -> memref<1x80xi32, #tpu.memory_space<hbm>>
          %dma_wait3A_285 = tpu.memref_squeeze %dma_wait3A_284 : memref<1x80xi32, #tpu.memory_space<hbm>> -> memref<80xi32, #tpu.memory_space<hbm>>
          tpu.wait_dma2 semaphore(%arg20 : memref<!tpu.dma_semaphore, #tpu.memory_space<semaphore_mem>>) src(%dma_wait3A_285 : memref<80xi32, #tpu.memory_space<hbm>>) dst(%arg7 : memref<80xi32, #tpu.memory_space<vmem>>)
          %get3A_286 = arith.constant 0 : index
          %get3A_287 = tpu.vector_load %arg7[%get3A_286] {strides = array<i32>} : memref<80xi32, #tpu.memory_space<vmem>>, vector<16xi32>,
          %get3A_288 = vector.shape_cast %get3A_287 : vector<16xi32> to vector<16xi32>
          %and3A_289 = arith.constant 65535 : i32
          %and3A_290 = vector.broadcast %and3A_289 : i32 to vector<16xi32>
          %and3A_291 = arith.andi %get3A_288, %and3A_290 : vector<16xi32>
          %swap3A_292 = arith.constant 0 : index
          %swap3A_293 = tpu.vector_load %arg10[%swap3A_292] {strides = array<i32>} : memref<80xi32, #tpu.memory_space<vmem>>, vector<16xi32>,
          %swap3A_294 = vector.shape_cast %swap3A_293 : vector<16xi32> to vector<16xi32>
          %swap3A_295 = vector.shape_cast %and3A_291 : vector<16xi32> to vector<16xi32>
          tpu.vector_store %arg10[%swap3A_292], %swap3A_295 {strides = array<i32>} : memref<80xi32, #tpu.memory_space<vmem>>, vector<16xi32>,
          %shift_right_logical3A_296 = arith.constant 16 : i32
          %shift_right_logical3A_297 = vector.broadcast %shift_right_logical3A_296 : i32 to vector<16xi32>
          %shift_right_logical3A_298 = arith.shrui %get3A_288, %shift_right_logical3A_297 : vector<16xi32>
          %swap3A_299 = arith.constant 0 : index
          %swap3A_300 = tpu.vector_load %arg13[%swap3A_299] {strides = array<i32>} : memref<80xi32, #tpu.memory_space<vmem>>, vector<16xi32>,
          %swap3A_301 = vector.shape_cast %swap3A_300 : vector<16xi32> to vector<16xi32>
          %swap3A_302 = vector.shape_cast %shift_right_logical3A_298 : vector<16xi32> to vector<16xi32>
          tpu.vector_store %arg13[%swap3A_299], %swap3A_302 {strides = array<i32>} : memref<80xi32, #tpu.memory_space<vmem>>, vector<16xi32>,
          %get3A_303 = arith.constant 16 : index
          %get3A_304 = tpu.vector_load %arg7[%get3A_303] {strides = array<i32>} : memref<80xi32, #tpu.memory_space<vmem>>, vector<16xi32>,
          %get3A_305 = vector.shape_cast %get3A_304 : vector<16xi32> to vector<16xi32>
          %and3A_306 = arith.constant 65535 : i32
          %and3A_307 = vector.broadcast %and3A_306 : i32 to vector<16xi32>
          %and3A_308 = arith.andi %get3A_305, %and3A_307 : vector<16xi32>
          %swap3A_309 = arith.constant 16 : index
          %swap3A_310 = tpu.vector_load %arg10[%swap3A_309] {strides = array<i32>} : memref<80xi32, #tpu.memory_space<vmem>>, vector<16xi32>,
          %swap3A_311 = vector.shape_cast %swap3A_310 : vector<16xi32> to vector<16xi32>
          %swap3A_312 = vector.shape_cast %and3A_308 : vector<16xi32> to vector<16xi32>
          tpu.vector_store %arg10[%swap3A_309], %swap3A_312 {strides = array<i32>} : memref<80xi32, #tpu.memory_space<vmem>>, vector<16xi32>,
          %shift_right_logical3A_313 = arith.constant 16 : i32
          %shift_right_logical3A_314 = vector.broadcast %shift_right_logical3A_313 : i32 to vector<16xi32>
          %shift_right_logical3A_315 = arith.shrui %get3A_305, %shift_right_logical3A_314 : vector<16xi32>
          %swap3A_316 = arith.constant 16 : index
          %swap3A_317 = tpu.vector_load %arg13[%swap3A_316] {strides = array<i32>} : memref<80xi32, #tpu.memory_space<vmem>>, vector<16xi32>,
          %swap3A_318 = vector.shape_cast %swap3A_317 : vector<16xi32> to vector<16xi32>
          %swap3A_319 = vector.shape_cast %shift_right_logical3A_315 : vector<16xi32> to vector<16xi32>
          tpu.vector_store %arg13[%swap3A_316], %swap3A_319 {strides = array<i32>} : memref<80xi32, #tpu.memory_space<vmem>>, vector<16xi32>,
          %get3A_320 = arith.constant 32 : index
          %get3A_321 = tpu.vector_load %arg7[%get3A_320] {strides = array<i32>} : memref<80xi32, #tpu.memory_space<vmem>>, vector<16xi32>,
          %get3A_322 = vector.shape_cast %get3A_321 : vector<16xi32> to vector<16xi32>
          %and3A_323 = arith.constant 65535 : i32
          %and3A_324 = vector.broadcast %and3A_323 : i32 to vector<16xi32>
          %and3A_325 = arith.andi %get3A_322, %and3A_324 : vector<16xi32>
          %swap3A_326 = arith.constant 32 : index
          %swap3A_327 = tpu.vector_load %arg10[%swap3A_326] {strides = array<i32>} : memref<80xi32, #tpu.memory_space<vmem>>, vector<16xi32>,
          %swap3A_328 = vector.shape_cast %swap3A_327 : vector<16xi32> to vector<16xi32>
          %swap3A_329 = vector.shape_cast %and3A_325 : vector<16xi32> to vector<16xi32>
          tpu.vector_store %arg10[%swap3A_326], %swap3A_329 {strides = array<i32>} : memref<80xi32, #tpu.memory_space<vmem>>, vector<16xi32>,
          %shift_right_logical3A_330 = arith.constant 16 : i32
          %shift_right_logical3A_331 = vector.broadcast %shift_right_logical3A_330 : i32 to vector<16xi32>
          %shift_right_logical3A_332 = arith.shrui %get3A_322, %shift_right_logical3A_331 : vector<16xi32>
          %swap3A_333 = arith.constant 32 : index
          %swap3A_334 = tpu.vector_load %arg13[%swap3A_333] {strides = array<i32>} : memref<80xi32, #tpu.memory_space<vmem>>, vector<16xi32>,
          %swap3A_335 = vector.shape_cast %swap3A_334 : vector<16xi32> to vector<16xi32>
          %swap3A_336 = vector.shape_cast %shift_right_logical3A_332 : vector<16xi32> to vector<16xi32>
          tpu.vector_store %arg13[%swap3A_333], %swap3A_336 {strides = array<i32>} : memref<80xi32, #tpu.memory_space<vmem>>, vector<16xi32>,
          %get3A_337 = arith.constant 48 : index
          %get3A_338 = tpu.vector_load %arg7[%get3A_337] {strides = array<i32>} : memref<80xi32, #tpu.memory_space<vmem>>, vector<16xi32>,
          %get3A_339 = vector.shape_cast %get3A_338 : vector<16xi32> to vector<16xi32>
          %and3A_340 = arith.constant 65535 : i32
          %and3A_341 = vector.broadcast %and3A_340 : i32 to vector<16xi32>
          %and3A_342 = arith.andi %get3A_339, %and3A_341 : vector<16xi32>
          %swap3A_343 = arith.constant 48 : index
          %swap3A_344 = tpu.vector_load %arg10[%swap3A_343] {strides = array<i32>} : memref<80xi32, #tpu.memory_space<vmem>>, vector<16xi32>,
          %swap3A_345 = vector.shape_cast %swap3A_344 : vector<16xi32> to vector<16xi32>
          %swap3A_346 = vector.shape_cast %and3A_342 : vector<16xi32> to vector<16xi32>
          tpu.vector_store %arg10[%swap3A_343], %swap3A_346 {strides = array<i32>} : memref<80xi32, #tpu.memory_space<vmem>>, vector<16xi32>,
          %shift_right_logical3A_347 = arith.constant 16 : i32
          %shift_right_logical3A_348 = vector.broadcast %shift_right_logical3A_347 : i32 to vector<16xi32>
          %shift_right_logical3A_349 = arith.shrui %get3A_339, %shift_right_logical3A_348 : vector<16xi32>
          %swap3A_350 = arith.constant 48 : index
          %swap3A_351 = tpu.vector_load %arg13[%swap3A_350] {strides = array<i32>} : memref<80xi32, #tpu.memory_space<vmem>>, vector<16xi32>,
          %swap3A_352 = vector.shape_cast %swap3A_351 : vector<16xi32> to vector<16xi32>
          %swap3A_353 = vector.shape_cast %shift_right_logical3A_349 : vector<16xi32> to vector<16xi32>
          tpu.vector_store %arg13[%swap3A_350], %swap3A_353 {strides = array<i32>} : memref<80xi32, #tpu.memory_space<vmem>>, vector<16xi32>,
          %get3A_354 = arith.constant 64 : index
          %get3A_355 = tpu.vector_load %arg7[%get3A_354] {strides = array<i32>} : memref<80xi32, #tpu.memory_space<vmem>>, vector<16xi32>,
          %get3A_356 = vector.shape_cast %get3A_355 : vector<16xi32> to vector<16xi32>
          %and3A_357 = arith.constant 65535 : i32
          %and3A_358 = vector.broadcast %and3A_357 : i32 to vector<16xi32>
          %and3A_359 = arith.andi %get3A_356, %and3A_358 : vector<16xi32>
          %swap3A_360 = arith.constant 64 : index
          %swap3A_361 = tpu.vector_load %arg10[%swap3A_360] {strides = array<i32>} : memref<80xi32, #tpu.memory_space<vmem>>, vector<16xi32>,
          %swap3A_362 = vector.shape_cast %swap3A_361 : vector<16xi32> to vector<16xi32>
          %swap3A_363 = vector.shape_cast %and3A_359 : vector<16xi32> to vector<16xi32>
          tpu.vector_store %arg10[%swap3A_360], %swap3A_363 {strides = array<i32>} : memref<80xi32, #tpu.memory_space<vmem>>, vector<16xi32>,
          %shift_right_logical3A_364 = arith.constant 16 : i32
          %shift_right_logical3A_365 = vector.broadcast %shift_right_logical3A_364 : i32 to vector<16xi32>
          %shift_right_logical3A_366 = arith.shrui %get3A_356, %shift_right_logical3A_365 : vector<16xi32>
          %swap3A_367 = arith.constant 64 : index
          %swap3A_368 = tpu.vector_load %arg13[%swap3A_367] {strides = array<i32>} : memref<80xi32, #tpu.memory_space<vmem>>, vector<16xi32>,
          %swap3A_369 = vector.shape_cast %swap3A_368 : vector<16xi32> to vector<16xi32>
          %swap3A_370 = vector.shape_cast %shift_right_logical3A_366 : vector<16xi32> to vector<16xi32>
          tpu.vector_store %arg13[%swap3A_367], %swap3A_370 {strides = array<i32>} : memref<80xi32, #tpu.memory_space<vmem>>, vector<16xi32>,
          %dma_start3A_371 = arith.constant 0 : i32
          %dma_start3A_372 = arith.constant 0 : i32
          %dma_start3A_373 = tpu.memref_slice %arg2[%dma_start3A_371, %dma_start3A_372] : memref<10000x128xf32, #tpu.memory_space<hbm>> -> memref<10000x128xf32, #tpu.memory_space<hbm>>
          tpu.enqueue_indirect_dma source(%dma_start3A_373 : memref<10000x128xf32, #tpu.memory_space<hbm>>) target(%arg16 : memref<80x128xf32, #tpu.memory_space<vmem>>) offsets(%arg10 : memref<80xi32, #tpu.memory_space<vmem>>) semaphore(%arg23 : memref<!tpu.dma_semaphore, #tpu.memory_space<semaphore_mem>>)
        } else {
        }
        %add3A_273 = arith.constant 3 : i32
        %add3A_274 = arith.addi %add3A_250, %add3A_273 : i32
        %lt3A_275 = arith.constant 125 : i32
        %lt3A_276 = arith.cmpi slt, %add3A_274, %lt3A_275 : i32
        %convert_element_type3A_277 = arith.extui %lt3A_276 : i1 to i32
        %cond3A_278 = arith.constant 0 : i32
        %cond3A_279 = arith.cmpi ne, %convert_element_type3A_277, %cond3A_278 : i32
        scf.if %cond3A_279 {
          %add3A_280 = arith.constant 3 : i32
          %add3A_281 = arith.addi %add3A_250, %add3A_280 : i32
          %add3A_282 = arith.addi %mul3A_2, %add3A_281 : i32
          %dma_start3A_283 = arith.constant 0 : i32
          %dma_start3A_284 = tpu.memref_slice %arg3[%add3A_282, %dma_start3A_283] : memref<4000x80xi32, #tpu.memory_space<hbm>> -> memref<1x80xi32, #tpu.memory_space<hbm>>
          %dma_start3A_285 = tpu.memref_squeeze %dma_start3A_284 : memref<1x80xi32, #tpu.memory_space<hbm>> -> memref<80xi32, #tpu.memory_space<hbm>>
          %dma_start3A_286 = arith.constant 0 : i32
          %dma_start3A_287 = tpu.memref_slice %arg3[%add3A_282, %dma_start3A_286] : memref<4000x80xi32, #tpu.memory_space<hbm>> -> memref<1x80xi32, #tpu.memory_space<hbm>>
          %dma_start3A_288 = tpu.memref_squeeze %dma_start3A_287 : memref<1x80xi32, #tpu.memory_space<hbm>> -> memref<80xi32, #tpu.memory_space<hbm>>
          tpu.enqueue_dma source(%dma_start3A_288 : memref<80xi32, #tpu.memory_space<hbm>>) target(%arg8 : memref<80xi32, #tpu.memory_space<vmem>>) target_semaphore(%arg21 : memref<!tpu.dma_semaphore, #tpu.memory_space<semaphore_mem>>)
        } else {
        }
      } else {
      }
    }
    %scan3A_224 = arith.constant 42 : i32
    %dma_wait3A_225 = arith.constant 0 : i32
    %dma_wait3A_226 = arith.constant 0 : i32
    %dma_wait3A_227 = tpu.memref_slice %arg18[%dma_wait3A_225, %dma_wait3A_226] : memref<10112x128xf32, #tpu.memory_space<vmem_shared>> -> memref<10112x128xf32, #tpu.memory_space<vmem_shared>>
    tpu.wait_indirect_dma semaphore(%arg26 : memref<!tpu.dma_semaphore, #tpu.memory_space<semaphore_mem>>) src(%arg16 : memref<80x128xf32, #tpu.memory_space<vmem>>) dst(%dma_wait3A_227 : memref<10112x128xf32, #tpu.memory_space<vmem_shared>>)
    %barrier3A_228 = arith.constant 0 : index
    tpu.barrier barrier_id(%barrier3A_228)
    %mul3A_229 = arith.constant 632 : i32
    %mul3A_230 = arith.muli %arg1, %mul3A_229 : i32
    %mul3A_231 = arith.constant 632 : i32
    %mul3A_232 = arith.muli %arg1, %mul3A_231 : i32
    "tpu.region"() ({
      %run_scoped3A = tpu.sem_alloc : memref<!tpu.dma_semaphore, #tpu.memory_space<semaphore_mem>>
      %dma_start3A_233 = arith.constant 0 : i32
      %dma_start3A_234 = tpu.memref_slice %arg5[%arg0, %mul3A_232, %dma_start3A_233] : memref<2x10112x128xf32, #tpu.memory_space<hbm>> -> memref<1x632x128xf32, #tpu.memory_space<hbm>>
      %dma_start3A_235 = tpu.memref_squeeze %dma_start3A_234 : memref<1x632x128xf32, #tpu.memory_space<hbm>> -> memref<632x128xf32, #tpu.memory_space<hbm>>
      %dma_start3A_236 = arith.constant 0 : i32
      %dma_start3A_237 = tpu.memref_slice %arg18[%mul3A_230, %dma_start3A_236] : memref<10112x128xf32, #tpu.memory_space<vmem_shared>> -> memref<632x128xf32, #tpu.memory_space<vmem_shared>>
      tpu.enqueue_dma source(%dma_start3A_237 : memref<632x128xf32, #tpu.memory_space<vmem_shared>>) target(%dma_start3A_235 : memref<632x128xf32, #tpu.memory_space<hbm>>) target_semaphore(%run_scoped3A : memref<!tpu.dma_semaphore, #tpu.memory_space<semaphore_mem>>)
      %dma_wait3A_238 = arith.constant 0 : i32
      %dma_wait3A_239 = tpu.memref_slice %arg5[%arg0, %mul3A_232, %dma_wait3A_238] : memref<2x10112x128xf32, #tpu.memory_space<hbm>> -> memref<1x632x128xf32, #tpu.memory_space<hbm>>
      %dma_wait3A_240 = tpu.memref_squeeze %dma_wait3A_239 : memref<1x632x128xf32, #tpu.memory_space<hbm>> -> memref<632x128xf32, #tpu.memory_space<hbm>>
      %dma_wait3A_241 = arith.constant 0 : i32
      %dma_wait3A_242 = tpu.memref_slice %arg18[%mul3A_230, %dma_wait3A_241] : memref<10112x128xf32, #tpu.memory_space<vmem_shared>> -> memref<632x128xf32, #tpu.memory_space<vmem_shared>>
      tpu.wait_dma2 semaphore(%run_scoped3A : memref<!tpu.dma_semaphore, #tpu.memory_space<semaphore_mem>>) src(%dma_wait3A_242 : memref<632x128xf32, #tpu.memory_space<vmem_shared>>) dst(%dma_wait3A_240 : memref<632x128xf32, #tpu.memory_space<hbm>>)
      tpu.yield
    }) : () -> ()
    return
  }
}

module attributes {stable_mosaic.version = 14 : i64} {
  func.func @_enc_body(%arg0: i32, %arg1: memref<2000x128xf32, #tpu.memory_space<vmem>>, %arg2: memref<128x128xf32, #tpu.memory_space<vmem>>, %arg3: memref<1x128xf32, #tpu.memory_space<vmem>>, %arg4: memref<2000x128xf32, #tpu.memory_space<vmem>>) attributes {dimension_semantics = [#tpu.dimension_semantics<arbitrary>], iteration_bounds = array<i64: 5>, scalar_prefetch = 0 : i64, scratch_operands = 0 : i64, tpu.core_type = #tpu.core_type<tc>, window_params = [{transform_indices = @transform_0, window_bounds = array<i64: 2000, 128>}, {pipeline_mode = #tpu.pipeline_mode<synchronous>, transform_indices = @transform_1, window_bounds = array<i64: 128, 128>}, {pipeline_mode = #tpu.pipeline_mode<synchronous>, transform_indices = @transform_2, window_bounds = array<i64: 1, 128>}, {transform_indices = @transform_3, window_bounds = array<i64: 2000, 128>}]} {
    %get3A = arith.constant 0 : index
    %get3A_0 = arith.constant 0 : index
    %get3A_1 = vector.load %arg1[%get3A, %get3A_0] : memref<2000x128xf32, #tpu.memory_space<vmem>>, vector<2000x128xf32>
    %get3A_2 = arith.constant 0 : index
    %get3A_3 = arith.constant 0 : index
    %get3A_4 = vector.load %arg2[%get3A_2, %get3A_3] : memref<128x128xf32, #tpu.memory_space<vmem>>, vector<128x128xf32>
    %dot_general3A = arith.constant dense<0.000000e+00> : vector<2000x128xf32>
    %dot_general3A_5 = tpu.matmul %get3A_1, %get3A_4, %dot_general3A {dimension_numbers = #tpu.dot_dimension_numbers<[1], [0], [0], [1], [0, 0, 1, 1], [], []>, transpose_lhs_hint = false} : vector<2000x128xf32>, vector<128x128xf32>, vector<2000x128xf32> -> vector<2000x128xf32>
    %get3A_6 = arith.constant 0 : index
    %get3A_7 = arith.constant 0 : index
    %get3A_8 = vector.load %arg3[%get3A_6, %get3A_7] : memref<1x128xf32, #tpu.memory_space<vmem>>, vector<1x128xf32>
    %add3A = vector.broadcast %get3A_8 : vector<1x128xf32> to vector<2000x128xf32>
    %add3A_9 = arith.addf %dot_general3A_5, %add3A : vector<2000x128xf32>
    %max3A = arith.constant 0.000000e+00 : f32
    %max3A_10 = vector.broadcast %max3A : f32 to vector<2000x128xf32>
    %max3A_11 = arith.maximumf %add3A_9, %max3A_10 : vector<2000x128xf32>
    %swap3A = arith.constant 0 : index
    %swap3A_12 = arith.constant 0 : index
    %swap3A_13 = vector.load %arg4[%swap3A, %swap3A_12] : memref<2000x128xf32, #tpu.memory_space<vmem>>, vector<2000x128xf32>
    tpu.vector_store %arg4[%swap3A, %swap3A_12], %max3A_11 {strides = array<i32>} : memref<2000x128xf32, #tpu.memory_space<vmem>>, vector<2000x128xf32>,
    return
  }
  func.func @transform_0(%arg0: i32) -> (i32, i32) {
    %c0_i32 = arith.constant 0 : i32
    %c0_i32_0 = arith.constant 0 : i32
    return %arg0, %c0_i32 : i32, i32
  }
  func.func @transform_1(%arg0: i32) -> (i32, i32) {
    %c0_i32 = arith.constant 0 : i32
    %c0_i32_0 = arith.constant 0 : i32
    %c0_i32_1 = arith.constant 0 : i32
    return %c0_i32, %c0_i32_0 : i32, i32
  }
  func.func @transform_2(%arg0: i32) -> (i32, i32) {
    %c0_i32 = arith.constant 0 : i32
    %c0_i32_0 = arith.constant 0 : i32
    %c0_i32_1 = arith.constant 0 : i32
    return %c0_i32, %c0_i32_0 : i32, i32
  }
  func.func @transform_3(%arg0: i32) -> (i32, i32) {
    %c0_i32 = arith.constant 0 : i32
    %c0_i32_0 = arith.constant 0 : i32
    return %arg0, %c0_i32 : i32, i32
  }
}

module attributes {stable_mosaic.version = 14 : i64} {
  func.func @_layer_body(%arg0: i32, %arg1: memref<2000x128xf32, #tpu.memory_space<vmem>>, %arg2: memref<2000x128xf32, #tpu.memory_space<vmem>>, %arg3: memref<2000x128xf32, #tpu.memory_space<vmem>>, %arg4: memref<2000x128xf32, #tpu.memory_space<vmem>>, %arg5: memref<2000x128xf32, #tpu.memory_space<vmem>>, %arg6: memref<128x128xf32, #tpu.memory_space<vmem>>, %arg7: memref<128x128xf32, #tpu.memory_space<vmem>>, %arg8: memref<1x128xf32, #tpu.memory_space<vmem>>, %arg9: memref<2000x128xf32, #tpu.memory_space<vmem>>) attributes {dimension_semantics = [#tpu.dimension_semantics<arbitrary>], iteration_bounds = array<i64: 5>, scalar_prefetch = 0 : i64, scratch_operands = 0 : i64, tpu.core_type = #tpu.core_type<tc>, window_params = [{transform_indices = @transform_0, window_bounds = array<i64: 2000, 128>}, {transform_indices = @transform_1, window_bounds = array<i64: 2000, 128>}, {transform_indices = @transform_2, window_bounds = array<i64: 2000, 128>}, {transform_indices = @transform_3, window_bounds = array<i64: 2000, 128>}, {transform_indices = @transform_4, window_bounds = array<i64: 2000, 128>}, {pipeline_mode = #tpu.pipeline_mode<synchronous>, transform_indices = @transform_5, window_bounds = array<i64: 128, 128>}, {pipeline_mode = #tpu.pipeline_mode<synchronous>, transform_indices = @transform_6, window_bounds = array<i64: 128, 128>}, {pipeline_mode = #tpu.pipeline_mode<synchronous>, transform_indices = @transform_7, window_bounds = array<i64: 1, 128>}, {transform_indices = @transform_8, window_bounds = array<i64: 2000, 128>}]} {
    %get3A = arith.constant 0 : index
    %get3A_0 = arith.constant 0 : index
    %get3A_1 = vector.load %arg4[%get3A, %get3A_0] : memref<2000x128xf32, #tpu.memory_space<vmem>>, vector<2000x128xf32>
    %slice3A = vector.extract_strided_slice %get3A_1 {offsets = [0, 0], sizes = [2000, 1], strides = [1, 1]} : vector<2000x128xf32> to vector<2000x1xf32>
    %get3A_2 = arith.constant 0 : index
    %get3A_3 = arith.constant 0 : index
    %get3A_4 = vector.load %arg5[%get3A_2, %get3A_3] : memref<2000x128xf32, #tpu.memory_space<vmem>>, vector<2000x128xf32>
    %slice3A_5 = vector.extract_strided_slice %get3A_4 {offsets = [0, 0], sizes = [2000, 1], strides = [1, 1]} : vector<2000x128xf32> to vector<2000x1xf32>
    %add3A = arith.addf %slice3A, %slice3A_5 : vector<2000x1xf32>
    %max3A = arith.constant 1.000000e+00 : f32
    %max3A_6 = vector.broadcast %max3A : f32 to vector<2000x1xf32>
    %max3A_7 = arith.maximumf %add3A, %max3A_6 : vector<2000x1xf32>
    %get3A_8 = arith.constant 0 : index
    %get3A_9 = arith.constant 0 : index
    %get3A_10 = vector.load %arg2[%get3A_8, %get3A_9] : memref<2000x128xf32, #tpu.memory_space<vmem>>, vector<2000x128xf32>
    %get3A_11 = arith.constant 0 : index
    %get3A_12 = arith.constant 0 : index
    %get3A_13 = vector.load %arg3[%get3A_11, %get3A_12] : memref<2000x128xf32, #tpu.memory_space<vmem>>, vector<2000x128xf32>
    %add3A_14 = arith.addf %get3A_10, %get3A_13 : vector<2000x128xf32>
    %div3A = vector.broadcast %max3A_7 : vector<2000x1xf32> to vector<2000x128xf32>
    %div3A_15 = arith.divf %add3A_14, %div3A : vector<2000x128xf32>
    %get3A_16 = arith.constant 0 : index
    %get3A_17 = arith.constant 0 : index
    %get3A_18 = vector.load %arg1[%get3A_16, %get3A_17] : memref<2000x128xf32, #tpu.memory_space<vmem>>, vector<2000x128xf32>
    %get3A_19 = arith.constant 0 : index
    %get3A_20 = arith.constant 0 : index
    %get3A_21 = vector.load %arg6[%get3A_19, %get3A_20] : memref<128x128xf32, #tpu.memory_space<vmem>>, vector<128x128xf32>
    %dot_general3A = arith.constant dense<0.000000e+00> : vector<2000x128xf32>
    %dot_general3A_22 = tpu.matmul %get3A_18, %get3A_21, %dot_general3A {dimension_numbers = #tpu.dot_dimension_numbers<[1], [0], [0], [1], [0, 0, 1, 1], [], []>, transpose_lhs_hint = false} : vector<2000x128xf32>, vector<128x128xf32>, vector<2000x128xf32> -> vector<2000x128xf32>
    %get3A_23 = arith.constant 0 : index
    %get3A_24 = arith.constant 0 : index
    %get3A_25 = vector.load %arg7[%get3A_23, %get3A_24] : memref<128x128xf32, #tpu.memory_space<vmem>>, vector<128x128xf32>
    %dot_general3A_26 = arith.constant dense<0.000000e+00> : vector<2000x128xf32>
    %dot_general3A_27 = tpu.matmul %div3A_15, %get3A_25, %dot_general3A_26 {dimension_numbers = #tpu.dot_dimension_numbers<[1], [0], [0], [1], [0, 0, 1, 1], [], []>, transpose_lhs_hint = false} : vector<2000x128xf32>, vector<128x128xf32>, vector<2000x128xf32> -> vector<2000x128xf32>
    %add3A_28 = arith.addf %dot_general3A_22, %dot_general3A_27 : vector<2000x128xf32>
    %get3A_29 = arith.constant 0 : index
    %get3A_30 = arith.constant 0 : index
    %get3A_31 = vector.load %arg8[%get3A_29, %get3A_30] : memref<1x128xf32, #tpu.memory_space<vmem>>, vector<1x128xf32>
    %add3A_32 = vector.broadcast %get3A_31 : vector<1x128xf32> to vector<2000x128xf32>
    %add3A_33 = arith.addf %add3A_28, %add3A_32 : vector<2000x128xf32>
    %max3A_34 = arith.constant 0.000000e+00 : f32
    %max3A_35 = vector.broadcast %max3A_34 : f32 to vector<2000x128xf32>
    %max3A_36 = arith.maximumf %add3A_33, %max3A_35 : vector<2000x128xf32>
    %swap3A = arith.constant 0 : index
    %swap3A_37 = arith.constant 0 : index
    %swap3A_38 = vector.load %arg9[%swap3A, %swap3A_37] : memref<2000x128xf32, #tpu.memory_space<vmem>>, vector<2000x128xf32>
    tpu.vector_store %arg9[%swap3A, %swap3A_37], %max3A_36 {strides = array<i32>} : memref<2000x128xf32, #tpu.memory_space<vmem>>, vector<2000x128xf32>,
    return
  }
  func.func @transform_0(%arg0: i32) -> (i32, i32) {
    %c0_i32 = arith.constant 0 : i32
    %c0_i32_0 = arith.constant 0 : i32
    return %arg0, %c0_i32 : i32, i32
  }
  func.func @transform_1(%arg0: i32) -> (i32, i32) {
    %c0_i32 = arith.constant 0 : i32
    %c0_i32_0 = arith.constant 0 : i32
    return %arg0, %c0_i32 : i32, i32
  }
  func.func @transform_2(%arg0: i32) -> (i32, i32) {
    %c0_i32 = arith.constant 0 : i32
    %c0_i32_0 = arith.constant 0 : i32
    return %arg0, %c0_i32 : i32, i32
  }
  func.func @transform_3(%arg0: i32) -> (i32, i32) {
    %c0_i32 = arith.constant 0 : i32
    %c0_i32_0 = arith.constant 0 : i32
    return %arg0, %c0_i32 : i32, i32
  }
  func.func @transform_4(%arg0: i32) -> (i32, i32) {
    %c0_i32 = arith.constant 0 : i32
    %c0_i32_0 = arith.constant 0 : i32
    return %arg0, %c0_i32 : i32, i32
  }
  func.func @transform_5(%arg0: i32) -> (i32, i32) {
    %c0_i32 = arith.constant 0 : i32
    %c0_i32_0 = arith.constant 0 : i32
    %c0_i32_1 = arith.constant 0 : i32
    return %c0_i32, %c0_i32_0 : i32, i32
  }
  func.func @transform_6(%arg0: i32) -> (i32, i32) {
    %c0_i32 = arith.constant 0 : i32
    %c0_i32_0 = arith.constant 0 : i32
    %c0_i32_1 = arith.constant 0 : i32
    return %c0_i32, %c0_i32_0 : i32, i32
  }
  func.func @transform_7(%arg0: i32) -> (i32, i32) {
    %c0_i32 = arith.constant 0 : i32
    %c0_i32_0 = arith.constant 0 : i32
    %c0_i32_1 = arith.constant 0 : i32
    return %c0_i32, %c0_i32_0 : i32, i32
  }
  func.func @transform_8(%arg0: i32) -> (i32, i32) {
    %c0_i32 = arith.constant 0 : i32
    %c0_i32_0 = arith.constant 0 : i32
    return %arg0, %c0_i32 : i32, i32
  }
}

module attributes {stable_mosaic.version = 14 : i64} {
  func.func @_final_body(%arg0: i32, %arg1: memref<2000x128xf32, #tpu.memory_space<vmem>>, %arg2: memref<2000x128xf32, #tpu.memory_space<vmem>>, %arg3: memref<2000x128xf32, #tpu.memory_space<vmem>>, %arg4: memref<2000x128xf32, #tpu.memory_space<vmem>>, %arg5: memref<2000x128xf32, #tpu.memory_space<vmem>>, %arg6: memref<128x128xf32, #tpu.memory_space<vmem>>, %arg7: memref<128x128xf32, #tpu.memory_space<vmem>>, %arg8: memref<1x128xf32, #tpu.memory_space<vmem>>, %arg9: memref<1x16xf32, #tpu.memory_space<vmem>>, %arg10: memref<16x128xf32, #tpu.memory_space<vmem>>, %arg11: memref<1x128xf32, #tpu.memory_space<vmem>>, %arg12: memref<1x1x2000xf32, #tpu.memory_space<vmem>>, %arg13: memref<1x1x2000xf32, #tpu.memory_space<vmem>>) attributes {dimension_semantics = [#tpu.dimension_semantics<arbitrary>], iteration_bounds = array<i64: 5>, scalar_prefetch = 0 : i64, scratch_operands = 0 : i64, tpu.core_type = #tpu.core_type<tc>, window_params = [{transform_indices = @transform_0, window_bounds = array<i64: 2000, 128>}, {transform_indices = @transform_1, window_bounds = array<i64: 2000, 128>}, {transform_indices = @transform_2, window_bounds = array<i64: 2000, 128>}, {transform_indices = @transform_3, window_bounds = array<i64: 2000, 128>}, {transform_indices = @transform_4, window_bounds = array<i64: 2000, 128>}, {pipeline_mode = #tpu.pipeline_mode<synchronous>, transform_indices = @transform_5, window_bounds = array<i64: 128, 128>}, {pipeline_mode = #tpu.pipeline_mode<synchronous>, transform_indices = @transform_6, window_bounds = array<i64: 128, 128>}, {pipeline_mode = #tpu.pipeline_mode<synchronous>, transform_indices = @transform_7, window_bounds = array<i64: 1, 128>}, {pipeline_mode = #tpu.pipeline_mode<synchronous>, transform_indices = @transform_8, window_bounds = array<i64: 1, 16>}, {pipeline_mode = #tpu.pipeline_mode<synchronous>, transform_indices = @transform_9, window_bounds = array<i64: 16, 128>}, {pipeline_mode = #tpu.pipeline_mode<synchronous>, transform_indices = @transform_10, window_bounds = array<i64: 1, 128>}, {transform_indices = @transform_11, window_bounds = array<i64: 1, 1, 2000>}, {transform_indices = @transform_12, window_bounds = array<i64: 1, 1, 2000>}]} {
    %get3A = arith.constant 0 : index
    %get3A_0 = arith.constant 0 : index
    %get3A_1 = vector.load %arg4[%get3A, %get3A_0] : memref<2000x128xf32, #tpu.memory_space<vmem>>, vector<2000x128xf32>
    %slice3A = vector.extract_strided_slice %get3A_1 {offsets = [0, 0], sizes = [2000, 1], strides = [1, 1]} : vector<2000x128xf32> to vector<2000x1xf32>
    %get3A_2 = arith.constant 0 : index
    %get3A_3 = arith.constant 0 : index
    %get3A_4 = vector.load %arg5[%get3A_2, %get3A_3] : memref<2000x128xf32, #tpu.memory_space<vmem>>, vector<2000x128xf32>
    %slice3A_5 = vector.extract_strided_slice %get3A_4 {offsets = [0, 0], sizes = [2000, 1], strides = [1, 1]} : vector<2000x128xf32> to vector<2000x1xf32>
    %add3A = arith.addf %slice3A, %slice3A_5 : vector<2000x1xf32>
    %max3A = arith.constant 1.000000e+00 : f32
    %max3A_6 = vector.broadcast %max3A : f32 to vector<2000x1xf32>
    %max3A_7 = arith.maximumf %add3A, %max3A_6 : vector<2000x1xf32>
    %get3A_8 = arith.constant 0 : index
    %get3A_9 = arith.constant 0 : index
    %get3A_10 = vector.load %arg2[%get3A_8, %get3A_9] : memref<2000x128xf32, #tpu.memory_space<vmem>>, vector<2000x128xf32>
    %get3A_11 = arith.constant 0 : index
    %get3A_12 = arith.constant 0 : index
    %get3A_13 = vector.load %arg3[%get3A_11, %get3A_12] : memref<2000x128xf32, #tpu.memory_space<vmem>>, vector<2000x128xf32>
    %add3A_14 = arith.addf %get3A_10, %get3A_13 : vector<2000x128xf32>
    %div3A = vector.broadcast %max3A_7 : vector<2000x1xf32> to vector<2000x128xf32>
    %div3A_15 = arith.divf %add3A_14, %div3A : vector<2000x128xf32>
    %get3A_16 = arith.constant 0 : index
    %get3A_17 = arith.constant 0 : index
    %get3A_18 = vector.load %arg1[%get3A_16, %get3A_17] : memref<2000x128xf32, #tpu.memory_space<vmem>>, vector<2000x128xf32>
    %get3A_19 = arith.constant 0 : index
    %get3A_20 = arith.constant 0 : index
    %get3A_21 = vector.load %arg6[%get3A_19, %get3A_20] : memref<128x128xf32, #tpu.memory_space<vmem>>, vector<128x128xf32>
    %dot_general3A = arith.constant dense<0.000000e+00> : vector<2000x128xf32>
    %dot_general3A_22 = tpu.matmul %get3A_18, %get3A_21, %dot_general3A {dimension_numbers = #tpu.dot_dimension_numbers<[1], [0], [0], [1], [0, 0, 1, 1], [], []>, transpose_lhs_hint = false} : vector<2000x128xf32>, vector<128x128xf32>, vector<2000x128xf32> -> vector<2000x128xf32>
    %get3A_23 = arith.constant 0 : index
    %get3A_24 = arith.constant 0 : index
    %get3A_25 = vector.load %arg7[%get3A_23, %get3A_24] : memref<128x128xf32, #tpu.memory_space<vmem>>, vector<128x128xf32>
    %dot_general3A_26 = arith.constant dense<0.000000e+00> : vector<2000x128xf32>
    %dot_general3A_27 = tpu.matmul %div3A_15, %get3A_25, %dot_general3A_26 {dimension_numbers = #tpu.dot_dimension_numbers<[1], [0], [0], [1], [0, 0, 1, 1], [], []>, transpose_lhs_hint = false} : vector<2000x128xf32>, vector<128x128xf32>, vector<2000x128xf32> -> vector<2000x128xf32>
    %add3A_28 = arith.addf %dot_general3A_22, %dot_general3A_27 : vector<2000x128xf32>
    %get3A_29 = arith.constant 0 : index
    %get3A_30 = arith.constant 0 : index
    %get3A_31 = vector.load %arg8[%get3A_29, %get3A_30] : memref<1x128xf32, #tpu.memory_space<vmem>>, vector<1x128xf32>
    %add3A_32 = vector.broadcast %get3A_31 : vector<1x128xf32> to vector<2000x128xf32>
    %add3A_33 = arith.addf %add3A_28, %add3A_32 : vector<2000x128xf32>
    %max3A_34 = arith.constant 0.000000e+00 : f32
    %max3A_35 = vector.broadcast %max3A_34 : f32 to vector<2000x128xf32>
    %max3A_36 = arith.maximumf %add3A_33, %max3A_35 : vector<2000x128xf32>
    %get3A_37 = arith.constant 0 : index
    %get3A_38 = arith.constant 0 : index
    %get3A_39 = vector.load %arg9[%get3A_37, %get3A_38] : memref<1x16xf32, #tpu.memory_space<vmem>>, vector<1x16xf32>
    %get3A_40 = arith.constant 0 : index
    %get3A_41 = arith.constant 0 : index
    %get3A_42 = vector.load %arg10[%get3A_40, %get3A_41] : memref<16x128xf32, #tpu.memory_space<vmem>>, vector<16x128xf32>
    %dot_general3A_43 = arith.constant dense<0.000000e+00> : vector<1x128xf32>
    %dot_general3A_44 = tpu.matmul %get3A_39, %get3A_42, %dot_general3A_43 {dimension_numbers = #tpu.dot_dimension_numbers<[1], [0], [0], [1], [0, 0, 1, 1], [], []>, transpose_lhs_hint = false} : vector<1x16xf32>, vector<16x128xf32>, vector<1x128xf32> -> vector<1x128xf32>
    %get3A_45 = arith.constant 0 : index
    %get3A_46 = arith.constant 0 : index
    %get3A_47 = vector.load %arg11[%get3A_45, %get3A_46] : memref<1x128xf32, #tpu.memory_space<vmem>>, vector<1x128xf32>
    %add3A_48 = arith.addf %dot_general3A_44, %get3A_47 : vector<1x128xf32>
    %max3A_49 = arith.constant 0.000000e+00 : f32
    %max3A_50 = vector.broadcast %max3A_49 : f32 to vector<1x128xf32>
    %max3A_51 = arith.maximumf %add3A_48, %max3A_50 : vector<1x128xf32>
    %dot_general3A_52 = arith.constant dense<0.000000e+00> : vector<1x2000xf32>
    %dot_general3A_53 = tpu.matmul %max3A_51, %max3A_36, %dot_general3A_52 {dimension_numbers = #tpu.dot_dimension_numbers<[1], [1], [0], [0], [0, 0, 1, 0], [], []>, transpose_lhs_hint = false} : vector<1x128xf32>, vector<2000x128xf32>, vector<1x2000xf32> -> vector<1x2000xf32>
    %mul3A = arith.constant 0.0883883461 : f32
    %mul3A_54 = vector.broadcast %mul3A : f32 to vector<1x2000xf32>
    %mul3A_55 = arith.mulf %dot_general3A_53, %mul3A_54 : vector<1x2000xf32>
    %get3A_56 = arith.constant 0 : index
    %get3A_57 = arith.constant 0 : index
    %get3A_58 = arith.constant 0 : index
    %get3A_59 = vector.load %arg12[%get3A_56, %get3A_57, %get3A_58] : memref<1x1x2000xf32, #tpu.memory_space<vmem>>, vector<1x1x2000xf32>
    %squeeze3A = vector.shape_cast %get3A_59 : vector<1x1x2000xf32> to vector<1x2000xf32>
    %gt3A = arith.constant 0.000000e+00 : f32
    %gt3A_60 = vector.broadcast %gt3A : f32 to vector<1x2000xf32>
    %gt3A_61 = arith.cmpf ogt, %squeeze3A, %gt3A_60 : vector<1x2000xf32>
    %jit3A = arith.constant -1.000000e+09 : f32
    %broadcast_in_dim3A = vector.broadcast %jit3A : f32 to vector<1x2000xf32>
    %select_n3A = arith.select %gt3A_61, %mul3A_55, %broadcast_in_dim3A : vector<1x2000xi1>, vector<1x2000xf32>
    %broadcast_in_dim3A_62 = vector.shape_cast %select_n3A : vector<1x2000xf32> to vector<1x1x2000xf32>
    %swap3A = arith.constant 0 : index
    %swap3A_63 = arith.constant 0 : index
    %swap3A_64 = arith.constant 0 : index
    %swap3A_65 = vector.load %arg13[%swap3A, %swap3A_63, %swap3A_64] : memref<1x1x2000xf32, #tpu.memory_space<vmem>>, vector<1x1x2000xf32>
    tpu.vector_store %arg13[%swap3A, %swap3A_63, %swap3A_64], %broadcast_in_dim3A_62 {strides = array<i32>} : memref<1x1x2000xf32, #tpu.memory_space<vmem>>, vector<1x1x2000xf32>,
    return
  }
  func.func @transform_0(%arg0: i32) -> (i32, i32) {
    %c0_i32 = arith.constant 0 : i32
    %c0_i32_0 = arith.constant 0 : i32
    return %arg0, %c0_i32 : i32, i32
  }
  func.func @transform_1(%arg0: i32) -> (i32, i32) {
    %c0_i32 = arith.constant 0 : i32
    %c0_i32_0 = arith.constant 0 : i32
    return %arg0, %c0_i32 : i32, i32
  }
  func.func @transform_2(%arg0: i32) -> (i32, i32) {
    %c0_i32 = arith.constant 0 : i32
    %c0_i32_0 = arith.constant 0 : i32
    return %arg0, %c0_i32 : i32, i32
  }
  func.func @transform_3(%arg0: i32) -> (i32, i32) {
    %c0_i32 = arith.constant 0 : i32
    %c0_i32_0 = arith.constant 0 : i32
    return %arg0, %c0_i32 : i32, i32
  }
  func.func @transform_4(%arg0: i32) -> (i32, i32) {
    %c0_i32 = arith.constant 0 : i32
    %c0_i32_0 = arith.constant 0 : i32
    return %arg0, %c0_i32 : i32, i32
  }
  func.func @transform_5(%arg0: i32) -> (i32, i32) {
    %c0_i32 = arith.constant 0 : i32
    %c0_i32_0 = arith.constant 0 : i32
    %c0_i32_1 = arith.constant 0 : i32
    return %c0_i32, %c0_i32_0 : i32, i32
  }
  func.func @transform_6(%arg0: i32) -> (i32, i32) {
    %c0_i32 = arith.constant 0 : i32
    %c0_i32_0 = arith.constant 0 : i32
    %c0_i32_1 = arith.constant 0 : i32
    return %c0_i32, %c0_i32_0 : i32, i32
  }
  func.func @transform_7(%arg0: i32) -> (i32, i32) {
    %c0_i32 = arith.constant 0 : i32
    %c0_i32_0 = arith.constant 0 : i32
    %c0_i32_1 = arith.constant 0 : i32
    return %c0_i32, %c0_i32_0 : i32, i32
  }
  func.func @transform_8(%arg0: i32) -> (i32, i32) {
    %c0_i32 = arith.constant 0 : i32
    %c0_i32_0 = arith.constant 0 : i32
    %c0_i32_1 = arith.constant 0 : i32
    return %c0_i32, %c0_i32_0 : i32, i32
  }
  func.func @transform_9(%arg0: i32) -> (i32, i32) {
    %c0_i32 = arith.constant 0 : i32
    %c0_i32_0 = arith.constant 0 : i32
    %c0_i32_1 = arith.constant 0 : i32
    return %c0_i32, %c0_i32_0 : i32, i32
  }
  func.func @transform_10(%arg0: i32) -> (i32, i32) {
    %c0_i32 = arith.constant 0 : i32
    %c0_i32_0 = arith.constant 0 : i32
    %c0_i32_1 = arith.constant 0 : i32
    return %c0_i32, %c0_i32_0 : i32, i32
  }
  func.func @transform_11(%arg0: i32) -> (i32, i32, i32) {
    %c0_i32 = arith.constant 0 : i32
    %c0_i32_0 = arith.constant 0 : i32
    %c0_i32_1 = arith.constant 0 : i32
    return %arg0, %c0_i32, %c0_i32_0 : i32, i32, i32
  }
  func.func @transform_12(%arg0: i32) -> (i32, i32, i32) {
    %c0_i32 = arith.constant 0 : i32
    %c0_i32_0 = arith.constant 0 : i32
    %c0_i32_1 = arith.constant 0 : i32
    return %arg0, %c0_i32, %c0_i32_0 : i32, i32, i32
  }
}

</mosaic_0001>

<sc_bundles>
// kernel: kernel.11.cloned.1.call-start
scs
__scs_entry_jumppad:
0x0: {  	(pc) =	sbr.rel $0x88, $3  }
0x1: {  	(tag) =	ssettag $0x0;
	lr =	simm.s32 $0x1  }
0x2: {  	[smem:$0x3F93] =	sst lr;
	_ =	strace $0xD0000000  }
0x3: {  	_ = 	snop  }
0x4: {  	_ = 	snop  }
0x5: {  	_ = 	snop  }
0x6: {  	_ = 	snop  }
0x7: {  	_ = 	snop  }
__scs_overlays_trampoline_lowered:
0x8: {  	[smem:$0x3FA2] =	sst s0  }
0x9: {  	[smem:$0x3FA3] =	sst s1  }
0xa: {  	[smem:$0x3FA4] =	sst s2  }
0xb: {  	[smem:$0x3FA5] =	sst s3  }
0xc: {  	[smem:$0x3FA6] =	sst s4  }
0xd: {  	[smem:$0x3FA7] =	sst s5  }
0xe: {  	[smem:$0x3FA8] =	sst s6  }
0xf: {  	[smem:$0x3FA9] =	sst s7  }
0x10: {  	[smem:$0x3FAA] =	sst s8  }
0x11: {  	[smem:$0x3FAB] =	sst s9;
	s0 =	simm.s32 @!p0 $0x0  }
0x12: {  	s1 =	sld [smem:$0x3F91];
	s0 =	simm.s32 @p0 $0x1  }
0x13: {  	[smem:$0x3FAC] =	sst s0;
	s0 =	simm.s32 @!p1 $0x0  }
0x14: {  	s2 =	sld [smem:$0x3F90];
	s0 =	simm.s32 @p1 $0x1  }
0x15: {  	[smem:$0x3FAD] =	sst s0;
	s0 =	simm.s32 @!p2 $0x0  }
0x16: {  	s3 =	sld [smem:$0x3FDB];
	s0 =	simm.s32 @p2 $0x1  }
0x17: {  	s4 =	simm.s32 $0x1BF5;
	[smem:$0x3FAF] =	sst s0  }
0x18: {  	s0 =	sld [smem:$0x3F92];
	_ =	swait.ge [sflag:s4], $0x0  }
0x19: {  	s7 =	sld [smem:$0x3F93]  }
0x1a: {  	s8 =	sadd.s32 $0xFFFFE003, lr  }
0x1b: {  	s9 =	sadd.s32 $0xFFFFFEF7, lr;
	s5 =	simm.s32 $0xFFFFFFFF;
	p2 =	slt.u32 s8, $0xFFFFF086  }
0x1c: {  	p1 =	slt.u32 s9, $0xF7A;
	s5 =	simm.s32 @!p2 $0x0  }
0x1d: {  	s5 =	simm.s32 @p1 $0x1;
	p0 =	seq.s32 s7, s2  }
0x1e: {  	s7 =	smul.u32 @!p0 $0xF7A, s2;
	p2 =	seq.s32 @!p0 s5, $0x0  }
0x1f: {  	s9 =	smul.u32 $0xF7A, s1;
	s8 =	simm.s32 @!p0 $0x1BF5;
	p2 =	por !p2, p0  }
0x20: {  	[sflag:s8] =	ssyncset.s32 @!p0 $0xFFFFF086;
	s6 =	sadd.s32 @!p0 s3, s7;
	s7 =	simm.s32 @!p0 $0x108  }
0x21: {  	s3 =	sadd.s32 s3, s9;
	s6 =	sadd.s32 @!p0 $0x88, s6;
	s7 =	simm.s32 @p2 $0x1082  }
0x22: {  	[simem:s7], [sflag:s8] =	dma.local @!p0 [hbm:s6], $0xF7A  }
0x23: {  	s9 =	sor.u32 $0xD0000000, s2;
	s6 =	simm.s32 $0x108;
	_ =	swait.ge @!p0 [sflag:s8], $0x0  }
0x24: {  	s3 =	sadd.s32 $0x88, s3;
	s6 =	simm.s32 @!p1 $0x1082;
	[sflag:s4] =	ssyncset.s32 $0xFFFFF086  }
0x25: {  	[simem:s6], [sflag:s4] =	dma.local [hbm:s3], $0xF7A  }
0x26: {  	[smem:$0x3F93] =	sst s1;
	(tag) =	ssettag s2;
	_ =	strace s9  }
0x27: {  	s1 =	sld [smem:$0x3FA3]  }
0x28: {  	s2 =	sld [smem:$0x3FA4]  }
0x29: {  	s4 =	sld [smem:$0x3FA6]  }
0x2a: {  	p0 =	seq.s32 s5, $0x0;
	s5 =	sld [smem:$0x3FA7]  }
0x2b: {  	s6 =	sld [smem:$0x3FA8]  }
0x2c: {  	s7 =	sld [smem:$0x3FA9]  }
0x2d: {  	s3 =	simm.s32 $0x108;
	s8 =	sld [smem:$0x3FAA]  }
0x2e: {  	s3 =	simm.s32 @!p0 $0x1082;
	s9 =	sld [smem:$0x3FAB]  }
0x2f: {  	lr =	sadd.s32 s0, s3;
	s0 =	sld [smem:$0x3FA2]  }
0x30: {  	s3 =	sld [smem:$0x3FA5]  }
0x31: {  	[smem:$0x3FAE] =	sst s10  }
0x32: {  	s10 =	sld [smem:$0x3FAC];
	_ =	sdelay $0x3  }
0x33: {  	p0 =	seq.s32 s10, $0x1;
	s10 =	sld [smem:$0x3FAE];
	_ =	sdelay $0x3  }
0x34: {  	[smem:$0x3FAE] =	sst s10  }
0x35: {  	s10 =	sld [smem:$0x3FAD];
	_ =	sdelay $0x3  }
0x36: {  	p1 =	seq.s32 s10, $0x1;
	s10 =	sld [smem:$0x3FAE];
	_ =	sdelay $0x3  }
0x37: {  	[smem:$0x3FAE] =	sst s10  }
0x38: {  	s10 =	sld [smem:$0x3FAF]  }
0x39: {  	_ = 	snop;
	(pc) =	sbr.ind lr, $3  }
0x3a: {  	_ = 	snop  }
0x3b: {  	_ = 	snop  }
0x3c: {  	p2 =	seq.s32 s10, $0x1;
	s10 =	sld [smem:$0x3FAE]  }
0x3d: {  	_ =	shalt  }
0x3e: {  	_ =	shalt  }
0x3f: {  	_ =	shalt  }
0x40: {  	_ =	shalt  }
0x41: {  	_ =	shalt  }
0x42: {  	_ =	shalt  }
0x43: {  	_ =	shalt  }
0x44: {  	_ =	shalt  }
0x45: {  	_ =	shalt  }
0x46: {  	_ =	shalt  }
0x47: {  	_ =	shalt  }
0x48: {  	_ =	shalt  }
0x49: {  	_ =	shalt  }
0x4a: {  	_ =	shalt  }
0x4b: {  	_ =	shalt  }
0x4c: {  	_ =	shalt  }
0x4d: {  	_ =	shalt  }
0x4e: {  	_ =	shalt  }
0x4f: {  	_ =	shalt  }
0x50: {  	_ =	shalt  }
0x51: {  	_ =	shalt  }
0x52: {  	_ =	shalt  }
0x53: {  	_ =	shalt  }
0x54: {  	_ =	shalt  }
0x55: {  	_ =	shalt  }
0x56: {  	_ =	shalt  }
0x57: {  	_ =	shalt  }
0x58: {  	_ =	shalt  }
0x59: {  	_ =	shalt  }
0x5a: {  	_ =	shalt  }
0x5b: {  	_ =	shalt  }
0x5c: {  	_ =	shalt  }
0x5d: {  	_ =	shalt  }
0x5e: {  	_ =	shalt  }
0x5f: {  	_ =	shalt  }
0x60: {  	_ =	shalt  }
0x61: {  	_ =	shalt  }
0x62: {  	_ =	shalt  }
0x63: {  	_ =	shalt  }
0x64: {  	_ =	shalt  }
0x65: {  	_ =	shalt  }
0x66: {  	_ =	shalt  }
0x67: {  	_ =	shalt  }
0x68: {  	_ =	shalt  }
0x69: {  	_ =	shalt  }
0x6a: {  	_ =	shalt  }
0x6b: {  	_ =	shalt  }
0x6c: {  	_ =	shalt  }
0x6d: {  	_ =	shalt  }
0x6e: {  	_ =	shalt  }
0x6f: {  	_ =	shalt  }
0x70: {  	_ =	shalt  }
0x71: {  	_ =	shalt  }
0x72: {  	_ =	shalt  }
0x73: {  	_ =	shalt  }
0x74: {  	_ =	shalt  }
0x75: {  	_ =	shalt  }
0x76: {  	_ =	shalt  }
0x77: {  	_ =	shalt  }
0x78: {  	_ =	shalt  }
0x79: {  	_ =	shalt  }
0x7a: {  	_ =	shalt  }
0x7b: {  	_ =	shalt  }
0x7c: {  	_ =	shalt  }
0x7d: {  	_ =	shalt  }
0x7e: {  	_ =	shalt  }
0x7f: {  	_ =	shalt  }
0x80: {  	_ =	shalt  }
0x81: {  	_ =	shalt  }
0x82: {  	_ =	shalt  }
0x83: {  	_ =	shalt  }
0x84: {  	_ =	shalt  }
0x85: {  	_ =	shalt  }
0x86: {  	_ =	shalt  }
0x87: {  	_ =	shalt  }
.Lfunc_end0:
.L_simem_size_0:
called_computation.1_lowered:
.L_overlay_start_0:
0x88: {  	s2 =	sld [smem:$0x3FD9]  }
0x89: {  	s3 =	sld [smem:$0x3FFE];
	_ =	sdelay $0x1  }
0x8a: {  	s1 =	srdreg.scid  }
0x8b: {  	s0 =	sand.u32 $0x1, s1  }
0x8c: {  	s16 =	sshll.u32 s0, $0xA;
	s2 =	sadd.s32 s3, s2  }
0x8d: {  	s2 =	sadd.s32 s2, s16  }
0x8e: {  	[smem:$0x3FBA] =	sst s2  }
0x8f: {  	_ = 	snop  }
0x90: {  	(tm) =	ssettm $0x1  }
0x91: {  	s17 =	sld [smem:$0x3FFB];
	_ =	sdelay $0x3  }
0x92: {  	_ =	strace s17  }
0x93: {  	s2 =	sld [smem:$0x3FFC];
	_ =	sdelay $0x3  }
0x94: {  	_ =	strace s2  }
0x95: {  	s2 =	sld [smem:$0x3FFD];
	_ =	sdelay $0x3  }
0x96: {  	_ =	strace s2  }
0x97: {  	_ =	strace $0x8FFFFFFF  }
0x98: {  	s18 =	sld [smem:$0x3FDB];
	_ =	sdelay $0x1  }
0x99: {  	s19 =	simm.s32 $_scs_section_size  }
0x9a: {  	s4 =	simm.s32 $_size__tile_overlayer_lowered;
	s5 =	simm.s32 $_tile_overlayer_lowered  }
0x9b: {  	s22 =	simm.s32 $0x1BFF;
	s21 =	sshll.u32 s5, $0x1;
	s2 =	sadd.s32 s19, s18  }
0x9c: {  	s6 =	simm.s32 $0x0;
	s20 =	sshll.u32 s4, $0x1;
	s4 =	sadd.s32 s21, s2  }
0x9d: {  	[timem:s6], [sflag:s22] =	dma.local [hbm:s4], s20  }
0x9e: {  	_ =	swait.ge [sflag:s22], s20  }
0x9f: {  	s3 =	ssub.s32 $0x0, s20;
	[sflag:s22] =	ssyncset.done $0x0  }
0xa0: {  	[sflag:s22] =	ssyncadd.s32 s3;
	_ =	sdelay $0x1  }
0xa1: {  	s23 =	simm.s32 $0x1B8B  }
0xa2: {  	_ =	swait.ge [sflag:s23], $0x1  }
0xa3: {  	[sflag:s23] =	ssyncset.done $0x0  }
0xa4: {  	s25 =	simm.s32 $0x1B8E;
	s24 =	sld [smem:$0x3FFE];
	[sflag:s23] =	ssyncadd.s32 $0xFFFFFFFF  }
0xa5: {  	s26 =	simm.s32 $execute0_lowered;
	[smem:$0x3FD2] =	sst s25  }
0xa6: {  	s4 =	sshll.u32 s26, $0x1;
	_ =	strace $0x80000046;
	[dreg:$0x1] =	wrdreg $0xFFFFFFFF  }
0xa7: {  	s28 =	simm.s32 $_size_execute0_lowered;
	s2 =	sadd.s32 s2, s4;
	[dreg:$0x0] =	wrdreg $0x0  }
0xa8: {  	s4 =	sshll.u32 s28, $0x1;
	[dreg:$0x2] =	wrdreg s2  }
0xa9: {  	[dreg:$0x3] =	wrdreg s4  }
0xaa: {  	[dreg:$0x4] =	wrdreg $0xC0  }
0xab: {  	_ =	task [dreg:s6], $0x5FFFF  }
0xac: {  	[dreg:$0x1] =	wrdreg $0xFFFFFFFF  }
0xad: {  	[dreg:$0x0] =	wrdreg $0x60  }
0xae: {  	[dreg:$0x2] =	wrdreg s24  }
0xaf: {  	[dreg:$0x3] =	wrdreg $0x7C800  }
0xb0: {  	[dreg:$0x4] =	wrdreg $0xA  }
0xb1: {  	_ =	task.clear_ibuf [dreg:s6], $0x5FFFF;
	_ =	strace $0x90000046  }
0xb2: {  	s29 =	simm.s32 $0xA;
	_ =	strace $0x80000048  }
0xb3: {  	_ =	swait.ge [sflag:s29], $0x1  }
0xb4: {  	[sflag:s29] =	ssyncadd.s32 $0xFFFFFFFF  }
0xb5: {  	_ =	strace $0x90000048  }
0xb6: {  	_ =	sfence  }
0xb7: {  	s30 =	sld [smem:$0x0];
	_ =	sdelay $0x2  }
0xb8: {  	s31 =	sshll.u32 s1, $0xD;
	s1 =	sshrl.u32 s1, $0x2  }
0xb9: {  	s3 =	sand.u32 $0x4000, s31;
	s1 =	sadd.s32 s1, s30  }
0xba: {  	s0 =	sor.u32 s3, s0;
	s1 =	sshll.u32 s1, $0x11  }
0xbb: {  	s0 =	sor.u32 s1, s0  }
0xbc: {  	s0 =	sadd.s32 $0x8F2B, s0  }
0xbd: {  	[sflag:s0] =	ssyncadd.remote.s32 $0x1  }
0xbe: {  	_ =	sfence.sel $0xFFFF  }
0xbf: {  	[dreg:$0x0] =	wrdreg $0xFFFFFFFF;
	(pc) =	sbr.abs _section_cstart, $3  }
0xc0: {  	[dreg:$0x1] =	wrdreg $0xFFFFFFFF  }
0xc1: {  	_ =	task.clear_ibuf [dreg:s6], $0x2FFFF;
	_ =	strace $0x9FFFFFFF  }
0xc2: {  	(tm) =	ssettm $0x7FFFFFFF  }
0xc3: {  	_ =	shalt  }
tec
execute0_lowered:
.L_overlay_start_1:
0x0: {  	(tag) =	ssettag $0x1  }
0x1: {  	s0 =	rddreg [dreg:$0x0]  }
0x2: {  	s2 =	rddreg [dreg:$0x1]  }
0x3: {  	s12 =	stileid.u32;
	s1 =	srdreg.scid;
	s3 =	simm.s32 $0x0  }
0x4: {  	s28 =	simm.s32 $0x4;
	s29 =	simm.s32 $0x300;
	s30 =	simm.s32 $0x5  }
0x5: {  	s31 =	simm.s32 $0x380;
	s5 =	smul.u32 $0x13C00, s12;
	s1 =	sand.u32 $0x1, s1  }
0x6: {  	[smem:$0x7FF] =	sst s3;
	s4 =	sadd.s32 $0x12C00, s0;
	s10 =	smul.u32 $0x4F000, s12  }
0x7: {  	s7 =	sadd.s32 $0x3200, s0;
	s13 =	sshll.u32 s12, $0x6;
	s21 =	smul.u32 $0x7D, s12  }
0x8: {  	s6 =	smul.u32 $0x13C000, s1;
	_ =	strace $0x80000047;
	s17 =	sshll.u32 s1, $0x4  }
0x9: {  	s9 =	ssub.s32 $0x2, s1;
	s1 =	smul.u32 $0x7D0, s1;
	[dreg:$0x3] =	wrdreg s13  }
0xa: {  	s22 =	sor.u32 $0x1C0A, s13;
	s8 =	sshrl.u32 s5, $0x3;
	s18 =	sshrl.u32 s9, $0x1  }
0xb: {  	s19 =	sshrl.u32 s10, $0x2;
	[dreg:$0x5] =	wrdreg s22;
	s22 =	simm.s32 $0x280  }
0xc: {  	s5 =	sadd.s32 s5, s6;
	s15 =	sadd.s32 s8, s0;
	s8 =	sor.u32 s12, s17  }
0xd: {  	s16 =	sadd.s32 s19, s2;
	s1 =	sadd.s32 s21, s1;
	s19 =	simm.s32 $0x1  }
0xe: {  	s21 =	simm.s32 $0x50;
	s17 =	simm.s32 $0xB;
	s11 =	smul.u32 $0x3E80, s8  }
0xf: {  	s5 =	sshrl.u32 s5, $0x3;
	s8 =	smul.u32 $0x280, s8;
	s6 =	sadd.s32 $0x39E00, s15  }
0x10: {  	s1 =	sshll.u32 s1, $0x4;
	s16 =	sshrl.u32 s16, $0x3;
	s0 =	sadd.s32 s5, s0  }
0x11: {  	s5 =	ssub.s32 s9, s18;
	[dreg:$0x4] =	wrdreg s6;
	s1 =	sadd.s32 s1, s7  }
0x12: {  	s18 =	simm.s32 $0x3;
	s20 =	sand.u32 $0x7FC00, s11;
	s8 =	sand.u32 $0x380, s8  }
0x13: {  	s24 =	sshrl.u32 s11, $0x3;
	s0 =	sadd.s32 $0x61600, s0;
	s12 =	smax.u32 s5, $0x1  }
0x14: {  	s13 =	sadd.s32 $0x50, s1;
	s14 =	sadd.s32 $0x40, s1;
	s15 =	sadd.s32 $0x30, s1  }
0x15: {  	s1 =	simm.s32 $0x8;
	s23 =	sor.u32 s8, s20;
	s25 =	sadd.s32 s7, s24  }
0x16: {  	[dreg:$0x9] =	wrdreg s0;
	s20 =	simm.s32 $0x2;
	s0 =	simm.s32 $0x7  }
0x17: {  	s24 =	simm.s32 $0x5480;
	s6 =	sshrl.u32 s23, $0x3;
	s26 =	sadd.s32 $0x10, s25  }
0x18: {  	s23 =	simm.s32 $0x480;
	s6 =	sadd.s32 s7, s6;
	[dreg:$0x7] =	wrdreg s26  }
0x19: {  	s26 =	simm.s32 $0xA;
	[dreg:$0x6] =	wrdreg s6;
	s6 =	sadd.s32 $0x20, s25  }
0x1a: {  	s25 =	simm.s32 $0x2C80;
	[dreg:$0x8] =	wrdreg s6;
	s6 =	simm.s32 $0x0  }
.LBB2_1:
0x1b: {  	s5 =	rddreg [dreg:$0x4]  }
0x1c: {  	s7 =	rddreg [dreg:$0x5]  }
0x1d: {  	[spmem:s16], [sflag:s7] =	dma.local [hbm:s5], $0x2780  }
0x1e: {  	s5 =	rddreg [dreg:$0x6]  }
0x1f: {  	[tilespmem:s3], [sflag:$0x1] =	stream.linear.gather [hbm4b:s5+s3], $0x80, $0x38;
	[tilespmem:$0x1B880] =	vst v63  }
0x20: {  	s11 =	simm.s32 $0x80;
	s10 =	rddreg [dreg:$0x7]  }
0x21: {  	[tilespmem:s11], [sflag:$0x2] =	stream.linear.gather [hbm4b:s10+s3], $0x80, $0x38;
	[tilespmem:$0x1B880] =	vst v63  }
0x22: {  	s9 =	simm.s32 $0x100;
	s8 =	rddreg [dreg:$0x8]  }
0x23: {  	[tilespmem:s9], [sflag:$0x3] =	stream.linear.gather [hbm4b:s8+s3], $0x80, $0x38;
	[tilespmem:$0x1B880] =	vst v63  }
0x24: {  	_ =	swait.ge [sflag:s19], $0x80  }
0x25: {  	[sflag:s19] =	ssyncset.done $0x0  }
0x26: {  	[sflag:s19] =	ssyncadd.s32 $0xFFFFFF80  }
0x27: {  	v0 =	vld [tilespmem:$0x0];
	_ =	sdelay $0x1  }
0x28: {  	v1 =	vld [tilespmem:$0x10];
	_ =	sdelay $0x1  }
0x29: {  	v2 =	vld [tilespmem:$0x20]  }
0x2a: {  	v3 =	vand.u32 $0xFFFF, v0  }
0x2b: {  	v40 =	vld [tilespmem:$0x30];
	v0 =	vshrl.u32 v0, $0x10;
	[tilespmem:$0x180] =	vst v3  }
0x2c: {  	v41 =	vand.u32 $0xFFFF, v1;
	[tilespmem:$0x300] =	vst v0  }
0x2d: {  	v43 =	vld [tilespmem:$0x40];
	v42 =	vshrl.u32 v1, $0x10;
	[tilespmem:$0x190] =	vst v41  }
0x2e: {  	v44 =	vand.u32 $0xFFFF, v2;
	[tilespmem:$0x310] =	vst v42  }
0x2f: {  	v45 =	vshrl.u32 v2, $0x10;
	[tilespmem:$0x1A0] =	vst v44  }
0x30: {  	v46 =	vand.u32 $0xFFFF, v40;
	[tilespmem:$0x320] =	vst v45  }
0x31: {  	v47 =	vshrl.u32 v40, $0x10;
	[tilespmem:$0x1B0] =	vst v46  }
0x32: {  	v48 =	vand.u32 $0xFFFF, v43;
	[tilespmem:$0x330] =	vst v47  }
0x33: {  	v49 =	vshrl.u32 v43, $0x10;
	[tilespmem:$0x1C0] =	vst v48  }
0x34: {  	[tilespmem:$0x340] =	vst v49  }
0x35: {  	_ =	swait.ge [sflag:s20], $0x80  }
0x36: {  	[sflag:s20] =	ssyncset.done $0x0  }
0x37: {  	[sflag:s20] =	ssyncadd.s32 $0xFFFFFF80  }
0x38: {  	v50 =	vld [tilespmem:$0x80];
	_ =	sdelay $0x1  }
0x39: {  	v51 =	vld [tilespmem:$0x90];
	_ =	sdelay $0x1  }
0x3a: {  	v52 =	vld [tilespmem:$0xA0]  }
0x3b: {  	v53 =	vand.u32 $0xFFFF, v50  }
0x3c: {  	v54 =	vld [tilespmem:$0xB0];
	v0 =	vshrl.u32 v50, $0x10;
	[tilespmem:$0x200] =	vst v53  }
0x3d: {  	v55 =	vand.u32 $0xFFFF, v51;
	[tilespmem:$0x380] =	vst v0  }
0x3e: {  	v57 =	vld [tilespmem:$0xC0];
	v56 =	vshrl.u32 v51, $0x10;
	[tilespmem:$0x210] =	vst v55  }
0x3f: {  	v58 =	vand.u32 $0xFFFF, v52;
	[tilespmem:$0x390] =	vst v56  }
0x40: {  	v59 =	vshrl.u32 v52, $0x10;
	[tilespmem:$0x220] =	vst v58  }
0x41: {  	v60 =	vand.u32 $0xFFFF, v54;
	[tilespmem:$0x3A0] =	vst v59  }
0x42: {  	v61 =	vshrl.u32 v54, $0x10;
	[tilespmem:$0x230] =	vst v60  }
0x43: {  	v62 =	vand.u32 $0xFFFF, v57;
	[tilespmem:$0x3B0] =	vst v61  }
0x44: {  	v63 =	vshrl.u32 v57, $0x10;
	[tilespmem:$0x240] =	vst v62  }
0x45: {  	s10 =	simm.s32 $0x180;
	[tilespmem:$0x3C0] =	vst v63  }
0x46: {  	[tilespmem:s23], [sflag:$0x4] =	stream.indirect.gather [hbm4b:s4+s21], $0x80, s10, s21, $0xb8;
	[tilespmem:$0x1B880] =	vst v63  }
0x47: {  	s11 =	simm.s32 $0x200  }
0x48: {  	[tilespmem:s25], [sflag:$0x5] =	stream.indirect.gather [hbm4b:s4+s21], $0x80, s11, s21, $0xb8;
	[tilespmem:$0x1B880] =	vst v63  }
0x49: {  	_ =	swait.ge [sflag:s26], $0x2780  }
0x4a: {  	[sflag:s26] =	ssyncset.done $0x0  }
0x4b: {  	[sflag:s26] =	ssyncadd.s32 $0xFFFFD880  }
0x4c: {  	s7 =	simm.s32 $0x0;
	s5 =	simm.s32 $0x0;
	[bflag:$0x0] =	sbarrier.arrive $0xFFFF  }
.LBB2_2:
0x4d: {  	_ =	swait.ge [sflag:s28], $0x2800  }
0x4e: {  	p0 =	seq.s32 s7, $0x0;
	[sflag:s28] =	ssyncset.done $0x0  }
0x4f: {  	s8 =	simm.s32 @!p0 $0x9;
	[sflag:s28] =	ssyncadd.s32 $0xFFFFD800  }
0x50: {  	[spmem:s2] =	stream.indirect.scatter.add.f32 [tilespmem:s23], [sflag:$0x7], $0x80, s29, s21, $0xb8;
	[tilespmem:$0x1B880] =	vst v63  }
0x51: {  	_ =	swait.ge @!p0 [sflag:s8], $0x2800  }
0x52: {  	p1 =	seq.s32 @!p0 s7, $0x7B0;
	[sflag:s8] =	ssyncset.done @!p0 $0x0  }
0x53: {  	p1 =	por p0, !p1;
	[sflag:s8] =	ssyncadd.s32 @!p0 $0xFFFFD800  }
0x54: {  	_ =	swait.ge @p1 [sflag:s18], $0x80  }
0x55: {  	[sflag:s18] =	ssyncset.done @p1 $0x0  }
0x56: {  	[sflag:s18] =	ssyncadd.s32 @p1 $0xFFFFFF80  }
0x57: {  	v0 =	vld @p1 [tilespmem:$0x100];
	_ =	sdelay $0x1  }
0x58: {  	v1 =	vld @p1 [tilespmem:$0x110];
	_ =	sdelay $0x1  }
0x59: {  	v2 =	vld @p1 [tilespmem:$0x120]  }
0x5a: {  	v3 =	vand.u32 @p1 $0xFFFF, v0  }
0x5b: {  	v0 =	vshrl.u32 @p1 v0, $0x10;
	[tilespmem:$0x280] =	vst @p1 v3;
	v3 =	vld @p1 [tilespmem:$0x130]  }
0x5c: {  	[tilespmem:$0x400] =	vst @p1 v0;
	v0 =	vand.u32 @p1 $0xFFFF, v1  }
0x5d: {  	[tilespmem:$0x290] =	vst @p1 v0;
	v0 =	vshrl.u32 @p1 v1, $0x10;
	v1 =	vld @p1 [tilespmem:$0x140]  }
0x5e: {  	[tilespmem:$0x410] =	vst @p1 v0;
	v0 =	vand.u32 @p1 $0xFFFF, v2  }
0x5f: {  	[tilespmem:$0x2A0] =	vst @p1 v0;
	v0 =	vshrl.u32 @p1 v2, $0x10  }
0x60: {  	[tilespmem:$0x420] =	vst @p1 v0;
	v0 =	vand.u32 @p1 $0xFFFF, v3  }
0x61: {  	[tilespmem:$0x2B0] =	vst @p1 v0;
	v0 =	vshrl.u32 @p1 v3, $0x10  }
0x62: {  	[tilespmem:$0x430] =	vst @p1 v0;
	v0 =	vand.u32 @p1 $0xFFFF, v1  }
0x63: {  	[tilespmem:$0x2C0] =	vst @p1 v0;
	v0 =	vshrl.u32 @p1 v1, $0x10  }
0x64: {  	[tilespmem:$0x440] =	vst @p1 v0  }
0x65: {  	[tilespmem:s24], [sflag:$0x6] =	stream.indirect.gather @p1 [hbm4b:s4+s21], $0x80, s22, s21, $0xb8;
	[tilespmem:$0x1B880] =	vst v63  }
0x66: {  	s8 =	sadd.s32 @p1 s7, s15  }
0x67: {  	[tilespmem:s3], [sflag:$0x1] =	stream.linear.gather @p1 [hbm4b:s8+s3], $0x80, $0x38;
	[tilespmem:$0x1B880] =	vst v63  }
0x68: {  	_ =	swait.ge [sflag:s30], $0x2800  }
0x69: {  	[sflag:s30] =	ssyncset.done $0x0  }
0x6a: {  	[sflag:s30] =	ssyncadd.s32 $0xFFFFD800  }
0x6b: {  	[spmem:s2] =	stream.indirect.scatter.add.f32 [tilespmem:s25], [sflag:$0x8], $0x80, s31, s21, $0xb8;
	[tilespmem:$0x1B880] =	vst v63  }
0x6c: {  	_ =	swait.ge [sflag:s0], $0x2800  }
0x6d: {  	p0 =	seq.s32 s7, $0x7B0;
	[sflag:s0] =	ssyncset.done $0x0  }
0x6e: {  	s8 =	simm.s32 @!p0 $0x1;
	[sflag:s0] =	ssyncadd.s32 $0xFFFFD800  }
0x6f: {  	_ =	swait.ge @!p0 [sflag:s8], $0x80  }
0x70: {  	[sflag:s8] =	ssyncset.done @!p0 $0x0  }
0x71: {  	[sflag:s8] =	ssyncadd.s32 @!p0 $0xFFFFFF80  }
0x72: {  	v0 =	vld @!p0 [tilespmem:$0x0];
	_ =	sdelay $0x1  }
0x73: {  	v1 =	vld @!p0 [tilespmem:$0x10];
	_ =	sdelay $0x1  }
0x74: {  	v2 =	vld @!p0 [tilespmem:$0x20]  }
0x75: {  	v3 =	vand.u32 @!p0 $0xFFFF, v0  }
0x76: {  	v0 =	vshrl.u32 @!p0 v0, $0x10;
	[tilespmem:$0x180] =	vst @!p0 v3;
	v3 =	vld @!p0 [tilespmem:$0x30]  }
0x77: {  	[tilespmem:$0x300] =	vst @!p0 v0;
	v0 =	vand.u32 @!p0 $0xFFFF, v1  }
0x78: {  	[tilespmem:$0x190] =	vst @!p0 v0;
	v0 =	vshrl.u32 @!p0 v1, $0x10;
	v1 =	vld @!p0 [tilespmem:$0x40]  }
0x79: {  	[tilespmem:$0x310] =	vst @!p0 v0;
	v0 =	vand.u32 @!p0 $0xFFFF, v2  }
0x7a: {  	[tilespmem:$0x1A0] =	vst @!p0 v0;
	v0 =	vshrl.u32 @!p0 v2, $0x10  }
0x7b: {  	[tilespmem:$0x320] =	vst @!p0 v0;
	v0 =	vand.u32 @!p0 $0xFFFF, v3  }
0x7c: {  	[tilespmem:$0x1B0] =	vst @!p0 v0;
	v0 =	vshrl.u32 @!p0 v3, $0x10  }
0x7d: {  	[tilespmem:$0x330] =	vst @!p0 v0;
	v0 =	vand.u32 @!p0 $0xFFFF, v1  }
0x7e: {  	[tilespmem:$0x1C0] =	vst @!p0 v0;
	v0 =	vshrl.u32 @!p0 v1, $0x10  }
0x7f: {  	s9 =	simm.s32 @!p0 $0x180;
	s10 =	simm.s32 @!p0 $0x480;
	s8 =	simm.s32 @!p0 $0x50;
	[tilespmem:$0x340] =	vst @!p0 v0  }
0x80: {  	[tilespmem:s10], [sflag:$0x4] =	stream.indirect.gather @!p0 [hbm4b:s4+s8], $0x80, s9, s8, $0xb8;
	[tilespmem:$0x1B880] =	vst v63  }
0x81: {  	s11 =	simm.s32 @!p0 $0x80;
	s9 =	sadd.s32 @!p0 s7, s14;
	s10 =	simm.s32 @!p0 $0x0  }
0x82: {  	[tilespmem:s11], [sflag:$0x2] =	stream.linear.gather @!p0 [hbm4b:s9+s10], $0x80, $0x38;
	[tilespmem:$0x1B880] =	vst v63  }
0x83: {  	s9 =	simm.s32 @!p0 $0x6  }
0x84: {  	_ =	swait.ge @!p0 [sflag:s9], $0x2800  }
0x85: {  	[sflag:s9] =	ssyncset.done @!p0 $0x0  }
0x86: {  	s10 =	simm.s32 @!p0 $0x5480;
	[sflag:s9] =	ssyncadd.s32 @!p0 $0xFFFFD800;
	s9 =	simm.s32 @!p0 $0x400  }
0x87: {  	[spmem:s2] =	stream.indirect.scatter.add.f32 @!p0 [tilespmem:s10], [sflag:$0x9], $0x80, s9, s8, $0xb8;
	[tilespmem:$0x1B880] =	vst v63  }
0x88: {  	s9 =	simm.s32 @!p0 $0x8  }
0x89: {  	_ =	swait.ge @!p0 [sflag:s9], $0x2800  }
0x8a: {  	[sflag:s9] =	ssyncset.done @!p0 $0x0  }
0x8b: {  	[sflag:s9] =	ssyncadd.s32 @!p0 $0xFFFFD800;
	s9 =	simm.s32 @!p0 $0x2  }
0x8c: {  	_ =	swait.ge @!p0 [sflag:s9], $0x80  }
0x8d: {  	[sflag:s9] =	ssyncset.done @!p0 $0x0  }
0x8e: {  	[sflag:s9] =	ssyncadd.s32 @!p0 $0xFFFFFF80  }
0x8f: {  	v0 =	vld @!p0 [tilespmem:$0x80];
	_ =	sdelay $0x1  }
0x90: {  	v1 =	vld @!p0 [tilespmem:$0x90];
	_ =	sdelay $0x1  }
0x91: {  	v2 =	vld @!p0 [tilespmem:$0xA0]  }
0x92: {  	v3 =	vand.u32 @!p0 $0xFFFF, v0  }
0x93: {  	v0 =	vshrl.u32 @!p0 v0, $0x10;
	[tilespmem:$0x200] =	vst @!p0 v3;
	v3 =	vld @!p0 [tilespmem:$0xB0]  }
0x94: {  	[tilespmem:$0x380] =	vst @!p0 v0;
	v0 =	vand.u32 @!p0 $0xFFFF, v1  }
0x95: {  	[tilespmem:$0x210] =	vst @!p0 v0;
	v0 =	vshrl.u32 @!p0 v1, $0x10;
	v1 =	vld @!p0 [tilespmem:$0xC0]  }
0x96: {  	[tilespmem:$0x390] =	vst @!p0 v0;
	v0 =	vand.u32 @!p0 $0xFFFF, v2  }
0x97: {  	[tilespmem:$0x220] =	vst @!p0 v0;
	v0 =	vshrl.u32 @!p0 v2, $0x10  }
0x98: {  	[tilespmem:$0x3A0] =	vst @!p0 v0;
	v0 =	vand.u32 @!p0 $0xFFFF, v3  }
0x99: {  	[tilespmem:$0x230] =	vst @!p0 v0;
	v0 =	vshrl.u32 @!p0 v3, $0x10  }
0x9a: {  	[tilespmem:$0x3B0] =	vst @!p0 v0;
	v0 =	vand.u32 @!p0 $0xFFFF, v1  }
0x9b: {  	p1 =	sgt.u32 @!p0 s5, $0x27;
	[tilespmem:$0x240] =	vst @!p0 v0;
	v0 =	vshrl.u32 @!p0 v1, $0x10  }
0x9c: {  	p1 =	por p1, p0;
	s10 =	simm.s32 @!p0 $0x2C80;
	s9 =	simm.s32 @!p0 $0x200;
	[tilespmem:$0x3C0] =	vst @!p0 v0  }
0x9d: {  	[tilespmem:s10], [sflag:$0x5] =	stream.indirect.gather @!p0 [hbm4b:s4+s8], $0x80, s9, s8, $0xb8;
	[tilespmem:$0x1B880] =	vst v63  }
0x9e: {  	s8 =	sadd.s32 @!p1 s7, s13  }
0x9f: {  	s9 =	simm.s32 @!p1 $0x0;
	s10 =	simm.s32 @!p1 $0x100;
	s7 =	sadd.s32 @!p0 $0x30, s7  }
0xa0: {  	[tilespmem:s10], [sflag:$0x3] =	stream.linear.gather @!p1 [hbm4b:s8+s9], $0x80, $0x38;
	[tilespmem:$0x1B880] =	vst v63  }
0xa1: {  	p1 =	sne.s32 @!p0 s7, $0x7E0  }
0xa2: {  	p1 =	por p0, !p1  }
.Ltmp0:
0xa3: {  	_ = 	snop;
	(pc) =	sbr.rel @!p1 .LBB2_2-.Ltmp0, $2  }
0xa4: {  	_ =	sdelay $0x2  }
0xa5: {  	s5 =	sadd.s32 @!p0 $0x1, s5  }
0xa6: {  	_ =	swait.ge [sflag:s1], $0x2800  }
0xa7: {  	[sflag:s1] =	ssyncset.done $0x0  }
0xa8: {  	[sflag:s1] =	ssyncadd.s32 $0xFFFFD800  }
0xa9: {  	s6 =	sadd.s32 $0x1, s6;
	[bflag:$0x0] =	sbarrier.arrive $0xFFFF  }
0xaa: {  	p0 =	sne.s32 s6, s12;
	s5 =	rddreg [dreg:$0x3]  }
.Ltmp1:
0xab: {  	s7 =	rddreg [dreg:$0x9];
	s5 =	sor.u32 $0x1C0B, s5;
	(pc) =	sbr.rel @p0 .LBB2_1-.Ltmp1, $4  }
0xac: {  	[hbm:s7], [sflag:s5] =	dma.local [spmem:s16], $0x2780  }
0xad: {  	_ =	swait.ge [sflag:s17], $0x2780  }
0xae: {  	[sflag:s17] =	ssyncset.done $0x0  }
0xaf: {  	[sflag:s17] =	ssyncadd.s32 $0xFFFFD880  }
0xb0: {  	_ =	sfence.sel $0x180000  }
0xb1: {  	[bflag:$0x0] =	sbarrier.arrive $0xFFFF  }
0xb2: {  	_ =	strace $0x90000047  }
0xb3: {  	s0 =	stileid.u32;
	[bflag:$0x2] =	sbarrier.arrive $0xFFFF  }
0xb4: {  	p0 =	sne.s32 s0, $0x0;
	s0 =	rddreg [dreg:$0x2]  }
0xb5: {  	s0 =	sadd.s32 @!p0 $0x100000, s0  }
0xb6: {  	[sflag:s0] =	ssyncadd.tile.s32 @!p0 $0x1;
	_ =	shalt  }
.Lfunc_end2:
_tile_overlayer_lowered:
.L_overlay_start_2:
0xb7: {  	(tag) =	ssettag $0x2  }
0xb8: {  	s0 =	rddreg [dreg:$0x0];
	s2 =	stileid.u32  }
0xb9: {  	s1 =	rddreg [dreg:$0x1];
	p0 =	sne.s32 s2, $0x0  }
0xba: {  	s3 =	rddreg [dreg:$0x2];
	[bflag:$0x3] =	sbarrier.arrive $0xFFFF;
	s2 =	simm.s32 @!p0 $0x1C0B  }
0xbb: {  	[timem:s3], [sflag:s2] =	dma.local @!p0 [hbm:s0], s1  }
0xbc: {  	s0 =	simm.s32 @!p0 $0xB  }
0xbd: {  	_ =	swait.ge @!p0 [sflag:s0], s1  }
0xbe: {  	s1 =	ssub.s32 @!p0 $0x0, s1;
	[sflag:s0] =	ssyncset.done @!p0 $0x0  }
0xbf: {  	[sflag:s0] =	ssyncadd.s32 @!p0 s1  }
0xc0: {  	[bflag:$0x3] =	sbarrier.arrive $0xFFFF  }
0xc1: {  	_ =	shalt  }

// kernel: kernel.14.cloned.1.call-start
scs
__scs_entry_jumppad:
0x0: {  	(pc) =	sbr.rel $0x88, $3  }
0x1: {  	(tag) =	ssettag $0x0;
	lr =	simm.s32 $0x1  }
0x2: {  	[smem:$0x3F93] =	sst lr;
	_ =	strace $0xD0000000  }
0x3: {  	_ = 	snop  }
0x4: {  	_ = 	snop  }
0x5: {  	_ = 	snop  }
0x6: {  	_ = 	snop  }
0x7: {  	_ = 	snop  }
__scs_overlays_trampoline_lowered:
0x8: {  	[smem:$0x3FA2] =	sst s0  }
0x9: {  	[smem:$0x3FA3] =	sst s1  }
0xa: {  	[smem:$0x3FA4] =	sst s2  }
0xb: {  	[smem:$0x3FA5] =	sst s3  }
0xc: {  	[smem:$0x3FA6] =	sst s4  }
0xd: {  	[smem:$0x3FA7] =	sst s5  }
0xe: {  	[smem:$0x3FA8] =	sst s6  }
0xf: {  	[smem:$0x3FA9] =	sst s7  }
0x10: {  	[smem:$0x3FAA] =	sst s8  }
0x11: {  	[smem:$0x3FAB] =	sst s9;
	s0 =	simm.s32 @!p0 $0x0  }
0x12: {  	s1 =	sld [smem:$0x3F91];
	s0 =	simm.s32 @p0 $0x1  }
0x13: {  	[smem:$0x3FAC] =	sst s0;
	s0 =	simm.s32 @!p1 $0x0  }
0x14: {  	s2 =	sld [smem:$0x3F90];
	s0 =	simm.s32 @p1 $0x1  }
0x15: {  	[smem:$0x3FAD] =	sst s0;
	s0 =	simm.s32 @!p2 $0x0  }
0x16: {  	s3 =	sld [smem:$0x3FDB];
	s0 =	simm.s32 @p2 $0x1  }
0x17: {  	s4 =	simm.s32 $0x1BF5;
	[smem:$0x3FAF] =	sst s0  }
0x18: {  	s0 =	sld [smem:$0x3F92];
	_ =	swait.ge [sflag:s4], $0x0  }
0x19: {  	s7 =	sld [smem:$0x3F93]  }
0x1a: {  	s8 =	sadd.s32 $0xFFFFE003, lr  }
0x1b: {  	s9 =	sadd.s32 $0xFFFFFEF7, lr;
	s5 =	simm.s32 $0xFFFFFFFF;
	p2 =	slt.u32 s8, $0xFFFFF086  }
0x1c: {  	p1 =	slt.u32 s9, $0xF7A;
	s5 =	simm.s32 @!p2 $0x0  }
0x1d: {  	s5 =	simm.s32 @p1 $0x1;
	p0 =	seq.s32 s7, s2  }
0x1e: {  	s7 =	smul.u32 @!p0 $0xF7A, s2;
	p2 =	seq.s32 @!p0 s5, $0x0  }
0x1f: {  	s9 =	smul.u32 $0xF7A, s1;
	s8 =	simm.s32 @!p0 $0x1BF5;
	p2 =	por !p2, p0  }
0x20: {  	[sflag:s8] =	ssyncset.s32 @!p0 $0xFFFFF086;
	s6 =	sadd.s32 @!p0 s3, s7;
	s7 =	simm.s32 @!p0 $0x108  }
0x21: {  	s3 =	sadd.s32 s3, s9;
	s6 =	sadd.s32 @!p0 $0x88, s6;
	s7 =	simm.s32 @p2 $0x1082  }
0x22: {  	[simem:s7], [sflag:s8] =	dma.local @!p0 [hbm:s6], $0xF7A  }
0x23: {  	s9 =	sor.u32 $0xD0000000, s2;
	s6 =	simm.s32 $0x108;
	_ =	swait.ge @!p0 [sflag:s8], $0x0  }
0x24: {  	s3 =	sadd.s32 $0x88, s3;
	s6 =	simm.s32 @!p1 $0x1082;
	[sflag:s4] =	ssyncset.s32 $0xFFFFF086  }
0x25: {  	[simem:s6], [sflag:s4] =	dma.local [hbm:s3], $0xF7A  }
0x26: {  	[smem:$0x3F93] =	sst s1;
	(tag) =	ssettag s2;
	_ =	strace s9  }
0x27: {  	s1 =	sld [smem:$0x3FA3]  }
0x28: {  	s2 =	sld [smem:$0x3FA4]  }
0x29: {  	s4 =	sld [smem:$0x3FA6]  }
0x2a: {  	p0 =	seq.s32 s5, $0x0;
	s5 =	sld [smem:$0x3FA7]  }
0x2b: {  	s6 =	sld [smem:$0x3FA8]  }
0x2c: {  	s7 =	sld [smem:$0x3FA9]  }
0x2d: {  	s3 =	simm.s32 $0x108;
	s8 =	sld [smem:$0x3FAA]  }
0x2e: {  	s3 =	simm.s32 @!p0 $0x1082;
	s9 =	sld [smem:$0x3FAB]  }
0x2f: {  	lr =	sadd.s32 s0, s3;
	s0 =	sld [smem:$0x3FA2]  }
0x30: {  	s3 =	sld [smem:$0x3FA5]  }
0x31: {  	[smem:$0x3FAE] =	sst s10  }
0x32: {  	s10 =	sld [smem:$0x3FAC];
	_ =	sdelay $0x3  }
0x33: {  	p0 =	seq.s32 s10, $0x1;
	s10 =	sld [smem:$0x3FAE];
	_ =	sdelay $0x3  }
0x34: {  	[smem:$0x3FAE] =	sst s10  }
0x35: {  	s10 =	sld [smem:$0x3FAD];
	_ =	sdelay $0x3  }
0x36: {  	p1 =	seq.s32 s10, $0x1;
	s10 =	sld [smem:$0x3FAE];
	_ =	sdelay $0x3  }
0x37: {  	[smem:$0x3FAE] =	sst s10  }
0x38: {  	s10 =	sld [smem:$0x3FAF]  }
0x39: {  	_ = 	snop;
	(pc) =	sbr.ind lr, $3  }
0x3a: {  	_ = 	snop  }
0x3b: {  	_ = 	snop  }
0x3c: {  	p2 =	seq.s32 s10, $0x1;
	s10 =	sld [smem:$0x3FAE]  }
0x3d: {  	_ =	shalt  }
0x3e: {  	_ =	shalt  }
0x3f: {  	_ =	shalt  }
0x40: {  	_ =	shalt  }
0x41: {  	_ =	shalt  }
0x42: {  	_ =	shalt  }
0x43: {  	_ =	shalt  }
0x44: {  	_ =	shalt  }
0x45: {  	_ =	shalt  }
0x46: {  	_ =	shalt  }
0x47: {  	_ =	shalt  }
0x48: {  	_ =	shalt  }
0x49: {  	_ =	shalt  }
0x4a: {  	_ =	shalt  }
0x4b: {  	_ =	shalt  }
0x4c: {  	_ =	shalt  }
0x4d: {  	_ =	shalt  }
0x4e: {  	_ =	shalt  }
0x4f: {  	_ =	shalt  }
0x50: {  	_ =	shalt  }
0x51: {  	_ =	shalt  }
0x52: {  	_ =	shalt  }
0x53: {  	_ =	shalt  }
0x54: {  	_ =	shalt  }
0x55: {  	_ =	shalt  }
0x56: {  	_ =	shalt  }
0x57: {  	_ =	shalt  }
0x58: {  	_ =	shalt  }
0x59: {  	_ =	shalt  }
0x5a: {  	_ =	shalt  }
0x5b: {  	_ =	shalt  }
0x5c: {  	_ =	shalt  }
0x5d: {  	_ =	shalt  }
0x5e: {  	_ =	shalt  }
0x5f: {  	_ =	shalt  }
0x60: {  	_ =	shalt  }
0x61: {  	_ =	shalt  }
0x62: {  	_ =	shalt  }
0x63: {  	_ =	shalt  }
0x64: {  	_ =	shalt  }
0x65: {  	_ =	shalt  }
0x66: {  	_ =	shalt  }
0x67: {  	_ =	shalt  }
0x68: {  	_ =	shalt  }
0x69: {  	_ =	shalt  }
0x6a: {  	_ =	shalt  }
0x6b: {  	_ =	shalt  }
0x6c: {  	_ =	shalt  }
0x6d: {  	_ =	shalt  }
0x6e: {  	_ =	shalt  }
0x6f: {  	_ =	shalt  }
0x70: {  	_ =	shalt  }
0x71: {  	_ =	shalt  }
0x72: {  	_ =	shalt  }
0x73: {  	_ =	shalt  }
0x74: {  	_ =	shalt  }
0x75: {  	_ =	shalt  }
0x76: {  	_ =	shalt  }
0x77: {  	_ =	shalt  }
0x78: {  	_ =	shalt  }
0x79: {  	_ =	shalt  }
0x7a: {  	_ =	shalt  }
0x7b: {  	_ =	shalt  }
0x7c: {  	_ =	shalt  }
0x7d: {  	_ =	shalt  }
0x7e: {  	_ =	shalt  }
0x7f: {  	_ =	shalt  }
0x80: {  	_ =	shalt  }
0x81: {  	_ =	shalt  }
0x82: {  	_ =	shalt  }
0x83: {  	_ =	shalt  }
0x84: {  	_ =	shalt  }
0x85: {  	_ =	shalt  }
0x86: {  	_ =	shalt  }
0x87: {  	_ =	shalt  }
.Lfunc_end0:
.L_simem_size_0:
called_computation.2_lowered:
.L_overlay_start_0:
0x88: {  	s2 =	sld [smem:$0x3FD9]  }
0x89: {  	s3 =	sld [smem:$0x3FFE];
	_ =	sdelay $0x1  }
0x8a: {  	s1 =	srdreg.scid  }
0x8b: {  	s0 =	sand.u32 $0x1, s1  }
0x8c: {  	s16 =	sshll.u32 s0, $0xA;
	s2 =	sadd.s32 s3, s2  }
0x8d: {  	s2 =	sadd.s32 s2, s16  }
0x8e: {  	[smem:$0x3FBA] =	sst s2  }
0x8f: {  	_ = 	snop  }
0x90: {  	(tm) =	ssettm $0x1  }
0x91: {  	s17 =	sld [smem:$0x3FFB];
	_ =	sdelay $0x3  }
0x92: {  	_ =	strace s17  }
0x93: {  	s2 =	sld [smem:$0x3FFC];
	_ =	sdelay $0x3  }
0x94: {  	_ =	strace s2  }
0x95: {  	s2 =	sld [smem:$0x3FFD];
	_ =	sdelay $0x3  }
0x96: {  	_ =	strace s2  }
0x97: {  	_ =	strace $0x8FFFFFFF  }
0x98: {  	s18 =	sld [smem:$0x3FDB];
	_ =	sdelay $0x1  }
0x99: {  	s19 =	simm.s32 $_scs_section_size  }
0x9a: {  	s4 =	simm.s32 $_size__tile_overlayer_lowered;
	s5 =	simm.s32 $_tile_overlayer_lowered  }
0x9b: {  	s22 =	simm.s32 $0x1BFF;
	s21 =	sshll.u32 s5, $0x1;
	s2 =	sadd.s32 s19, s18  }
0x9c: {  	s6 =	simm.s32 $0x0;
	s20 =	sshll.u32 s4, $0x1;
	s4 =	sadd.s32 s21, s2  }
0x9d: {  	[timem:s6], [sflag:s22] =	dma.local [hbm:s4], s20  }
0x9e: {  	_ =	swait.ge [sflag:s22], s20  }
0x9f: {  	s3 =	ssub.s32 $0x0, s20;
	[sflag:s22] =	ssyncset.done $0x0  }
0xa0: {  	[sflag:s22] =	ssyncadd.s32 s3;
	_ =	sdelay $0x1  }
0xa1: {  	s23 =	simm.s32 $0x1B8B  }
0xa2: {  	_ =	swait.ge [sflag:s23], $0x1  }
0xa3: {  	[sflag:s23] =	ssyncset.done $0x0  }
0xa4: {  	s25 =	simm.s32 $0x1B8E;
	s24 =	sld [smem:$0x3FFE];
	[sflag:s23] =	ssyncadd.s32 $0xFFFFFFFF  }
0xa5: {  	s26 =	simm.s32 $execute0_lowered;
	[smem:$0x3FD2] =	sst s25  }
0xa6: {  	s4 =	sshll.u32 s26, $0x1;
	_ =	strace $0x8000004C;
	[dreg:$0x1] =	wrdreg $0xFFFFFFFF  }
0xa7: {  	s28 =	simm.s32 $_size_execute0_lowered;
	s2 =	sadd.s32 s2, s4;
	[dreg:$0x0] =	wrdreg $0x0  }
0xa8: {  	s4 =	sshll.u32 s28, $0x1;
	[dreg:$0x2] =	wrdreg s2  }
0xa9: {  	[dreg:$0x3] =	wrdreg s4  }
0xaa: {  	[dreg:$0x4] =	wrdreg $0xC0  }
0xab: {  	_ =	task [dreg:s6], $0x5FFFF  }
0xac: {  	[dreg:$0x1] =	wrdreg $0xFFFFFFFF  }
0xad: {  	[dreg:$0x0] =	wrdreg $0x60  }
0xae: {  	[dreg:$0x2] =	wrdreg s24  }
0xaf: {  	[dreg:$0x3] =	wrdreg $0x7C800  }
0xb0: {  	[dreg:$0x4] =	wrdreg $0x9  }
0xb1: {  	_ =	task.clear_ibuf [dreg:s6], $0x5FFFF;
	_ =	strace $0x9000004C  }
0xb2: {  	s29 =	simm.s32 $0x9;
	_ =	strace $0x8000004E  }
0xb3: {  	_ =	swait.ge [sflag:s29], $0x1  }
0xb4: {  	[sflag:s29] =	ssyncadd.s32 $0xFFFFFFFF  }
0xb5: {  	_ =	strace $0x9000004E  }
0xb6: {  	_ =	sfence  }
0xb7: {  	s30 =	sld [smem:$0x0];
	_ =	sdelay $0x2  }
0xb8: {  	s31 =	sshll.u32 s1, $0xD;
	s1 =	sshrl.u32 s1, $0x2  }
0xb9: {  	s3 =	sand.u32 $0x4000, s31;
	s1 =	sadd.s32 s1, s30  }
0xba: {  	s0 =	sor.u32 s3, s0;
	s1 =	sshll.u32 s1, $0x11  }
0xbb: {  	s0 =	sor.u32 s1, s0  }
0xbc: {  	s0 =	sadd.s32 $0x8F2B, s0  }
0xbd: {  	[sflag:s0] =	ssyncadd.remote.s32 $0x1  }
0xbe: {  	_ =	sfence.sel $0xFFFF  }
0xbf: {  	[dreg:$0x0] =	wrdreg $0xFFFFFFFF;
	(pc) =	sbr.abs _section_cstart, $3  }
0xc0: {  	[dreg:$0x1] =	wrdreg $0xFFFFFFFF  }
0xc1: {  	_ =	task.clear_ibuf [dreg:s6], $0x2FFFF;
	_ =	strace $0x9FFFFFFF  }
0xc2: {  	(tm) =	ssettm $0x7FFFFFFF  }
0xc3: {  	_ =	shalt  }
tec
execute0_lowered:
.L_overlay_start_1:
0x0: {  	(tag) =	ssettag $0x1  }
0x1: {  	s0 =	rddreg [dreg:$0x0]  }
0x2: {  	s2 =	rddreg [dreg:$0x1]  }
0x3: {  	s12 =	stileid.u32;
	s1 =	srdreg.scid;
	s3 =	simm.s32 $0x0  }
0x4: {  	s28 =	simm.s32 $0x4;
	s29 =	simm.s32 $0x300;
	s30 =	simm.s32 $0x5  }
0x5: {  	s31 =	simm.s32 $0x380;
	s5 =	smul.u32 $0x13C00, s12;
	s1 =	sand.u32 $0x1, s1  }
0x6: {  	[smem:$0x7FF] =	sst s3;
	s4 =	sadd.s32 $0x12C00, s0;
	s10 =	smul.u32 $0x4F000, s12  }
0x7: {  	s7 =	sadd.s32 $0x3200, s0;
	s13 =	sshll.u32 s12, $0x6;
	s21 =	smul.u32 $0x7D, s12  }
0x8: {  	s6 =	smul.u32 $0x13C000, s1;
	_ =	strace $0x8000004D;
	s17 =	sshll.u32 s1, $0x4  }
0x9: {  	s9 =	ssub.s32 $0x2, s1;
	s1 =	smul.u32 $0x7D0, s1;
	[dreg:$0x3] =	wrdreg s13  }
0xa: {  	s22 =	sor.u32 $0x1C0A, s13;
	s8 =	sshrl.u32 s5, $0x3;
	s18 =	sshrl.u32 s9, $0x1  }
0xb: {  	s19 =	sshrl.u32 s10, $0x2;
	[dreg:$0x5] =	wrdreg s22;
	s22 =	simm.s32 $0x280  }
0xc: {  	s5 =	sadd.s32 s5, s6;
	s15 =	sadd.s32 s8, s0;
	s8 =	sor.u32 s12, s17  }
0xd: {  	s16 =	sadd.s32 s19, s2;
	s1 =	sadd.s32 s21, s1;
	s19 =	simm.s32 $0x1  }
0xe: {  	s21 =	simm.s32 $0x50;
	s17 =	simm.s32 $0xB;
	s11 =	smul.u32 $0x3E80, s8  }
0xf: {  	s5 =	sshrl.u32 s5, $0x3;
	s8 =	smul.u32 $0x280, s8;
	s6 =	sadd.s32 $0x39E00, s15  }
0x10: {  	s1 =	sshll.u32 s1, $0x4;
	s16 =	sshrl.u32 s16, $0x3;
	s0 =	sadd.s32 s5, s0  }
0x11: {  	s5 =	ssub.s32 s9, s18;
	[dreg:$0x4] =	wrdreg s6;
	s1 =	sadd.s32 s1, s7  }
0x12: {  	s18 =	simm.s32 $0x3;
	s20 =	sand.u32 $0x7FC00, s11;
	s8 =	sand.u32 $0x380, s8  }
0x13: {  	s24 =	sshrl.u32 s11, $0x3;
	s0 =	sadd.s32 $0x61600, s0;
	s12 =	smax.u32 s5, $0x1  }
0x14: {  	s13 =	sadd.s32 $0x50, s1;
	s14 =	sadd.s32 $0x40, s1;
	s15 =	sadd.s32 $0x30, s1  }
0x15: {  	s1 =	simm.s32 $0x8;
	s23 =	sor.u32 s8, s20;
	s25 =	sadd.s32 s7, s24  }
0x16: {  	[dreg:$0x9] =	wrdreg s0;
	s20 =	simm.s32 $0x2;
	s0 =	simm.s32 $0x7  }
0x17: {  	s24 =	simm.s32 $0x5480;
	s6 =	sshrl.u32 s23, $0x3;
	s26 =	sadd.s32 $0x10, s25  }
0x18: {  	s23 =	simm.s32 $0x480;
	s6 =	sadd.s32 s7, s6;
	[dreg:$0x7] =	wrdreg s26  }
0x19: {  	s26 =	simm.s32 $0xA;
	[dreg:$0x6] =	wrdreg s6;
	s6 =	sadd.s32 $0x20, s25  }
0x1a: {  	s25 =	simm.s32 $0x2C80;
	[dreg:$0x8] =	wrdreg s6;
	s6 =	simm.s32 $0x0  }
.LBB2_1:
0x1b: {  	s5 =	rddreg [dreg:$0x4]  }
0x1c: {  	s7 =	rddreg [dreg:$0x5]  }
0x1d: {  	[spmem:s16], [sflag:s7] =	dma.local [hbm:s5], $0x2780  }
0x1e: {  	s5 =	rddreg [dreg:$0x6]  }
0x1f: {  	[tilespmem:s3], [sflag:$0x1] =	stream.linear.gather [hbm4b:s5+s3], $0x80, $0x38;
	[tilespmem:$0x1B880] =	vst v63  }
0x20: {  	s11 =	simm.s32 $0x80;
	s10 =	rddreg [dreg:$0x7]  }
0x21: {  	[tilespmem:s11], [sflag:$0x2] =	stream.linear.gather [hbm4b:s10+s3], $0x80, $0x38;
	[tilespmem:$0x1B880] =	vst v63  }
0x22: {  	s9 =	simm.s32 $0x100;
	s8 =	rddreg [dreg:$0x8]  }
0x23: {  	[tilespmem:s9], [sflag:$0x3] =	stream.linear.gather [hbm4b:s8+s3], $0x80, $0x38;
	[tilespmem:$0x1B880] =	vst v63  }
0x24: {  	_ =	swait.ge [sflag:s19], $0x80  }
0x25: {  	[sflag:s19] =	ssyncset.done $0x0  }
0x26: {  	[sflag:s19] =	ssyncadd.s32 $0xFFFFFF80  }
0x27: {  	v0 =	vld [tilespmem:$0x0];
	_ =	sdelay $0x1  }
0x28: {  	v1 =	vld [tilespmem:$0x10];
	_ =	sdelay $0x1  }
0x29: {  	v2 =	vld [tilespmem:$0x20]  }
0x2a: {  	v3 =	vand.u32 $0xFFFF, v0  }
0x2b: {  	v40 =	vld [tilespmem:$0x30];
	v0 =	vshrl.u32 v0, $0x10;
	[tilespmem:$0x180] =	vst v3  }
0x2c: {  	v41 =	vand.u32 $0xFFFF, v1;
	[tilespmem:$0x300] =	vst v0  }
0x2d: {  	v43 =	vld [tilespmem:$0x40];
	v42 =	vshrl.u32 v1, $0x10;
	[tilespmem:$0x190] =	vst v41  }
0x2e: {  	v44 =	vand.u32 $0xFFFF, v2;
	[tilespmem:$0x310] =	vst v42  }
0x2f: {  	v45 =	vshrl.u32 v2, $0x10;
	[tilespmem:$0x1A0] =	vst v44  }
0x30: {  	v46 =	vand.u32 $0xFFFF, v40;
	[tilespmem:$0x320] =	vst v45  }
0x31: {  	v47 =	vshrl.u32 v40, $0x10;
	[tilespmem:$0x1B0] =	vst v46  }
0x32: {  	v48 =	vand.u32 $0xFFFF, v43;
	[tilespmem:$0x330] =	vst v47  }
0x33: {  	v49 =	vshrl.u32 v43, $0x10;
	[tilespmem:$0x1C0] =	vst v48  }
0x34: {  	[tilespmem:$0x340] =	vst v49  }
0x35: {  	_ =	swait.ge [sflag:s20], $0x80  }
0x36: {  	[sflag:s20] =	ssyncset.done $0x0  }
0x37: {  	[sflag:s20] =	ssyncadd.s32 $0xFFFFFF80  }
0x38: {  	v50 =	vld [tilespmem:$0x80];
	_ =	sdelay $0x1  }
0x39: {  	v51 =	vld [tilespmem:$0x90];
	_ =	sdelay $0x1  }
0x3a: {  	v52 =	vld [tilespmem:$0xA0]  }
0x3b: {  	v53 =	vand.u32 $0xFFFF, v50  }
0x3c: {  	v54 =	vld [tilespmem:$0xB0];
	v0 =	vshrl.u32 v50, $0x10;
	[tilespmem:$0x200] =	vst v53  }
0x3d: {  	v55 =	vand.u32 $0xFFFF, v51;
	[tilespmem:$0x380] =	vst v0  }
0x3e: {  	v57 =	vld [tilespmem:$0xC0];
	v56 =	vshrl.u32 v51, $0x10;
	[tilespmem:$0x210] =	vst v55  }
0x3f: {  	v58 =	vand.u32 $0xFFFF, v52;
	[tilespmem:$0x390] =	vst v56  }
0x40: {  	v59 =	vshrl.u32 v52, $0x10;
	[tilespmem:$0x220] =	vst v58  }
0x41: {  	v60 =	vand.u32 $0xFFFF, v54;
	[tilespmem:$0x3A0] =	vst v59  }
0x42: {  	v61 =	vshrl.u32 v54, $0x10;
	[tilespmem:$0x230] =	vst v60  }
0x43: {  	v62 =	vand.u32 $0xFFFF, v57;
	[tilespmem:$0x3B0] =	vst v61  }
0x44: {  	v63 =	vshrl.u32 v57, $0x10;
	[tilespmem:$0x240] =	vst v62  }
0x45: {  	s10 =	simm.s32 $0x180;
	[tilespmem:$0x3C0] =	vst v63  }
0x46: {  	[tilespmem:s23], [sflag:$0x4] =	stream.indirect.gather [hbm4b:s4+s21], $0x80, s10, s21, $0xb8;
	[tilespmem:$0x1B880] =	vst v63  }
0x47: {  	s11 =	simm.s32 $0x200  }
0x48: {  	[tilespmem:s25], [sflag:$0x5] =	stream.indirect.gather [hbm4b:s4+s21], $0x80, s11, s21, $0xb8;
	[tilespmem:$0x1B880] =	vst v63  }
0x49: {  	_ =	swait.ge [sflag:s26], $0x2780  }
0x4a: {  	[sflag:s26] =	ssyncset.done $0x0  }
0x4b: {  	[sflag:s26] =	ssyncadd.s32 $0xFFFFD880  }
0x4c: {  	s7 =	simm.s32 $0x0;
	s5 =	simm.s32 $0x0;
	[bflag:$0x0] =	sbarrier.arrive $0xFFFF  }
.LBB2_2:
0x4d: {  	_ =	swait.ge [sflag:s28], $0x2800  }
0x4e: {  	p0 =	seq.s32 s7, $0x0;
	[sflag:s28] =	ssyncset.done $0x0  }
0x4f: {  	s8 =	simm.s32 @!p0 $0x9;
	[sflag:s28] =	ssyncadd.s32 $0xFFFFD800  }
0x50: {  	[spmem:s2] =	stream.indirect.scatter.add.f32 [tilespmem:s23], [sflag:$0x7], $0x80, s29, s21, $0xb8;
	[tilespmem:$0x1B880] =	vst v63  }
0x51: {  	_ =	swait.ge @!p0 [sflag:s8], $0x2800  }
0x52: {  	p1 =	seq.s32 @!p0 s7, $0x7B0;
	[sflag:s8] =	ssyncset.done @!p0 $0x0  }
0x53: {  	p1 =	por p0, !p1;
	[sflag:s8] =	ssyncadd.s32 @!p0 $0xFFFFD800  }
0x54: {  	_ =	swait.ge @p1 [sflag:s18], $0x80  }
0x55: {  	[sflag:s18] =	ssyncset.done @p1 $0x0  }
0x56: {  	[sflag:s18] =	ssyncadd.s32 @p1 $0xFFFFFF80  }
0x57: {  	v0 =	vld @p1 [tilespmem:$0x100];
	_ =	sdelay $0x1  }
0x58: {  	v1 =	vld @p1 [tilespmem:$0x110];
	_ =	sdelay $0x1  }
0x59: {  	v2 =	vld @p1 [tilespmem:$0x120]  }
0x5a: {  	v3 =	vand.u32 @p1 $0xFFFF, v0  }
0x5b: {  	v0 =	vshrl.u32 @p1 v0, $0x10;
	[tilespmem:$0x280] =	vst @p1 v3;
	v3 =	vld @p1 [tilespmem:$0x130]  }
0x5c: {  	[tilespmem:$0x400] =	vst @p1 v0;
	v0 =	vand.u32 @p1 $0xFFFF, v1  }
0x5d: {  	[tilespmem:$0x290] =	vst @p1 v0;
	v0 =	vshrl.u32 @p1 v1, $0x10;
	v1 =	vld @p1 [tilespmem:$0x140]  }
0x5e: {  	[tilespmem:$0x410] =	vst @p1 v0;
	v0 =	vand.u32 @p1 $0xFFFF, v2  }
0x5f: {  	[tilespmem:$0x2A0] =	vst @p1 v0;
	v0 =	vshrl.u32 @p1 v2, $0x10  }
0x60: {  	[tilespmem:$0x420] =	vst @p1 v0;
	v0 =	vand.u32 @p1 $0xFFFF, v3  }
0x61: {  	[tilespmem:$0x2B0] =	vst @p1 v0;
	v0 =	vshrl.u32 @p1 v3, $0x10  }
0x62: {  	[tilespmem:$0x430] =	vst @p1 v0;
	v0 =	vand.u32 @p1 $0xFFFF, v1  }
0x63: {  	[tilespmem:$0x2C0] =	vst @p1 v0;
	v0 =	vshrl.u32 @p1 v1, $0x10  }
0x64: {  	[tilespmem:$0x440] =	vst @p1 v0  }
0x65: {  	[tilespmem:s24], [sflag:$0x6] =	stream.indirect.gather @p1 [hbm4b:s4+s21], $0x80, s22, s21, $0xb8;
	[tilespmem:$0x1B880] =	vst v63  }
0x66: {  	s8 =	sadd.s32 @p1 s7, s15  }
0x67: {  	[tilespmem:s3], [sflag:$0x1] =	stream.linear.gather @p1 [hbm4b:s8+s3], $0x80, $0x38;
	[tilespmem:$0x1B880] =	vst v63  }
0x68: {  	_ =	swait.ge [sflag:s30], $0x2800  }
0x69: {  	[sflag:s30] =	ssyncset.done $0x0  }
0x6a: {  	[sflag:s30] =	ssyncadd.s32 $0xFFFFD800  }
0x6b: {  	[spmem:s2] =	stream.indirect.scatter.add.f32 [tilespmem:s25], [sflag:$0x8], $0x80, s31, s21, $0xb8;
	[tilespmem:$0x1B880] =	vst v63  }
0x6c: {  	_ =	swait.ge [sflag:s0], $0x2800  }
0x6d: {  	p0 =	seq.s32 s7, $0x7B0;
	[sflag:s0] =	ssyncset.done $0x0  }
0x6e: {  	s8 =	simm.s32 @!p0 $0x1;
	[sflag:s0] =	ssyncadd.s32 $0xFFFFD800  }
0x6f: {  	_ =	swait.ge @!p0 [sflag:s8], $0x80  }
0x70: {  	[sflag:s8] =	ssyncset.done @!p0 $0x0  }
0x71: {  	[sflag:s8] =	ssyncadd.s32 @!p0 $0xFFFFFF80  }
0x72: {  	v0 =	vld @!p0 [tilespmem:$0x0];
	_ =	sdelay $0x1  }
0x73: {  	v1 =	vld @!p0 [tilespmem:$0x10];
	_ =	sdelay $0x1  }
0x74: {  	v2 =	vld @!p0 [tilespmem:$0x20]  }
0x75: {  	v3 =	vand.u32 @!p0 $0xFFFF, v0  }
0x76: {  	v0 =	vshrl.u32 @!p0 v0, $0x10;
	[tilespmem:$0x180] =	vst @!p0 v3;
	v3 =	vld @!p0 [tilespmem:$0x30]  }
0x77: {  	[tilespmem:$0x300] =	vst @!p0 v0;
	v0 =	vand.u32 @!p0 $0xFFFF, v1  }
0x78: {  	[tilespmem:$0x190] =	vst @!p0 v0;
	v0 =	vshrl.u32 @!p0 v1, $0x10;
	v1 =	vld @!p0 [tilespmem:$0x40]  }
0x79: {  	[tilespmem:$0x310] =	vst @!p0 v0;
	v0 =	vand.u32 @!p0 $0xFFFF, v2  }
0x7a: {  	[tilespmem:$0x1A0] =	vst @!p0 v0;
	v0 =	vshrl.u32 @!p0 v2, $0x10  }
0x7b: {  	[tilespmem:$0x320] =	vst @!p0 v0;
	v0 =	vand.u32 @!p0 $0xFFFF, v3  }
0x7c: {  	[tilespmem:$0x1B0] =	vst @!p0 v0;
	v0 =	vshrl.u32 @!p0 v3, $0x10  }
0x7d: {  	[tilespmem:$0x330] =	vst @!p0 v0;
	v0 =	vand.u32 @!p0 $0xFFFF, v1  }
0x7e: {  	[tilespmem:$0x1C0] =	vst @!p0 v0;
	v0 =	vshrl.u32 @!p0 v1, $0x10  }
0x7f: {  	s9 =	simm.s32 @!p0 $0x180;
	s10 =	simm.s32 @!p0 $0x480;
	s8 =	simm.s32 @!p0 $0x50;
	[tilespmem:$0x340] =	vst @!p0 v0  }
0x80: {  	[tilespmem:s10], [sflag:$0x4] =	stream.indirect.gather @!p0 [hbm4b:s4+s8], $0x80, s9, s8, $0xb8;
	[tilespmem:$0x1B880] =	vst v63  }
0x81: {  	s11 =	simm.s32 @!p0 $0x80;
	s9 =	sadd.s32 @!p0 s7, s14;
	s10 =	simm.s32 @!p0 $0x0  }
0x82: {  	[tilespmem:s11], [sflag:$0x2] =	stream.linear.gather @!p0 [hbm4b:s9+s10], $0x80, $0x38;
	[tilespmem:$0x1B880] =	vst v63  }
0x83: {  	s9 =	simm.s32 @!p0 $0x6  }
0x84: {  	_ =	swait.ge @!p0 [sflag:s9], $0x2800  }
0x85: {  	[sflag:s9] =	ssyncset.done @!p0 $0x0  }
0x86: {  	s10 =	simm.s32 @!p0 $0x5480;
	[sflag:s9] =	ssyncadd.s32 @!p0 $0xFFFFD800;
	s9 =	simm.s32 @!p0 $0x400  }
0x87: {  	[spmem:s2] =	stream.indirect.scatter.add.f32 @!p0 [tilespmem:s10], [sflag:$0x9], $0x80, s9, s8, $0xb8;
	[tilespmem:$0x1B880] =	vst v63  }
0x88: {  	s9 =	simm.s32 @!p0 $0x8  }
0x89: {  	_ =	swait.ge @!p0 [sflag:s9], $0x2800  }
0x8a: {  	[sflag:s9] =	ssyncset.done @!p0 $0x0  }
0x8b: {  	[sflag:s9] =	ssyncadd.s32 @!p0 $0xFFFFD800;
	s9 =	simm.s32 @!p0 $0x2  }
0x8c: {  	_ =	swait.ge @!p0 [sflag:s9], $0x80  }
0x8d: {  	[sflag:s9] =	ssyncset.done @!p0 $0x0  }
0x8e: {  	[sflag:s9] =	ssyncadd.s32 @!p0 $0xFFFFFF80  }
0x8f: {  	v0 =	vld @!p0 [tilespmem:$0x80];
	_ =	sdelay $0x1  }
0x90: {  	v1 =	vld @!p0 [tilespmem:$0x90];
	_ =	sdelay $0x1  }
0x91: {  	v2 =	vld @!p0 [tilespmem:$0xA0]  }
0x92: {  	v3 =	vand.u32 @!p0 $0xFFFF, v0  }
0x93: {  	v0 =	vshrl.u32 @!p0 v0, $0x10;
	[tilespmem:$0x200] =	vst @!p0 v3;
	v3 =	vld @!p0 [tilespmem:$0xB0]  }
0x94: {  	[tilespmem:$0x380] =	vst @!p0 v0;
	v0 =	vand.u32 @!p0 $0xFFFF, v1  }
0x95: {  	[tilespmem:$0x210] =	vst @!p0 v0;
	v0 =	vshrl.u32 @!p0 v1, $0x10;
	v1 =	vld @!p0 [tilespmem:$0xC0]  }
0x96: {  	[tilespmem:$0x390] =	vst @!p0 v0;
	v0 =	vand.u32 @!p0 $0xFFFF, v2  }
0x97: {  	[tilespmem:$0x220] =	vst @!p0 v0;
	v0 =	vshrl.u32 @!p0 v2, $0x10  }
0x98: {  	[tilespmem:$0x3A0] =	vst @!p0 v0;
	v0 =	vand.u32 @!p0 $0xFFFF, v3  }
0x99: {  	[tilespmem:$0x230] =	vst @!p0 v0;
	v0 =	vshrl.u32 @!p0 v3, $0x10  }
0x9a: {  	[tilespmem:$0x3B0] =	vst @!p0 v0;
	v0 =	vand.u32 @!p0 $0xFFFF, v1  }
0x9b: {  	p1 =	sgt.u32 @!p0 s5, $0x27;
	[tilespmem:$0x240] =	vst @!p0 v0;
	v0 =	vshrl.u32 @!p0 v1, $0x10  }
0x9c: {  	p1 =	por p1, p0;
	s10 =	simm.s32 @!p0 $0x2C80;
	s9 =	simm.s32 @!p0 $0x200;
	[tilespmem:$0x3C0] =	vst @!p0 v0  }
0x9d: {  	[tilespmem:s10], [sflag:$0x5] =	stream.indirect.gather @!p0 [hbm4b:s4+s8], $0x80, s9, s8, $0xb8;
	[tilespmem:$0x1B880] =	vst v63  }
0x9e: {  	s8 =	sadd.s32 @!p1 s7, s13  }
0x9f: {  	s9 =	simm.s32 @!p1 $0x0;
	s10 =	simm.s32 @!p1 $0x100;
	s7 =	sadd.s32 @!p0 $0x30, s7  }
0xa0: {  	[tilespmem:s10], [sflag:$0x3] =	stream.linear.gather @!p1 [hbm4b:s8+s9], $0x80, $0x38;
	[tilespmem:$0x1B880] =	vst v63  }
0xa1: {  	p1 =	sne.s32 @!p0 s7, $0x7E0  }
0xa2: {  	p1 =	por p0, !p1  }
.Ltmp0:
0xa3: {  	_ = 	snop;
	(pc) =	sbr.rel @!p1 .LBB2_2-.Ltmp0, $2  }
0xa4: {  	_ =	sdelay $0x2  }
0xa5: {  	s5 =	sadd.s32 @!p0 $0x1, s5  }
0xa6: {  	_ =	swait.ge [sflag:s1], $0x2800  }
0xa7: {  	[sflag:s1] =	ssyncset.done $0x0  }
0xa8: {  	[sflag:s1] =	ssyncadd.s32 $0xFFFFD800  }
0xa9: {  	s6 =	sadd.s32 $0x1, s6;
	[bflag:$0x0] =	sbarrier.arrive $0xFFFF  }
0xaa: {  	p0 =	sne.s32 s6, s12;
	s5 =	rddreg [dreg:$0x3]  }
.Ltmp1:
0xab: {  	s7 =	rddreg [dreg:$0x9];
	s5 =	sor.u32 $0x1C0B, s5;
	(pc) =	sbr.rel @p0 .LBB2_1-.Ltmp1, $4  }
0xac: {  	[hbm:s7], [sflag:s5] =	dma.local [spmem:s16], $0x2780  }
0xad: {  	_ =	swait.ge [sflag:s17], $0x2780  }
0xae: {  	[sflag:s17] =	ssyncset.done $0x0  }
0xaf: {  	[sflag:s17] =	ssyncadd.s32 $0xFFFFD880  }
0xb0: {  	_ =	sfence.sel $0x180000  }
0xb1: {  	[bflag:$0x0] =	sbarrier.arrive $0xFFFF  }
0xb2: {  	_ =	strace $0x9000004D  }
0xb3: {  	s0 =	stileid.u32;
	[bflag:$0x2] =	sbarrier.arrive $0xFFFF  }
0xb4: {  	p0 =	sne.s32 s0, $0x0;
	s0 =	rddreg [dreg:$0x2]  }
0xb5: {  	s0 =	sadd.s32 @!p0 $0x100000, s0  }
0xb6: {  	[sflag:s0] =	ssyncadd.tile.s32 @!p0 $0x1;
	_ =	shalt  }
.Lfunc_end2:
_tile_overlayer_lowered:
.L_overlay_start_2:
0xb7: {  	(tag) =	ssettag $0x2  }
0xb8: {  	s0 =	rddreg [dreg:$0x0];
	s2 =	stileid.u32  }
0xb9: {  	s1 =	rddreg [dreg:$0x1];
	p0 =	sne.s32 s2, $0x0  }
0xba: {  	s3 =	rddreg [dreg:$0x2];
	[bflag:$0x3] =	sbarrier.arrive $0xFFFF;
	s2 =	simm.s32 @!p0 $0x1C0B  }
0xbb: {  	[timem:s3], [sflag:s2] =	dma.local @!p0 [hbm:s0], s1  }
0xbc: {  	s0 =	simm.s32 @!p0 $0xB  }
0xbd: {  	_ =	swait.ge @!p0 [sflag:s0], s1  }
0xbe: {  	s1 =	ssub.s32 @!p0 $0x0, s1;
	[sflag:s0] =	ssyncset.done @!p0 $0x0  }
0xbf: {  	[sflag:s0] =	ssyncadd.s32 @!p0 s1  }
0xc0: {  	[bflag:$0x3] =	sbarrier.arrive $0xFFFF  }
0xc1: {  	_ =	shalt  }

// kernel: kernel.8.cloned.1.call-start
scs
__scs_entry_jumppad:
0x0: {  	(pc) =	sbr.rel $0x88, $3  }
0x1: {  	(tag) =	ssettag $0x0;
	lr =	simm.s32 $0x1  }
0x2: {  	[smem:$0x3F93] =	sst lr;
	_ =	strace $0xD0000000  }
0x3: {  	_ = 	snop  }
0x4: {  	_ = 	snop  }
0x5: {  	_ = 	snop  }
0x6: {  	_ = 	snop  }
0x7: {  	_ = 	snop  }
__scs_overlays_trampoline_lowered:
0x8: {  	[smem:$0x3FA2] =	sst s0  }
0x9: {  	[smem:$0x3FA3] =	sst s1  }
0xa: {  	[smem:$0x3FA4] =	sst s2  }
0xb: {  	[smem:$0x3FA5] =	sst s3  }
0xc: {  	[smem:$0x3FA6] =	sst s4  }
0xd: {  	[smem:$0x3FA7] =	sst s5  }
0xe: {  	[smem:$0x3FA8] =	sst s6  }
0xf: {  	[smem:$0x3FA9] =	sst s7  }
0x10: {  	[smem:$0x3FAA] =	sst s8  }
0x11: {  	[smem:$0x3FAB] =	sst s9;
	s0 =	simm.s32 @!p0 $0x0  }
0x12: {  	s1 =	sld [smem:$0x3F91];
	s0 =	simm.s32 @p0 $0x1  }
0x13: {  	[smem:$0x3FAC] =	sst s0;
	s0 =	simm.s32 @!p1 $0x0  }
0x14: {  	s2 =	sld [smem:$0x3F90];
	s0 =	simm.s32 @p1 $0x1  }
0x15: {  	[smem:$0x3FAD] =	sst s0;
	s0 =	simm.s32 @!p2 $0x0  }
0x16: {  	s3 =	sld [smem:$0x3FDB];
	s0 =	simm.s32 @p2 $0x1  }
0x17: {  	s4 =	simm.s32 $0x1BF5;
	[smem:$0x3FAF] =	sst s0  }
0x18: {  	s0 =	sld [smem:$0x3F92];
	_ =	swait.ge [sflag:s4], $0x0  }
0x19: {  	s7 =	sld [smem:$0x3F93]  }
0x1a: {  	s8 =	sadd.s32 $0xFFFFE003, lr  }
0x1b: {  	s9 =	sadd.s32 $0xFFFFFEF7, lr;
	s5 =	simm.s32 $0xFFFFFFFF;
	p2 =	slt.u32 s8, $0xFFFFF086  }
0x1c: {  	p1 =	slt.u32 s9, $0xF7A;
	s5 =	simm.s32 @!p2 $0x0  }
0x1d: {  	s5 =	simm.s32 @p1 $0x1;
	p0 =	seq.s32 s7, s2  }
0x1e: {  	s7 =	smul.u32 @!p0 $0xF7A, s2;
	p2 =	seq.s32 @!p0 s5, $0x0  }
0x1f: {  	s9 =	smul.u32 $0xF7A, s1;
	s8 =	simm.s32 @!p0 $0x1BF5;
	p2 =	por !p2, p0  }
0x20: {  	[sflag:s8] =	ssyncset.s32 @!p0 $0xFFFFF086;
	s6 =	sadd.s32 @!p0 s3, s7;
	s7 =	simm.s32 @!p0 $0x108  }
0x21: {  	s3 =	sadd.s32 s3, s9;
	s6 =	sadd.s32 @!p0 $0x88, s6;
	s7 =	simm.s32 @p2 $0x1082  }
0x22: {  	[simem:s7], [sflag:s8] =	dma.local @!p0 [hbm:s6], $0xF7A  }
0x23: {  	s9 =	sor.u32 $0xD0000000, s2;
	s6 =	simm.s32 $0x108;
	_ =	swait.ge @!p0 [sflag:s8], $0x0  }
0x24: {  	s3 =	sadd.s32 $0x88, s3;
	s6 =	simm.s32 @!p1 $0x1082;
	[sflag:s4] =	ssyncset.s32 $0xFFFFF086  }
0x25: {  	[simem:s6], [sflag:s4] =	dma.local [hbm:s3], $0xF7A  }
0x26: {  	[smem:$0x3F93] =	sst s1;
	(tag) =	ssettag s2;
	_ =	strace s9  }
0x27: {  	s1 =	sld [smem:$0x3FA3]  }
0x28: {  	s2 =	sld [smem:$0x3FA4]  }
0x29: {  	s4 =	sld [smem:$0x3FA6]  }
0x2a: {  	p0 =	seq.s32 s5, $0x0;
	s5 =	sld [smem:$0x3FA7]  }
0x2b: {  	s6 =	sld [smem:$0x3FA8]  }
0x2c: {  	s7 =	sld [smem:$0x3FA9]  }
0x2d: {  	s3 =	simm.s32 $0x108;
	s8 =	sld [smem:$0x3FAA]  }
0x2e: {  	s3 =	simm.s32 @!p0 $0x1082;
	s9 =	sld [smem:$0x3FAB]  }
0x2f: {  	lr =	sadd.s32 s0, s3;
	s0 =	sld [smem:$0x3FA2]  }
0x30: {  	s3 =	sld [smem:$0x3FA5]  }
0x31: {  	[smem:$0x3FAE] =	sst s10  }
0x32: {  	s10 =	sld [smem:$0x3FAC];
	_ =	sdelay $0x3  }
0x33: {  	p0 =	seq.s32 s10, $0x1;
	s10 =	sld [smem:$0x3FAE];
	_ =	sdelay $0x3  }
0x34: {  	[smem:$0x3FAE] =	sst s10  }
0x35: {  	s10 =	sld [smem:$0x3FAD];
	_ =	sdelay $0x3  }
0x36: {  	p1 =	seq.s32 s10, $0x1;
	s10 =	sld [smem:$0x3FAE];
	_ =	sdelay $0x3  }
0x37: {  	[smem:$0x3FAE] =	sst s10  }
0x38: {  	s10 =	sld [smem:$0x3FAF]  }
0x39: {  	_ = 	snop;
	(pc) =	sbr.ind lr, $3  }
0x3a: {  	_ = 	snop  }
0x3b: {  	_ = 	snop  }
0x3c: {  	p2 =	seq.s32 s10, $0x1;
	s10 =	sld [smem:$0x3FAE]  }
0x3d: {  	_ =	shalt  }
0x3e: {  	_ =	shalt  }
0x3f: {  	_ =	shalt  }
0x40: {  	_ =	shalt  }
0x41: {  	_ =	shalt  }
0x42: {  	_ =	shalt  }
0x43: {  	_ =	shalt  }
0x44: {  	_ =	shalt  }
0x45: {  	_ =	shalt  }
0x46: {  	_ =	shalt  }
0x47: {  	_ =	shalt  }
0x48: {  	_ =	shalt  }
0x49: {  	_ =	shalt  }
0x4a: {  	_ =	shalt  }
0x4b: {  	_ =	shalt  }
0x4c: {  	_ =	shalt  }
0x4d: {  	_ =	shalt  }
0x4e: {  	_ =	shalt  }
0x4f: {  	_ =	shalt  }
0x50: {  	_ =	shalt  }
0x51: {  	_ =	shalt  }
0x52: {  	_ =	shalt  }
0x53: {  	_ =	shalt  }
0x54: {  	_ =	shalt  }
0x55: {  	_ =	shalt  }
0x56: {  	_ =	shalt  }
0x57: {  	_ =	shalt  }
0x58: {  	_ =	shalt  }
0x59: {  	_ =	shalt  }
0x5a: {  	_ =	shalt  }
0x5b: {  	_ =	shalt  }
0x5c: {  	_ =	shalt  }
0x5d: {  	_ =	shalt  }
0x5e: {  	_ =	shalt  }
0x5f: {  	_ =	shalt  }
0x60: {  	_ =	shalt  }
0x61: {  	_ =	shalt  }
0x62: {  	_ =	shalt  }
0x63: {  	_ =	shalt  }
0x64: {  	_ =	shalt  }
0x65: {  	_ =	shalt  }
0x66: {  	_ =	shalt  }
0x67: {  	_ =	shalt  }
0x68: {  	_ =	shalt  }
0x69: {  	_ =	shalt  }
0x6a: {  	_ =	shalt  }
0x6b: {  	_ =	shalt  }
0x6c: {  	_ =	shalt  }
0x6d: {  	_ =	shalt  }
0x6e: {  	_ =	shalt  }
0x6f: {  	_ =	shalt  }
0x70: {  	_ =	shalt  }
0x71: {  	_ =	shalt  }
0x72: {  	_ =	shalt  }
0x73: {  	_ =	shalt  }
0x74: {  	_ =	shalt  }
0x75: {  	_ =	shalt  }
0x76: {  	_ =	shalt  }
0x77: {  	_ =	shalt  }
0x78: {  	_ =	shalt  }
0x79: {  	_ =	shalt  }
0x7a: {  	_ =	shalt  }
0x7b: {  	_ =	shalt  }
0x7c: {  	_ =	shalt  }
0x7d: {  	_ =	shalt  }
0x7e: {  	_ =	shalt  }
0x7f: {  	_ =	shalt  }
0x80: {  	_ =	shalt  }
0x81: {  	_ =	shalt  }
0x82: {  	_ =	shalt  }
0x83: {  	_ =	shalt  }
0x84: {  	_ =	shalt  }
0x85: {  	_ =	shalt  }
0x86: {  	_ =	shalt  }
0x87: {  	_ =	shalt  }
.Lfunc_end0:
.L_simem_size_0:
called_computation_lowered:
.L_overlay_start_0:
0x88: {  	s2 =	sld [smem:$0x3FD9]  }
0x89: {  	s3 =	sld [smem:$0x3FFE];
	_ =	sdelay $0x1  }
0x8a: {  	s1 =	srdreg.scid  }
0x8b: {  	s0 =	sand.u32 $0x1, s1  }
0x8c: {  	s17 =	sshll.u32 s0, $0xA;
	s2 =	sadd.s32 s3, s2  }
0x8d: {  	s2 =	sadd.s32 s2, s17  }
0x8e: {  	[smem:$0x3FBA] =	sst s2  }
0x8f: {  	_ = 	snop  }
0x90: {  	(tm) =	ssettm $0x1  }
0x91: {  	s18 =	sld [smem:$0x3FFB];
	_ =	sdelay $0x3  }
0x92: {  	_ =	strace s18  }
0x93: {  	s2 =	sld [smem:$0x3FFC];
	_ =	sdelay $0x3  }
0x94: {  	_ =	strace s2  }
0x95: {  	s2 =	sld [smem:$0x3FFD];
	_ =	sdelay $0x3  }
0x96: {  	_ =	strace s2  }
0x97: {  	_ =	strace $0x8FFFFFFF  }
0x98: {  	s19 =	sld [smem:$0x3FDB];
	_ =	sdelay $0x1  }
0x99: {  	s20 =	simm.s32 $_scs_section_size  }
0x9a: {  	s4 =	simm.s32 $_size__tile_overlayer_lowered;
	s5 =	simm.s32 $_tile_overlayer_lowered  }
0x9b: {  	s6 =	simm.s32 $0x1BFF;
	s21 =	sshll.u32 s5, $0x1;
	s3 =	sadd.s32 s20, s19  }
0x9c: {  	s22 =	simm.s32 $0x0;
	s4 =	sshll.u32 s4, $0x1;
	s5 =	sadd.s32 s21, s3  }
0x9d: {  	[timem:s22], [sflag:s6] =	dma.local [hbm:s5], s4  }
0x9e: {  	_ =	swait.ge [sflag:s6], s4  }
0x9f: {  	s4 =	ssub.s32 $0x0, s4;
	[sflag:s6] =	ssyncset.done $0x0  }
0xa0: {  	[sflag:s6] =	ssyncadd.s32 s4;
	_ =	sdelay $0x1  }
0xa1: {  	s23 =	simm.s32 $0x1B8B  }
0xa2: {  	_ =	swait.ge [sflag:s23], $0x1  }
0xa3: {  	[sflag:s23] =	ssyncset.done $0x0  }
0xa4: {  	[sflag:s23] =	ssyncadd.s32 $0xFFFFFFFF  }
0xa5: {  	s4 =	sld [smem:$0x0]  }
0xa6: {  	s5 =	sand.u32 $0xFFFFFFFE, s1  }
0xa7: {  	p0 =	sne.s32 s1, s5  }
0xa8: {  	s5 =	sshll.u32 @p0 s5, $0xE  }
0xa9: {  	s5 =	sadd.s32 @p0 $0x11B8D, s5;
	s6 =	sshll.u32 @p0 s4, $0x11  }
0xaa: {  	s5 =	sor.u32 @p0 s6, s5  }
0xab: {  	[sflag:s5] =	ssyncadd.remote.s32 @p0 $0x1;
	_ =	sdelay $0x1  }
0xac: {  	s5 =	simm.s32 @p0 $0x1B8D  }
0xad: {  	_ =	swait.eq @p0 [sflag:s5], $0x1  }
0xae: {  	[sflag:s5] =	ssyncadd.s32 @p0 $0xFFFFFFFF  }
0xaf: {  	s6 =	sshll.u32 @!p0 s1, $0xE  }
0xb0: {  	s6 =	sor.u32 @!p0 $0x4000, s6;
	s5 =	simm.s32 @!p0 $0x1B8D  }
0xb1: {  	s4 =	sshll.u32 @!p0 s4, $0x11;
	s6 =	sadd.s32 @!p0 $0x11B8D, s6;
	_ =	swait.eq @!p0 [sflag:s5], $0x1  }
0xb2: {  	s4 =	sor.u32 @!p0 s4, s6;
	[sflag:s5] =	ssyncadd.s32 @!p0 $0xFFFFFFFF  }
0xb3: {  	s25 =	simm.s32 $0x1B8E;
	s24 =	sld [smem:$0x3FFE];
	[sflag:s4] =	ssyncadd.remote.s32 @!p0 $0x1  }
0xb4: {  	s26 =	simm.s32 $execute0_lowered;
	[smem:$0x3FD2] =	sst s25  }
0xb5: {  	s5 =	sshll.u32 s26, $0x1;
	_ =	strace $0x80000049;
	[dreg:$0x1] =	wrdreg $0xFFFFFFFF  }
0xb6: {  	s28 =	simm.s32 $_size_execute0_lowered;
	s3 =	sadd.s32 s3, s5;
	[dreg:$0x0] =	wrdreg $0x0  }
0xb7: {  	s5 =	sshll.u32 s28, $0x1;
	[dreg:$0x2] =	wrdreg s3  }
0xb8: {  	[dreg:$0x3] =	wrdreg s5  }
0xb9: {  	[dreg:$0x4] =	wrdreg $0xC0  }
0xba: {  	_ =	task [dreg:s22], $0x5FFFF  }
0xbb: {  	[dreg:$0x1] =	wrdreg $0xFFFFFFFF  }
0xbc: {  	[dreg:$0x0] =	wrdreg $0x60  }
0xbd: {  	[dreg:$0x2] =	wrdreg s24  }
0xbe: {  	[dreg:$0x3] =	wrdreg $0x68000  }
0xbf: {  	[dreg:$0x4] =	wrdreg $0x9  }
0xc0: {  	_ =	task.clear_ibuf [dreg:s22], $0x5FFFF;
	_ =	strace $0x90000049  }
0xc1: {  	s29 =	simm.s32 $0x9;
	_ =	strace $0x8000004B  }
0xc2: {  	_ =	swait.ge [sflag:s29], $0x1  }
0xc3: {  	[sflag:s29] =	ssyncadd.s32 $0xFFFFFFFF  }
0xc4: {  	_ =	strace $0x9000004B  }
0xc5: {  	_ =	sfence  }
0xc6: {  	s30 =	sld [smem:$0x0];
	_ =	sdelay $0x2  }
0xc7: {  	s31 =	sshll.u32 s1, $0xD;
	s1 =	sshrl.u32 s1, $0x2  }
0xc8: {  	s4 =	sand.u32 $0x4000, s31;
	s1 =	sadd.s32 s1, s30  }
0xc9: {  	s0 =	sor.u32 s4, s0;
	s1 =	sshll.u32 s1, $0x11  }
0xca: {  	s0 =	sor.u32 s1, s0  }
0xcb: {  	s0 =	sadd.s32 $0x8F2B, s0  }
0xcc: {  	[sflag:s0] =	ssyncadd.remote.s32 $0x1  }
0xcd: {  	_ =	sfence.sel $0xFFFF  }
0xce: {  	[dreg:$0x0] =	wrdreg $0xFFFFFFFF;
	(pc) =	sbr.abs _section_cstart, $3  }
0xcf: {  	[dreg:$0x1] =	wrdreg $0xFFFFFFFF  }
0xd0: {  	_ =	task.clear_ibuf [dreg:s22], $0x2FFFF;
	_ =	strace $0x9FFFFFFF  }
0xd1: {  	(tm) =	ssettm $0x7FFFFFFF  }
tec
execute0_lowered:
.L_overlay_start_1:
0x0: {  	(tag) =	ssettag $0x1  }
0x1: {  	s5 =	rddreg [dreg:$0x0]  }
0x2: {  	s2 =	rddreg [dreg:$0x1]  }
0x3: {  	s0 =	rddreg [dreg:$0x2]  }
0x4: {  	s1 =	stileid.u32;
	s4 =	srdreg.scid  }
0x5: {  	s3 =	simm.s32 $0x0;
	s14 =	simm.s32 $0x50;
	s15 =	simm.s32 $0x80  }
0x6: {  	s16 =	simm.s32 $0x100;
	s17 =	simm.s32 $0x180;
	s18 =	simm.s32 $0x1  }
0x7: {  	s20 =	simm.s32 $0x0;
	s6 =	smul.u32 $0x13C00, s1;
	s7 =	sand.u32 $0x1, s4  }
0x8: {  	[smem:$0x7FF] =	sst s3;
	s25 =	sshll.u32 s1, $0xB;
	s28 =	smul.u32 $0x4F000, s1  }
0x9: {  	s4 =	sadd.s32 $0xC0600, s5;
	s19 =	sshll.u32 s1, $0x6;
	s8 =	smul.u32 $0x13C000, s7  }
0xa: {  	_ =	strace $0x8000004A;
	s9 =	sadd.s32 s25, s5;
	s11 =	ssub.s32 $0x2, s7  }
0xb: {  	s31 =	sshll.u32 s7, $0xF;
	s26 =	sshrl.u32 s6, $0x3;
	s29 =	sshrl.u32 s11, $0x1  }
0xc: {  	s30 =	sshrl.u32 s28, $0x2;
	s7 =	sadd.s32 s31, s9;
	s10 =	sadd.s32 s26, s5  }
0xd: {  	s6 =	sadd.s32 s6, s8;
	s11 =	ssub.s32 s11, s29;
	s13 =	sadd.s32 s30, s2  }
0xe: {  	s7 =	sadd.s32 $0xB0600, s7;
	s6 =	sshrl.u32 s6, $0x3;
	s9 =	smax.u32 s11, $0x1  }
0xf: {  	s11 =	simm.s32 $0x3;
	s12 =	sadd.s32 s6, s5;
	s5 =	sadd.s32 $0x39E00, s10  }
0x10: {  	s6 =	sor.u32 $0x1C02, s19;
	s10 =	sshrl.u32 s13, $0x3;
	s13 =	simm.s32 $0x2  }
0x11: {  	s19 =	sor.u32 $0x1C03, s19;
	s8 =	sadd.s32 $0xC0C00, s12;
	s12 =	simm.s32 $0x4000  }
.LBB2_1:
0x12: {  	[spmem:s10], [sflag:s6] =	dma.local [hbm:s5], $0x2780  }
0x13: {  	[tilespmem:s3], [sflag:$0x3] =	stream.linear.gather [hbm4b:s7+s3], $0x3E80, $0x38;
	[tilespmem:$0x1A400] =	vst v63  }
0x14: {  	_ =	swait.ge [sflag:s11], $0x3E80  }
0x15: {  	[sflag:s11] =	ssyncset.done $0x0  }
0x16: {  	[sflag:s11] =	ssyncadd.s32 $0xFFFFC180  }
0x17: {  	[tilespmem:s12], [sflag:$0x3] =	stream.linear.gather [hbm4b:s4+s3], $0x2800, $0x38;
	[tilespmem:$0x1A400] =	vst v63  }
0x18: {  	_ =	swait.ge [sflag:s11], $0x2800  }
0x19: {  	[sflag:s11] =	ssyncset.done $0x0  }
0x1a: {  	[sflag:s11] =	ssyncadd.s32 $0xFFFFD800  }
0x1b: {  	_ =	swait.ge [sflag:s13], $0x2780  }
0x1c: {  	[sflag:s13] =	ssyncset.done $0x0  }
0x1d: {  	[sflag:s13] =	ssyncadd.s32 $0xFFFFD880  }
0x1e: {  	[bflag:$0x0] =	sbarrier.arrive $0xFFFF  }
0x1f: {  	[spmem:s2] =	stream.indirect.scatter.add.f32 [tilespmem:s12], [sflag:$0x1], $0x80, s3, s14, $0xb8;
	[tilespmem:$0x1A400] =	vst v63  }
0x20: {  	_ = 	snop  }
0x21: {  	[spmem:s2] =	stream.indirect.scatter.add.f32 [tilespmem:s12], [sflag:$0x1], $0x80, s15, s14, $0xb8;
	[tilespmem:$0x1A400] =	vst v63  }
0x22: {  	_ = 	snop  }
0x23: {  	[spmem:s2] =	stream.indirect.scatter.add.f32 [tilespmem:s12], [sflag:$0x1], $0x80, s16, s14, $0xb8;
	[tilespmem:$0x1A400] =	vst v63  }
0x24: {  	_ = 	snop  }
0x25: {  	[spmem:s2] =	stream.indirect.scatter.add.f32 [tilespmem:s12], [sflag:$0x1], $0x80, s17, s14, $0xb8;
	[tilespmem:$0x1A400] =	vst v63  }
0x26: {  	s21 =	simm.s32 $0x200  }
0x27: {  	[spmem:s2] =	stream.indirect.scatter.add.f32 [tilespmem:s12], [sflag:$0x1], $0x80, s21, s14, $0xb8;
	[tilespmem:$0x1A400] =	vst v63  }
0x28: {  	_ =	swait.ge [sflag:s18], $0x2800  }
0x29: {  	s21 =	simm.s32 $0xA00;
	[sflag:s18] =	ssyncset.done $0x0  }
.LBB2_2:
0x2a: {  	s22 =	sshra.s32 s21, $0x2;
	[sflag:s18] =	ssyncadd.s32 $0xFFFFD800;
	p0 =	sne.s32 s21, $0xF800  }
0x2b: {  	[spmem:s2] =	stream.indirect.scatter.add.f32 [tilespmem:s12], [sflag:$0x1], $0x80, s22, s14, $0xb8;
	[tilespmem:$0x1A400] =	vst v63  }
.Ltmp0:
0x2c: {  	_ = 	snop;
	(pc) =	sbr.rel @p0 .LBB2_2-.Ltmp0, $4  }
0x2d: {  	_ = 	snop  }
0x2e: {  	s21 =	sadd.s32 $0x200, s21  }
0x2f: {  	_ =	swait.ge [sflag:s18], $0x2800  }
0x30: {  	[sflag:s18] =	ssyncset.done $0x0  }
0x31: {  	[sflag:s18] =	ssyncadd.s32 $0xFFFFD800  }
0x32: {  	_ =	swait.ge [sflag:s18], $0x2800  }
0x33: {  	[sflag:s18] =	ssyncset.done $0x0  }
0x34: {  	[sflag:s18] =	ssyncadd.s32 $0xFFFFD800  }
0x35: {  	_ =	swait.ge [sflag:s18], $0x2800  }
0x36: {  	[sflag:s18] =	ssyncset.done $0x0  }
0x37: {  	[sflag:s18] =	ssyncadd.s32 $0xFFFFD800  }
0x38: {  	_ =	swait.ge [sflag:s18], $0x2800  }
0x39: {  	[sflag:s18] =	ssyncset.done $0x0  }
0x3a: {  	[sflag:s18] =	ssyncadd.s32 $0xFFFFD800  }
0x3b: {  	_ =	swait.ge [sflag:s18], $0x2800  }
0x3c: {  	s20 =	sadd.s32 $0x1, s20;
	[sflag:s18] =	ssyncset.done $0x0  }
0x3d: {  	p0 =	sne.s32 s20, s9;
	[sflag:s18] =	ssyncadd.s32 $0xFFFFD800  }
.Ltmp1:
0x3e: {  	[bflag:$0x0] =	sbarrier.arrive $0xFFFF;
	(pc) =	sbr.rel @p0 .LBB2_1-.Ltmp1, $4  }
0x3f: {  	[hbm:s8], [sflag:s19] =	dma.local [spmem:s10], $0x2780  }
0x40: {  	_ =	swait.ge [sflag:s11], $0x2780  }
0x41: {  	[sflag:s11] =	ssyncset.done $0x0  }
0x42: {  	[sflag:s11] =	ssyncadd.s32 $0xFFFFD880  }
0x43: {  	_ =	sfence.sel $0x180000  }
0x44: {  	[bflag:$0x0] =	sbarrier.arrive $0xFFFF  }
0x45: {  	p0 =	sne.s32 s1, $0x0;
	_ =	strace $0x9000004A  }
0x46: {  	s0 =	sadd.s32 @!p0 $0x100000, s0;
	[bflag:$0x2] =	sbarrier.arrive $0xFFFF  }
0x47: {  	[sflag:s0] =	ssyncadd.tile.s32 @!p0 $0x1;
	_ =	shalt  }
.Lfunc_end2:
_tile_overlayer_lowered:
.L_overlay_start_2:
0x48: {  	(tag) =	ssettag $0x2  }
0x49: {  	s0 =	rddreg [dreg:$0x0];
	s2 =	stileid.u32  }
0x4a: {  	s1 =	rddreg [dreg:$0x1];
	p0 =	sne.s32 s2, $0x0  }
0x4b: {  	s3 =	rddreg [dreg:$0x2];
	[bflag:$0x3] =	sbarrier.arrive $0xFFFF;
	s2 =	simm.s32 @!p0 $0x1C03  }
0x4c: {  	[timem:s3], [sflag:s2] =	dma.local @!p0 [hbm:s0], s1  }
0x4d: {  	s0 =	simm.s32 @!p0 $0x3  }
0x4e: {  	_ =	swait.ge @!p0 [sflag:s0], s1  }
0x4f: {  	s1 =	ssub.s32 @!p0 $0x0, s1;
	[sflag:s0] =	ssyncset.done @!p0 $0x0  }
0x50: {  	[sflag:s0] =	ssyncadd.s32 @!p0 s1  }
0x51: {  	[bflag:$0x3] =	sbarrier.arrive $0xFFFF  }
0x52: {  	_ =	shalt  }

</sc_bundles>
